<compile_context>
chip_gen: v7x
topology: tpu7x:2x2x1
jax: 0.10.2.dev20260603
libtpu: 0.0.44.dev20260713+nightly
codegen_flags: <defaults>
</compile_context>

<pallas_src>
import functools

import jax
import jax.numpy as jnp
from jax import lax
from jax.experimental import pallas as pl
from jax.experimental.pallas import tpu as pltpu
from jax.experimental.pallas import tpu_sc as plsc

VOCAB = 100000
EMBED = 256
BATCH = 4096
HIST = 200
NW = 32
ROWS_PER_W = BATCH // NW
G = ROWS_PER_W // 16
BLK = 4096
CHROWS = 8
NCHUNK = HIST // CHROWS


def _rowmean_pack_body(pt_ref, ct_ref, tab_ref):
    pm = jnp.mean(pt_ref[...], axis=1, keepdims=True)
    cm = jnp.mean(ct_ref[...], axis=1, keepdims=True)
    pm16 = lax.bitcast_convert_type(pm.astype(jnp.bfloat16), jnp.uint16)
    cm16 = lax.bitcast_convert_type(cm.astype(jnp.bfloat16), jnp.uint16)
    word = (pm16.astype(jnp.uint32) << 16) | cm16.astype(jnp.uint32)
    tab_ref[...] = lax.bitcast_convert_type(word, jnp.int32)[:, 0]


def _packed_rowmeans(paragraph_table, context_table):
    spec_in = pl.BlockSpec((BLK, EMBED), lambda i: (i, 0))
    spec_out = pl.BlockSpec((BLK,), lambda i: (i,))
    tab = pl.pallas_call(
        _rowmean_pack_body,
        grid=(pl.cdiv(VOCAB, BLK),),
        in_specs=[spec_in, spec_in],
        out_specs=spec_out,
        out_shape=jax.ShapeDtypeStruct((VOCAB,), jnp.int32),
    )(paragraph_table, context_table)
    return tab


def _sc_gather_softmax(tab, pidx_t, cidx_t):
    mesh = plsc.VectorSubcoreMesh(core_axis_name="c", subcore_axis_name="s")
    hi_mask = jnp.int32(-65536)

    @functools.partial(
        pl.kernel,
        out_type=jax.ShapeDtypeStruct((NW * HIST, ROWS_PER_W), jnp.float32),
        mesh=mesh,
        scratch_types=[
            pltpu.VMEM((VOCAB,), jnp.int32),
            pltpu.VMEM((2, CHROWS, ROWS_PER_W), jnp.int32),
            pltpu.VMEM((2, CHROWS, ROWS_PER_W), jnp.int32),
            pltpu.VMEM((HIST, ROWS_PER_W), jnp.float32),
            pltpu.SemaphoreType.DMA,
            pltpu.SemaphoreType.DMA,
            pltpu.SemaphoreType.DMA,
        ],
        compiler_params=pltpu.CompilerParams(needs_layout_passes=False),
    )
    def k(tab_hbm, pidx_hbm, cidx_hbm, out_hbm,
          tab_v, pidx_c, cidx_c, vv, sem_t, sem_p, sem_c):
        nc = lax.axis_size("c")
        wid = lax.axis_index("s") * nc + lax.axis_index("c")
        base = wid * HIST

        pltpu.make_async_copy(tab_hbm, tab_v, sem_t).start()

        def issue(ci, bd):
            pltpu.make_async_copy(
                pidx_hbm.at[pl.ds(base + ci * CHROWS, CHROWS)],
                pidx_c.at[bd], sem_p).start()
            pltpu.make_async_copy(
                cidx_hbm.at[pl.ds(base + ci * CHROWS, CHROWS)],
                cidx_c.at[bd], sem_c).start()

        issue(0, 0)
        pltpu.make_async_copy(tab_hbm, tab_v, sem_t).wait()

        def chunk(ci, c):
            bd = lax.rem(ci, 2)

            @pl.when(ci + 1 < NCHUNK)
            def _():
                issue(ci + 1, lax.rem(ci + 1, 2))

            pltpu.make_async_copy(
                pidx_hbm.at[pl.ds(base, CHROWS)], pidx_c.at[0], sem_p).wait()
            pltpu.make_async_copy(
                cidx_hbm.at[pl.ds(base, CHROWS)], cidx_c.at[0], sem_c).wait()

            l0 = ci * CHROWS
            for r in range(CHROWS):
                for g in range(G):
                    sl = pl.ds(16 * g, 16)
                    wp = plsc.load_gather(tab_v, [pidx_c[bd, r, sl]])
                    wc = plsc.load_gather(tab_v, [cidx_c[bd, r, sl]])
                    vp = plsc.bitcast(wp & hi_mask, jnp.float32)
                    vc = plsc.bitcast(wc << 16, jnp.float32)
                    vv[l0 + r, sl] = vp + vc
            return c

        lax.fori_loop(0, NCHUNK, chunk, 0)

        def pass_exp(l, vs):
            new = []
            for g in range(G):
                sl = pl.ds(16 * g, 16)
                e = jnp.exp(vv[l, sl])
                vv[l, sl] = e
                new.append(vs[g] + e)
            return tuple(new)

        vs = lax.fori_loop(
            0, HIST, pass_exp,
            tuple(jnp.zeros((16,), jnp.float32) for _ in range(G)))

        inv = tuple(1.0 / vs[g] for g in range(G))

        def pass_norm(l, c):
            for g in range(G):
                sl = pl.ds(16 * g, 16)
                vv[l, sl] = vv[l, sl] * inv[g]
            return c

        lax.fori_loop(0, HIST, pass_norm, 0)
        pltpu.sync_copy(vv, out_hbm.at[pl.ds(base, HIST)])

    return k(tab, pidx_t, cidx_t)


def _to_lb(idx2d):
    return (idx2d.reshape(NW, ROWS_PER_W, HIST)
            .transpose(0, 2, 1)
            .reshape(NW * HIST, ROWS_PER_W))


def kernel(inputs, paragraph_table, context_table):
    tab = _packed_rowmeans(paragraph_table, context_table)
    pidx_t = _to_lb(inputs[:, 0].astype(jnp.int32))
    cidx_t = _to_lb(inputs[:, 1].astype(jnp.int32))
    out_t = _sc_gather_softmax(tab, pidx_t, cidx_t)
    out = (out_t.reshape(NW, HIST, ROWS_PER_W)
           .transpose(0, 2, 1)
           .reshape(BATCH, HIST))
    return out[:, None, :]

# --- scband reference (transcript-rebuilt; emitter-appended) ---
"""Pipeline reference for scband-doc2-vec-60301340836496 (READ-ONLY COPY).

The authoritative reference and input builder live on the scoring server;
editing this copy changes nothing except your own understanding.
"""

import jax, jax.numpy as jnp
import numpy as np

VOCAB = 100000
EMBED = 256
BATCH = 4096
HIST = 200

def setup_inputs(seed: int = 0) -> dict:
    key = jax.random.key(seed)
    k1, k2, k3 = jax.random.split(key, 3)
    inputs = jax.random.randint(k1, (BATCH, 2, HIST), 0, VOCAB, dtype=jnp.int64 if jax.config.jax_enable_x64 else jnp.int32)
    paragraph_table = jax.random.normal(k2, (VOCAB, EMBED), dtype=jnp.float32) * 0.05
    context_table = jax.random.normal(k3, (VOCAB, EMBED), dtype=jnp.float32) * 0.05
    return {"inputs": inputs, "paragraph_table": paragraph_table, "context_table": context_table}

def reference(inputs, paragraph_table, context_table):
    # inputs: [B, 2, L] int; paragraph = inputs[:, 0], context = inputs[:, 1]
    paragraph = inputs[:, 0]
    context = inputs[:, 1]
    # Embedding lookups -> [B, L, EMBED]
    paragraph_embedding = jnp.take(paragraph_table, paragraph, axis=0)
    context_embedding = jnp.take(context_table, context, axis=0)
    # reduce_mean over embedding axis (axis=2) -> [B, L]
    reduced = jnp.mean(paragraph_embedding + context_embedding, axis=2)
    # expand_dims axis=1 -> [B, 1, L]
    reduced = jnp.expand_dims(reduced, axis=1)
    # keras Softmax defaults to last axis
    return jax.nn.softmax(reduced, axis=-1)

if __name__ == "__main__":
    import jax
    _d = setup_inputs()
    print(jax.jit(kernel)(*tuple(_d.values())))

</pallas_src>

<mosaic_0001>
#map = affine_map<(d0, d1) -> (0)>
#map1 = affine_map<(d0, d1) -> (0, 0)>
module attributes {stable_mosaic.version = 14 : i64} {
  func.func @_rewritten_body(%arg0: i32, %arg1: i32, %arg2: memref<100000xi32, #tpu.memory_space<hbm>>, %arg3: memref<6400x128xi32, #tpu.memory_space<hbm>>, %arg4: memref<6400x128xi32, #tpu.memory_space<hbm>>, %arg5: memref<1xi32, #tpu.memory_space<hbm>>, %arg6: memref<6400x128xf32, #tpu.memory_space<hbm>>, %arg7: memref<100000xi32, #tpu.memory_space<vmem>>, %arg8: memref<2x8x128xi32, #tpu.memory_space<vmem>>, %arg9: memref<2x8x128xi32, #tpu.memory_space<vmem>>, %arg10: memref<200x128xf32, #tpu.memory_space<vmem>>, %arg11: memref<!tpu.dma_semaphore, #tpu.memory_space<semaphore_mem>>, %arg12: memref<!tpu.dma_semaphore, #tpu.memory_space<semaphore_mem>>, %arg13: memref<!tpu.dma_semaphore, #tpu.memory_space<semaphore_mem>>) attributes {dimension_semantics = [#tpu.dimension_semantics<core_parallel>, #tpu.dimension_semantics<subcore_parallel>], iteration_bounds = array<i64: 2, 16>, scalar_prefetch = 0 : i64, scratch_operands = 7 : i64, tpu.core_type = #tpu.core_type<sc_vector_subcore>, window_params = [{transform_indices = #map}, {transform_indices = #map1}, {transform_indices = #map1}, {transform_indices = #map}, {transform_indices = #map1}]} {
    %empty_ref3A = memref.alloca() : memref<16xi32, #tpu.memory_space<vmem>>
    "tpu.region"() ({
      %run_scoped3A = tpu.sem_alloc : memref<!tpu.dma_semaphore, #tpu.memory_space<semaphore_mem>>
      %dma_start3A_88 = arith.constant 0 : i32
      %dma_start3A_89 = tpu.memref_slice %empty_ref3A[%dma_start3A_88] : memref<16xi32, #tpu.memory_space<vmem>> -> memref<1xi32, #tpu.memory_space<vmem>>
      %dma_start3A_90 = arith.constant 0 : i32
      %dma_start3A_91 = tpu.memref_slice %empty_ref3A[%dma_start3A_90] : memref<16xi32, #tpu.memory_space<vmem>> -> memref<1xi32, #tpu.memory_space<vmem>>
      tpu.enqueue_dma source(%arg5 : memref<1xi32, #tpu.memory_space<hbm>>) target(%dma_start3A_91 : memref<1xi32, #tpu.memory_space<vmem>>) target_semaphore(%run_scoped3A : memref<!tpu.dma_semaphore, #tpu.memory_space<semaphore_mem>>)
      %dma_wait3A = arith.constant 0 : i32
      %dma_wait3A_92 = tpu.memref_slice %empty_ref3A[%dma_wait3A] : memref<16xi32, #tpu.memory_space<vmem>> -> memref<1xi32, #tpu.memory_space<vmem>>
      %dma_wait3A_93 = arith.constant 0 : i32
      %dma_wait3A_94 = tpu.memref_slice %empty_ref3A[%dma_wait3A_93] : memref<16xi32, #tpu.memory_space<vmem>> -> memref<1xi32, #tpu.memory_space<vmem>>
      tpu.wait_dma2 semaphore(%run_scoped3A : memref<!tpu.dma_semaphore, #tpu.memory_space<semaphore_mem>>) src(%arg5 : memref<1xi32, #tpu.memory_space<hbm>>) dst(%dma_wait3A_94 : memref<1xi32, #tpu.memory_space<vmem>>)
      tpu.yield
    }) : () -> ()
    %get3A = arith.constant 0 : index
    %get3A_0 = tpu.vector_load %empty_ref3A[%get3A] {strides = array<i32>} : memref<16xi32, #tpu.memory_space<vmem>>, vector<16xi32>,
    %slice3A = vector.extract_strided_slice %get3A_0 {offsets = [0], sizes = [1], strides = [1]} : vector<16xi32> to vector<1xi32>
    %squeeze3A = vector.extract %slice3A[0] : i32 from vector<1xi32>
    %mul3A = arith.constant 2 : i32
    %mul3A_1 = arith.muli %arg1, %mul3A : i32
    %add3A = arith.addi %mul3A_1, %arg0 : i32
    %mul3A_2 = arith.constant 200 : i32
    %mul3A_3 = arith.muli %add3A, %mul3A_2 : i32
    tpu.enqueue_dma source(%arg2 : memref<100000xi32, #tpu.memory_space<hbm>>) target(%arg7 : memref<100000xi32, #tpu.memory_space<vmem>>) target_semaphore(%arg11 : memref<!tpu.dma_semaphore, #tpu.memory_space<semaphore_mem>>)
    %add3A_4 = arith.constant 0 : i32
    %add3A_5 = arith.addi %mul3A_3, %add3A_4 : i32
    %dma_start3A = arith.constant 0 : i32
    %dma_start3A_6 = arith.constant 0 : i32
    %dma_start3A_7 = arith.constant 0 : i32
    %dma_start3A_8 = tpu.memref_slice %arg8[%dma_start3A, %dma_start3A_6, %dma_start3A_7] : memref<2x8x128xi32, #tpu.memory_space<vmem>> -> memref<1x8x128xi32, #tpu.memory_space<vmem>>
    %dma_start3A_9 = tpu.memref_squeeze %dma_start3A_8 : memref<1x8x128xi32, #tpu.memory_space<vmem>> -> memref<8x128xi32, #tpu.memory_space<vmem>>
    %dma_start3A_10 = arith.constant 0 : i32
    %dma_start3A_11 = tpu.memref_slice %arg3[%add3A_5, %dma_start3A_10] : memref<6400x128xi32, #tpu.memory_space<hbm>> -> memref<8x128xi32, #tpu.memory_space<hbm>>
    %dma_start3A_12 = arith.constant 0 : i32
    %dma_start3A_13 = arith.constant 0 : i32
    %dma_start3A_14 = tpu.memref_slice %arg8[%dma_start3A, %dma_start3A_12, %dma_start3A_13] : memref<2x8x128xi32, #tpu.memory_space<vmem>> -> memref<1x8x128xi32, #tpu.memory_space<vmem>>
    %dma_start3A_15 = tpu.memref_squeeze %dma_start3A_14 : memref<1x8x128xi32, #tpu.memory_space<vmem>> -> memref<8x128xi32, #tpu.memory_space<vmem>>
    %dma_start3A_16 = arith.constant 0 : i32
    %dma_start3A_17 = tpu.memref_slice %arg3[%add3A_5, %dma_start3A_16] : memref<6400x128xi32, #tpu.memory_space<hbm>> -> memref<8x128xi32, #tpu.memory_space<hbm>>
    tpu.enqueue_dma source(%dma_start3A_17 : memref<8x128xi32, #tpu.memory_space<hbm>>) target(%dma_start3A_15 : memref<8x128xi32, #tpu.memory_space<vmem>>) target_semaphore(%arg12 : memref<!tpu.dma_semaphore, #tpu.memory_space<semaphore_mem>>)
    %add3A_18 = arith.constant 0 : i32
    %add3A_19 = arith.addi %mul3A_3, %add3A_18 : i32
    %dma_start3A_20 = arith.constant 0 : i32
    %dma_start3A_21 = arith.constant 0 : i32
    %dma_start3A_22 = arith.constant 0 : i32
    %dma_start3A_23 = tpu.memref_slice %arg9[%dma_start3A_20, %dma_start3A_21, %dma_start3A_22] : memref<2x8x128xi32, #tpu.memory_space<vmem>> -> memref<1x8x128xi32, #tpu.memory_space<vmem>>
    %dma_start3A_24 = tpu.memref_squeeze %dma_start3A_23 : memref<1x8x128xi32, #tpu.memory_space<vmem>> -> memref<8x128xi32, #tpu.memory_space<vmem>>
    %dma_start3A_25 = arith.constant 0 : i32
    %dma_start3A_26 = tpu.memref_slice %arg4[%add3A_19, %dma_start3A_25] : memref<6400x128xi32, #tpu.memory_space<hbm>> -> memref<8x128xi32, #tpu.memory_space<hbm>>
    %dma_start3A_27 = arith.constant 0 : i32
    %dma_start3A_28 = arith.constant 0 : i32
    %dma_start3A_29 = tpu.memref_slice %arg9[%dma_start3A_20, %dma_start3A_27, %dma_start3A_28] : memref<2x8x128xi32, #tpu.memory_space<vmem>> -> memref<1x8x128xi32, #tpu.memory_space<vmem>>
    %dma_start3A_30 = tpu.memref_squeeze %dma_start3A_29 : memref<1x8x128xi32, #tpu.memory_space<vmem>> -> memref<8x128xi32, #tpu.memory_space<vmem>>
    %dma_start3A_31 = arith.constant 0 : i32
    %dma_start3A_32 = tpu.memref_slice %arg4[%add3A_19, %dma_start3A_31] : memref<6400x128xi32, #tpu.memory_space<hbm>> -> memref<8x128xi32, #tpu.memory_space<hbm>>
    tpu.enqueue_dma source(%dma_start3A_32 : memref<8x128xi32, #tpu.memory_space<hbm>>) target(%dma_start3A_30 : memref<8x128xi32, #tpu.memory_space<vmem>>) target_semaphore(%arg13 : memref<!tpu.dma_semaphore, #tpu.memory_space<semaphore_mem>>)
    tpu.wait_dma2 semaphore(%arg11 : memref<!tpu.dma_semaphore, #tpu.memory_space<semaphore_mem>>) src(%arg2 : memref<100000xi32, #tpu.memory_space<hbm>>) dst(%arg7 : memref<100000xi32, #tpu.memory_space<vmem>>)
    %scan3A = arith.constant 0 : i32
    %scan3A_33 = arith.constant 0 : i32
    %scan3A_34 = arith.constant 25 : i32
    %scan3A_35 = arith.addi %scan3A_33, %scan3A_34 : i32
    %scan3A_36 = arith.constant 1 : i32
    scf.for %scan3A_88 = %scan3A_33 to %scan3A_35 step %scan3A_36  : i32 {
      %rem3A = arith.constant 2 : i32
      %rem3A_89 = arith.remsi %scan3A_88, %rem3A : i32
      %add3A_90 = arith.constant 1 : i32
      %add3A_91 = arith.addi %scan3A_88, %add3A_90 : i32
      %lt3A = arith.constant 25 : i32
      %lt3A_92 = arith.cmpi slt, %add3A_91, %lt3A : i32
      %convert_element_type3A = arith.extui %lt3A_92 : i1 to i32
      %cond3A = arith.constant 0 : i32
      %cond3A_93 = arith.cmpi ne, %convert_element_type3A, %cond3A : i32
      scf.if %cond3A_93 {
        %add3A_1716 = arith.constant 1 : i32
        %add3A_1717 = arith.addi %scan3A_88, %add3A_1716 : i32
        %add3A_1718 = arith.constant 1 : i32
        %add3A_1719 = arith.addi %scan3A_88, %add3A_1718 : i32
        %rem3A_1720 = arith.constant 2 : i32
        %rem3A_1721 = arith.remsi %add3A_1719, %rem3A_1720 : i32
        %mul3A_1722 = arith.constant 8 : i32
        %mul3A_1723 = arith.muli %add3A_1717, %mul3A_1722 : i32
        %add3A_1724 = arith.addi %mul3A_3, %mul3A_1723 : i32
        %dma_start3A_1725 = arith.constant 0 : i32
        %dma_start3A_1726 = arith.constant 0 : i32
        %dma_start3A_1727 = tpu.memref_slice %arg8[%rem3A_1721, %dma_start3A_1725, %dma_start3A_1726] : memref<2x8x128xi32, #tpu.memory_space<vmem>> -> memref<1x8x128xi32, #tpu.memory_space<vmem>>
        %dma_start3A_1728 = tpu.memref_squeeze %dma_start3A_1727 : memref<1x8x128xi32, #tpu.memory_space<vmem>> -> memref<8x128xi32, #tpu.memory_space<vmem>>
        %dma_start3A_1729 = arith.constant 0 : i32
        %dma_start3A_1730 = tpu.memref_slice %arg3[%add3A_1724, %dma_start3A_1729] : memref<6400x128xi32, #tpu.memory_space<hbm>> -> memref<8x128xi32, #tpu.memory_space<hbm>>
        %dma_start3A_1731 = arith.constant 0 : i32
        %dma_start3A_1732 = arith.constant 0 : i32
        %dma_start3A_1733 = tpu.memref_slice %arg8[%rem3A_1721, %dma_start3A_1731, %dma_start3A_1732] : memref<2x8x128xi32, #tpu.memory_space<vmem>> -> memref<1x8x128xi32, #tpu.memory_space<vmem>>
        %dma_start3A_1734 = tpu.memref_squeeze %dma_start3A_1733 : memref<1x8x128xi32, #tpu.memory_space<vmem>> -> memref<8x128xi32, #tpu.memory_space<vmem>>
        %dma_start3A_1735 = arith.constant 0 : i32
        %dma_start3A_1736 = tpu.memref_slice %arg3[%add3A_1724, %dma_start3A_1735] : memref<6400x128xi32, #tpu.memory_space<hbm>> -> memref<8x128xi32, #tpu.memory_space<hbm>>
        tpu.enqueue_dma source(%dma_start3A_1736 : memref<8x128xi32, #tpu.memory_space<hbm>>) target(%dma_start3A_1734 : memref<8x128xi32, #tpu.memory_space<vmem>>) target_semaphore(%arg12 : memref<!tpu.dma_semaphore, #tpu.memory_space<semaphore_mem>>)
        %mul3A_1737 = arith.constant 8 : i32
        %mul3A_1738 = arith.muli %add3A_1717, %mul3A_1737 : i32
        %add3A_1739 = arith.addi %mul3A_3, %mul3A_1738 : i32
        %dma_start3A_1740 = arith.constant 0 : i32
        %dma_start3A_1741 = arith.constant 0 : i32
        %dma_start3A_1742 = tpu.memref_slice %arg9[%rem3A_1721, %dma_start3A_1740, %dma_start3A_1741] : memref<2x8x128xi32, #tpu.memory_space<vmem>> -> memref<1x8x128xi32, #tpu.memory_space<vmem>>
        %dma_start3A_1743 = tpu.memref_squeeze %dma_start3A_1742 : memref<1x8x128xi32, #tpu.memory_space<vmem>> -> memref<8x128xi32, #tpu.memory_space<vmem>>
        %dma_start3A_1744 = arith.constant 0 : i32
        %dma_start3A_1745 = tpu.memref_slice %arg4[%add3A_1739, %dma_start3A_1744] : memref<6400x128xi32, #tpu.memory_space<hbm>> -> memref<8x128xi32, #tpu.memory_space<hbm>>
        %dma_start3A_1746 = arith.constant 0 : i32
        %dma_start3A_1747 = arith.constant 0 : i32
        %dma_start3A_1748 = tpu.memref_slice %arg9[%rem3A_1721, %dma_start3A_1746, %dma_start3A_1747] : memref<2x8x128xi32, #tpu.memory_space<vmem>> -> memref<1x8x128xi32, #tpu.memory_space<vmem>>
        %dma_start3A_1749 = tpu.memref_squeeze %dma_start3A_1748 : memref<1x8x128xi32, #tpu.memory_space<vmem>> -> memref<8x128xi32, #tpu.memory_space<vmem>>
        %dma_start3A_1750 = arith.constant 0 : i32
        %dma_start3A_1751 = tpu.memref_slice %arg4[%add3A_1739, %dma_start3A_1750] : memref<6400x128xi32, #tpu.memory_space<hbm>> -> memref<8x128xi32, #tpu.memory_space<hbm>>
        tpu.enqueue_dma source(%dma_start3A_1751 : memref<8x128xi32, #tpu.memory_space<hbm>>) target(%dma_start3A_1749 : memref<8x128xi32, #tpu.memory_space<vmem>>) target_semaphore(%arg13 : memref<!tpu.dma_semaphore, #tpu.memory_space<semaphore_mem>>)
      } else {
      }
      %dma_wait3A = arith.constant 0 : i32
      %dma_wait3A_94 = arith.constant 0 : i32
      %dma_wait3A_95 = arith.constant 0 : i32
      %dma_wait3A_96 = tpu.memref_slice %arg8[%dma_wait3A, %dma_wait3A_94, %dma_wait3A_95] : memref<2x8x128xi32, #tpu.memory_space<vmem>> -> memref<1x8x128xi32, #tpu.memory_space<vmem>>
      %dma_wait3A_97 = tpu.memref_squeeze %dma_wait3A_96 : memref<1x8x128xi32, #tpu.memory_space<vmem>> -> memref<8x128xi32, #tpu.memory_space<vmem>>
      %dma_wait3A_98 = arith.constant 0 : i32
      %dma_wait3A_99 = tpu.memref_slice %arg3[%mul3A_3, %dma_wait3A_98] : memref<6400x128xi32, #tpu.memory_space<hbm>> -> memref<8x128xi32, #tpu.memory_space<hbm>>
      %dma_wait3A_100 = arith.constant 0 : i32
      %dma_wait3A_101 = arith.constant 0 : i32
      %dma_wait3A_102 = tpu.memref_slice %arg8[%dma_wait3A, %dma_wait3A_100, %dma_wait3A_101] : memref<2x8x128xi32, #tpu.memory_space<vmem>> -> memref<1x8x128xi32, #tpu.memory_space<vmem>>
      %dma_wait3A_103 = tpu.memref_squeeze %dma_wait3A_102 : memref<1x8x128xi32, #tpu.memory_space<vmem>> -> memref<8x128xi32, #tpu.memory_space<vmem>>
      %dma_wait3A_104 = arith.constant 0 : i32
      %dma_wait3A_105 = tpu.memref_slice %arg3[%mul3A_3, %dma_wait3A_104] : memref<6400x128xi32, #tpu.memory_space<hbm>> -> memref<8x128xi32, #tpu.memory_space<hbm>>
      tpu.wait_dma2 semaphore(%arg12 : memref<!tpu.dma_semaphore, #tpu.memory_space<semaphore_mem>>) src(%dma_wait3A_105 : memref<8x128xi32, #tpu.memory_space<hbm>>) dst(%dma_wait3A_103 : memref<8x128xi32, #tpu.memory_space<vmem>>)
      %dma_wait3A_106 = arith.constant 0 : i32
      %dma_wait3A_107 = arith.constant 0 : i32
      %dma_wait3A_108 = arith.constant 0 : i32
      %dma_wait3A_109 = tpu.memref_slice %arg9[%dma_wait3A_106, %dma_wait3A_107, %dma_wait3A_108] : memref<2x8x128xi32, #tpu.memory_space<vmem>> -> memref<1x8x128xi32, #tpu.memory_space<vmem>>
      %dma_wait3A_110 = tpu.memref_squeeze %dma_wait3A_109 : memref<1x8x128xi32, #tpu.memory_space<vmem>> -> memref<8x128xi32, #tpu.memory_space<vmem>>
      %dma_wait3A_111 = arith.constant 0 : i32
      %dma_wait3A_112 = tpu.memref_slice %arg4[%mul3A_3, %dma_wait3A_111] : memref<6400x128xi32, #tpu.memory_space<hbm>> -> memref<8x128xi32, #tpu.memory_space<hbm>>
      %dma_wait3A_113 = arith.constant 0 : i32
      %dma_wait3A_114 = arith.constant 0 : i32
      %dma_wait3A_115 = tpu.memref_slice %arg9[%dma_wait3A_106, %dma_wait3A_113, %dma_wait3A_114] : memref<2x8x128xi32, #tpu.memory_space<vmem>> -> memref<1x8x128xi32, #tpu.memory_space<vmem>>
      %dma_wait3A_116 = tpu.memref_squeeze %dma_wait3A_115 : memref<1x8x128xi32, #tpu.memory_space<vmem>> -> memref<8x128xi32, #tpu.memory_space<vmem>>
      %dma_wait3A_117 = arith.constant 0 : i32
      %dma_wait3A_118 = tpu.memref_slice %arg4[%mul3A_3, %dma_wait3A_117] : memref<6400x128xi32, #tpu.memory_space<hbm>> -> memref<8x128xi32, #tpu.memory_space<hbm>>
      tpu.wait_dma2 semaphore(%arg13 : memref<!tpu.dma_semaphore, #tpu.memory_space<semaphore_mem>>) src(%dma_wait3A_118 : memref<8x128xi32, #tpu.memory_space<hbm>>) dst(%dma_wait3A_116 : memref<8x128xi32, #tpu.memory_space<vmem>>)
      %mul3A_119 = arith.constant 8 : i32
      %mul3A_120 = arith.muli %scan3A_88, %mul3A_119 : i32
      %get3A_121 = arith.constant 0 : i32
      %get3A_122 = arith.index_cast %rem3A_89 : i32 to index
      %get3A_123 = arith.index_cast %get3A_121 : i32 to index
      %get3A_124 = arith.constant 0 : index
      %get3A_125 = tpu.vector_load %arg8[%get3A_122, %get3A_123, %get3A_124] {strides = array<i32>} : memref<2x8x128xi32, #tpu.memory_space<vmem>>, vector<16xi32>,
      %gather3A = tpu.vector_load_idx %arg7[%get3A_125] : memref<100000xi32, #tpu.memory_space<vmem>>[vector<16xi32>], vector<16xi32>,
      %get3A_126 = arith.constant 0 : i32
      %get3A_127 = arith.index_cast %rem3A_89 : i32 to index
      %get3A_128 = arith.index_cast %get3A_126 : i32 to index
      %get3A_129 = arith.constant 0 : index
      %get3A_130 = tpu.vector_load %arg9[%get3A_127, %get3A_128, %get3A_129] {strides = array<i32>} : memref<2x8x128xi32, #tpu.memory_space<vmem>>, vector<16xi32>,
      %gather3A_131 = tpu.vector_load_idx %arg7[%get3A_130] : memref<100000xi32, #tpu.memory_space<vmem>>[vector<16xi32>], vector<16xi32>,
      %and3A = vector.broadcast %squeeze3A : i32 to vector<16xi32>
      %and3A_132 = arith.andi %gather3A, %and3A : vector<16xi32>
      %bitcast3A = vector.bitcast %and3A_132 : vector<16xi32> to vector<16xf32>
      %shift_left3A = arith.constant 16 : i32
      %shift_left3A_133 = vector.broadcast %shift_left3A : i32 to vector<16xi32>
      %shift_left3A_134 = arith.shli %gather3A_131, %shift_left3A_133 : vector<16xi32>
      %bitcast3A_135 = vector.bitcast %shift_left3A_134 : vector<16xi32> to vector<16xf32>
      %add3A_136 = arith.addf %bitcast3A, %bitcast3A_135 : vector<16xf32>
      %add3A_137 = arith.constant 0 : i32
      %add3A_138 = arith.addi %mul3A_120, %add3A_137 : i32
      %swap3A = arith.index_cast %add3A_138 : i32 to index
      %swap3A_139 = arith.constant 0 : index
      %swap3A_140 = tpu.vector_load %arg10[%swap3A, %swap3A_139] {strides = array<i32>} : memref<200x128xf32, #tpu.memory_space<vmem>>, vector<16xf32>,
      tpu.vector_store %arg10[%swap3A, %swap3A_139], %add3A_136 {strides = array<i32>} : memref<200x128xf32, #tpu.memory_space<vmem>>, vector<16xf32>,
      %get3A_141 = arith.constant 0 : i32
      %get3A_142 = arith.index_cast %rem3A_89 : i32 to index
      %get3A_143 = arith.index_cast %get3A_141 : i32 to index
      %get3A_144 = arith.constant 16 : index
      %get3A_145 = tpu.vector_load %arg8[%get3A_142, %get3A_143, %get3A_144] {strides = array<i32>} : memref<2x8x128xi32, #tpu.memory_space<vmem>>, vector<16xi32>,
      %gather3A_146 = tpu.vector_load_idx %arg7[%get3A_145] : memref<100000xi32, #tpu.memory_space<vmem>>[vector<16xi32>], vector<16xi32>,
      %get3A_147 = arith.constant 0 : i32
      %get3A_148 = arith.index_cast %rem3A_89 : i32 to index
      %get3A_149 = arith.index_cast %get3A_147 : i32 to index
      %get3A_150 = arith.constant 16 : index
      %get3A_151 = tpu.vector_load %arg9[%get3A_148, %get3A_149, %get3A_150] {strides = array<i32>} : memref<2x8x128xi32, #tpu.memory_space<vmem>>, vector<16xi32>,
      %gather3A_152 = tpu.vector_load_idx %arg7[%get3A_151] : memref<100000xi32, #tpu.memory_space<vmem>>[vector<16xi32>], vector<16xi32>,
      %and3A_153 = vector.broadcast %squeeze3A : i32 to vector<16xi32>
      %and3A_154 = arith.andi %gather3A_146, %and3A_153 : vector<16xi32>
      %bitcast3A_155 = vector.bitcast %and3A_154 : vector<16xi32> to vector<16xf32>
      %shift_left3A_156 = arith.constant 16 : i32
      %shift_left3A_157 = vector.broadcast %shift_left3A_156 : i32 to vector<16xi32>
      %shift_left3A_158 = arith.shli %gather3A_152, %shift_left3A_157 : vector<16xi32>
      %bitcast3A_159 = vector.bitcast %shift_left3A_158 : vector<16xi32> to vector<16xf32>
      %add3A_160 = arith.addf %bitcast3A_155, %bitcast3A_159 : vector<16xf32>
      %add3A_161 = arith.constant 0 : i32
      %add3A_162 = arith.addi %mul3A_120, %add3A_161 : i32
      %swap3A_163 = arith.index_cast %add3A_162 : i32 to index
      %swap3A_164 = arith.constant 16 : index
      %swap3A_165 = tpu.vector_load %arg10[%swap3A_163, %swap3A_164] {strides = array<i32>} : memref<200x128xf32, #tpu.memory_space<vmem>>, vector<16xf32>,
      tpu.vector_store %arg10[%swap3A_163, %swap3A_164], %add3A_160 {strides = array<i32>} : memref<200x128xf32, #tpu.memory_space<vmem>>, vector<16xf32>,
      %get3A_166 = arith.constant 0 : i32
      %get3A_167 = arith.index_cast %rem3A_89 : i32 to index
      %get3A_168 = arith.index_cast %get3A_166 : i32 to index
      %get3A_169 = arith.constant 32 : index
      %get3A_170 = tpu.vector_load %arg8[%get3A_167, %get3A_168, %get3A_169] {strides = array<i32>} : memref<2x8x128xi32, #tpu.memory_space<vmem>>, vector<16xi32>,
      %gather3A_171 = tpu.vector_load_idx %arg7[%get3A_170] : memref<100000xi32, #tpu.memory_space<vmem>>[vector<16xi32>], vector<16xi32>,
      %get3A_172 = arith.constant 0 : i32
      %get3A_173 = arith.index_cast %rem3A_89 : i32 to index
      %get3A_174 = arith.index_cast %get3A_172 : i32 to index
      %get3A_175 = arith.constant 32 : index
      %get3A_176 = tpu.vector_load %arg9[%get3A_173, %get3A_174, %get3A_175] {strides = array<i32>} : memref<2x8x128xi32, #tpu.memory_space<vmem>>, vector<16xi32>,
      %gather3A_177 = tpu.vector_load_idx %arg7[%get3A_176] : memref<100000xi32, #tpu.memory_space<vmem>>[vector<16xi32>], vector<16xi32>,
      %and3A_178 = vector.broadcast %squeeze3A : i32 to vector<16xi32>
      %and3A_179 = arith.andi %gather3A_171, %and3A_178 : vector<16xi32>
      %bitcast3A_180 = vector.bitcast %and3A_179 : vector<16xi32> to vector<16xf32>
      %shift_left3A_181 = arith.constant 16 : i32
      %shift_left3A_182 = vector.broadcast %shift_left3A_181 : i32 to vector<16xi32>
      %shift_left3A_183 = arith.shli %gather3A_177, %shift_left3A_182 : vector<16xi32>
      %bitcast3A_184 = vector.bitcast %shift_left3A_183 : vector<16xi32> to vector<16xf32>
      %add3A_185 = arith.addf %bitcast3A_180, %bitcast3A_184 : vector<16xf32>
      %add3A_186 = arith.constant 0 : i32
      %add3A_187 = arith.addi %mul3A_120, %add3A_186 : i32
      %swap3A_188 = arith.index_cast %add3A_187 : i32 to index
      %swap3A_189 = arith.constant 32 : index
      %swap3A_190 = tpu.vector_load %arg10[%swap3A_188, %swap3A_189] {strides = array<i32>} : memref<200x128xf32, #tpu.memory_space<vmem>>, vector<16xf32>,
      tpu.vector_store %arg10[%swap3A_188, %swap3A_189], %add3A_185 {strides = array<i32>} : memref<200x128xf32, #tpu.memory_space<vmem>>, vector<16xf32>,
      %get3A_191 = arith.constant 0 : i32
      %get3A_192 = arith.index_cast %rem3A_89 : i32 to index
      %get3A_193 = arith.index_cast %get3A_191 : i32 to index
      %get3A_194 = arith.constant 48 : index
      %get3A_195 = tpu.vector_load %arg8[%get3A_192, %get3A_193, %get3A_194] {strides = array<i32>} : memref<2x8x128xi32, #tpu.memory_space<vmem>>, vector<16xi32>,
      %gather3A_196 = tpu.vector_load_idx %arg7[%get3A_195] : memref<100000xi32, #tpu.memory_space<vmem>>[vector<16xi32>], vector<16xi32>,
      %get3A_197 = arith.constant 0 : i32
      %get3A_198 = arith.index_cast %rem3A_89 : i32 to index
      %get3A_199 = arith.index_cast %get3A_197 : i32 to index
      %get3A_200 = arith.constant 48 : index
      %get3A_201 = tpu.vector_load %arg9[%get3A_198, %get3A_199, %get3A_200] {strides = array<i32>} : memref<2x8x128xi32, #tpu.memory_space<vmem>>, vector<16xi32>,
      %gather3A_202 = tpu.vector_load_idx %arg7[%get3A_201] : memref<100000xi32, #tpu.memory_space<vmem>>[vector<16xi32>], vector<16xi32>,
      %and3A_203 = vector.broadcast %squeeze3A : i32 to vector<16xi32>
      %and3A_204 = arith.andi %gather3A_196, %and3A_203 : vector<16xi32>
      %bitcast3A_205 = vector.bitcast %and3A_204 : vector<16xi32> to vector<16xf32>
      %shift_left3A_206 = arith.constant 16 : i32
      %shift_left3A_207 = vector.broadcast %shift_left3A_206 : i32 to vector<16xi32>
      %shift_left3A_208 = arith.shli %gather3A_202, %shift_left3A_207 : vector<16xi32>
      %bitcast3A_209 = vector.bitcast %shift_left3A_208 : vector<16xi32> to vector<16xf32>
      %add3A_210 = arith.addf %bitcast3A_205, %bitcast3A_209 : vector<16xf32>
      %add3A_211 = arith.constant 0 : i32
      %add3A_212 = arith.addi %mul3A_120, %add3A_211 : i32
      %swap3A_213 = arith.index_cast %add3A_212 : i32 to index
      %swap3A_214 = arith.constant 48 : index
      %swap3A_215 = tpu.vector_load %arg10[%swap3A_213, %swap3A_214] {strides = array<i32>} : memref<200x128xf32, #tpu.memory_space<vmem>>, vector<16xf32>,
      tpu.vector_store %arg10[%swap3A_213, %swap3A_214], %add3A_210 {strides = array<i32>} : memref<200x128xf32, #tpu.memory_space<vmem>>, vector<16xf32>,
      %get3A_216 = arith.constant 0 : i32
      %get3A_217 = arith.index_cast %rem3A_89 : i32 to index
      %get3A_218 = arith.index_cast %get3A_216 : i32 to index
      %get3A_219 = arith.constant 64 : index
      %get3A_220 = tpu.vector_load %arg8[%get3A_217, %get3A_218, %get3A_219] {strides = array<i32>} : memref<2x8x128xi32, #tpu.memory_space<vmem>>, vector<16xi32>,
      %gather3A_221 = tpu.vector_load_idx %arg7[%get3A_220] : memref<100000xi32, #tpu.memory_space<vmem>>[vector<16xi32>], vector<16xi32>,
      %get3A_222 = arith.constant 0 : i32
      %get3A_223 = arith.index_cast %rem3A_89 : i32 to index
      %get3A_224 = arith.index_cast %get3A_222 : i32 to index
      %get3A_225 = arith.constant 64 : index
      %get3A_226 = tpu.vector_load %arg9[%get3A_223, %get3A_224, %get3A_225] {strides = array<i32>} : memref<2x8x128xi32, #tpu.memory_space<vmem>>, vector<16xi32>,
      %gather3A_227 = tpu.vector_load_idx %arg7[%get3A_226] : memref<100000xi32, #tpu.memory_space<vmem>>[vector<16xi32>], vector<16xi32>,
      %and3A_228 = vector.broadcast %squeeze3A : i32 to vector<16xi32>
      %and3A_229 = arith.andi %gather3A_221, %and3A_228 : vector<16xi32>
      %bitcast3A_230 = vector.bitcast %and3A_229 : vector<16xi32> to vector<16xf32>
      %shift_left3A_231 = arith.constant 16 : i32
      %shift_left3A_232 = vector.broadcast %shift_left3A_231 : i32 to vector<16xi32>
      %shift_left3A_233 = arith.shli %gather3A_227, %shift_left3A_232 : vector<16xi32>
      %bitcast3A_234 = vector.bitcast %shift_left3A_233 : vector<16xi32> to vector<16xf32>
      %add3A_235 = arith.addf %bitcast3A_230, %bitcast3A_234 : vector<16xf32>
      %add3A_236 = arith.constant 0 : i32
      %add3A_237 = arith.addi %mul3A_120, %add3A_236 : i32
      %swap3A_238 = arith.index_cast %add3A_237 : i32 to index
      %swap3A_239 = arith.constant 64 : index
      %swap3A_240 = tpu.vector_load %arg10[%swap3A_238, %swap3A_239] {strides = array<i32>} : memref<200x128xf32, #tpu.memory_space<vmem>>, vector<16xf32>,
      tpu.vector_store %arg10[%swap3A_238, %swap3A_239], %add3A_235 {strides = array<i32>} : memref<200x128xf32, #tpu.memory_space<vmem>>, vector<16xf32>,
      %get3A_241 = arith.constant 0 : i32
      %get3A_242 = arith.index_cast %rem3A_89 : i32 to index
      %get3A_243 = arith.index_cast %get3A_241 : i32 to index
      %get3A_244 = arith.constant 80 : index
      %get3A_245 = tpu.vector_load %arg8[%get3A_242, %get3A_243, %get3A_244] {strides = array<i32>} : memref<2x8x128xi32, #tpu.memory_space<vmem>>, vector<16xi32>,
      %gather3A_246 = tpu.vector_load_idx %arg7[%get3A_245] : memref<100000xi32, #tpu.memory_space<vmem>>[vector<16xi32>], vector<16xi32>,
      %get3A_247 = arith.constant 0 : i32
      %get3A_248 = arith.index_cast %rem3A_89 : i32 to index
      %get3A_249 = arith.index_cast %get3A_247 : i32 to index
      %get3A_250 = arith.constant 80 : index
      %get3A_251 = tpu.vector_load %arg9[%get3A_248, %get3A_249, %get3A_250] {strides = array<i32>} : memref<2x8x128xi32, #tpu.memory_space<vmem>>, vector<16xi32>,
      %gather3A_252 = tpu.vector_load_idx %arg7[%get3A_251] : memref<100000xi32, #tpu.memory_space<vmem>>[vector<16xi32>], vector<16xi32>,
      %and3A_253 = vector.broadcast %squeeze3A : i32 to vector<16xi32>
      %and3A_254 = arith.andi %gather3A_246, %and3A_253 : vector<16xi32>
      %bitcast3A_255 = vector.bitcast %and3A_254 : vector<16xi32> to vector<16xf32>
      %shift_left3A_256 = arith.constant 16 : i32
      %shift_left3A_257 = vector.broadcast %shift_left3A_256 : i32 to vector<16xi32>
      %shift_left3A_258 = arith.shli %gather3A_252, %shift_left3A_257 : vector<16xi32>
      %bitcast3A_259 = vector.bitcast %shift_left3A_258 : vector<16xi32> to vector<16xf32>
      %add3A_260 = arith.addf %bitcast3A_255, %bitcast3A_259 : vector<16xf32>
      %add3A_261 = arith.constant 0 : i32
      %add3A_262 = arith.addi %mul3A_120, %add3A_261 : i32
      %swap3A_263 = arith.index_cast %add3A_262 : i32 to index
      %swap3A_264 = arith.constant 80 : index
      %swap3A_265 = tpu.vector_load %arg10[%swap3A_263, %swap3A_264] {strides = array<i32>} : memref<200x128xf32, #tpu.memory_space<vmem>>, vector<16xf32>,
      tpu.vector_store %arg10[%swap3A_263, %swap3A_264], %add3A_260 {strides = array<i32>} : memref<200x128xf32, #tpu.memory_space<vmem>>, vector<16xf32>,
      %get3A_266 = arith.constant 0 : i32
      %get3A_267 = arith.index_cast %rem3A_89 : i32 to index
      %get3A_268 = arith.index_cast %get3A_266 : i32 to index
      %get3A_269 = arith.constant 96 : index
      %get3A_270 = tpu.vector_load %arg8[%get3A_267, %get3A_268, %get3A_269] {strides = array<i32>} : memref<2x8x128xi32, #tpu.memory_space<vmem>>, vector<16xi32>,
      %gather3A_271 = tpu.vector_load_idx %arg7[%get3A_270] : memref<100000xi32, #tpu.memory_space<vmem>>[vector<16xi32>], vector<16xi32>,
      %get3A_272 = arith.constant 0 : i32
      %get3A_273 = arith.index_cast %rem3A_89 : i32 to index
      %get3A_274 = arith.index_cast %get3A_272 : i32 to index
      %get3A_275 = arith.constant 96 : index
      %get3A_276 = tpu.vector_load %arg9[%get3A_273, %get3A_274, %get3A_275] {strides = array<i32>} : memref<2x8x128xi32, #tpu.memory_space<vmem>>, vector<16xi32>,
      %gather3A_277 = tpu.vector_load_idx %arg7[%get3A_276] : memref<100000xi32, #tpu.memory_space<vmem>>[vector<16xi32>], vector<16xi32>,
      %and3A_278 = vector.broadcast %squeeze3A : i32 to vector<16xi32>
      %and3A_279 = arith.andi %gather3A_271, %and3A_278 : vector<16xi32>
      %bitcast3A_280 = vector.bitcast %and3A_279 : vector<16xi32> to vector<16xf32>
      %shift_left3A_281 = arith.constant 16 : i32
      %shift_left3A_282 = vector.broadcast %shift_left3A_281 : i32 to vector<16xi32>
      %shift_left3A_283 = arith.shli %gather3A_277, %shift_left3A_282 : vector<16xi32>
      %bitcast3A_284 = vector.bitcast %shift_left3A_283 : vector<16xi32> to vector<16xf32>
      %add3A_285 = arith.addf %bitcast3A_280, %bitcast3A_284 : vector<16xf32>
      %add3A_286 = arith.constant 0 : i32
      %add3A_287 = arith.addi %mul3A_120, %add3A_286 : i32
      %swap3A_288 = arith.index_cast %add3A_287 : i32 to index
      %swap3A_289 = arith.constant 96 : index
      %swap3A_290 = tpu.vector_load %arg10[%swap3A_288, %swap3A_289] {strides = array<i32>} : memref<200x128xf32, #tpu.memory_space<vmem>>, vector<16xf32>,
      tpu.vector_store %arg10[%swap3A_288, %swap3A_289], %add3A_285 {strides = array<i32>} : memref<200x128xf32, #tpu.memory_space<vmem>>, vector<16xf32>,
      %get3A_291 = arith.constant 0 : i32
      %get3A_292 = arith.index_cast %rem3A_89 : i32 to index
      %get3A_293 = arith.index_cast %get3A_291 : i32 to index
      %get3A_294 = arith.constant 112 : index
      %get3A_295 = tpu.vector_load %arg8[%get3A_292, %get3A_293, %get3A_294] {strides = array<i32>} : memref<2x8x128xi32, #tpu.memory_space<vmem>>, vector<16xi32>,
      %gather3A_296 = tpu.vector_load_idx %arg7[%get3A_295] : memref<100000xi32, #tpu.memory_space<vmem>>[vector<16xi32>], vector<16xi32>,
      %get3A_297 = arith.constant 0 : i32
      %get3A_298 = arith.index_cast %rem3A_89 : i32 to index
      %get3A_299 = arith.index_cast %get3A_297 : i32 to index
      %get3A_300 = arith.constant 112 : index
      %get3A_301 = tpu.vector_load %arg9[%get3A_298, %get3A_299, %get3A_300] {strides = array<i32>} : memref<2x8x128xi32, #tpu.memory_space<vmem>>, vector<16xi32>,
      %gather3A_302 = tpu.vector_load_idx %arg7[%get3A_301] : memref<100000xi32, #tpu.memory_space<vmem>>[vector<16xi32>], vector<16xi32>,
      %and3A_303 = vector.broadcast %squeeze3A : i32 to vector<16xi32>
      %and3A_304 = arith.andi %gather3A_296, %and3A_303 : vector<16xi32>
      %bitcast3A_305 = vector.bitcast %and3A_304 : vector<16xi32> to vector<16xf32>
      %shift_left3A_306 = arith.constant 16 : i32
      %shift_left3A_307 = vector.broadcast %shift_left3A_306 : i32 to vector<16xi32>
      %shift_left3A_308 = arith.shli %gather3A_302, %shift_left3A_307 : vector<16xi32>
      %bitcast3A_309 = vector.bitcast %shift_left3A_308 : vector<16xi32> to vector<16xf32>
      %add3A_310 = arith.addf %bitcast3A_305, %bitcast3A_309 : vector<16xf32>
      %add3A_311 = arith.constant 0 : i32
      %add3A_312 = arith.addi %mul3A_120, %add3A_311 : i32
      %swap3A_313 = arith.index_cast %add3A_312 : i32 to index
      %swap3A_314 = arith.constant 112 : index
      %swap3A_315 = tpu.vector_load %arg10[%swap3A_313, %swap3A_314] {strides = array<i32>} : memref<200x128xf32, #tpu.memory_space<vmem>>, vector<16xf32>,
      tpu.vector_store %arg10[%swap3A_313, %swap3A_314], %add3A_310 {strides = array<i32>} : memref<200x128xf32, #tpu.memory_space<vmem>>, vector<16xf32>,
      %get3A_316 = arith.constant 1 : i32
      %get3A_317 = arith.index_cast %rem3A_89 : i32 to index
      %get3A_318 = arith.index_cast %get3A_316 : i32 to index
      %get3A_319 = arith.constant 0 : index
      %get3A_320 = tpu.vector_load %arg8[%get3A_317, %get3A_318, %get3A_319] {strides = array<i32>} : memref<2x8x128xi32, #tpu.memory_space<vmem>>, vector<16xi32>,
      %gather3A_321 = tpu.vector_load_idx %arg7[%get3A_320] : memref<100000xi32, #tpu.memory_space<vmem>>[vector<16xi32>], vector<16xi32>,
      %get3A_322 = arith.constant 1 : i32
      %get3A_323 = arith.index_cast %rem3A_89 : i32 to index
      %get3A_324 = arith.index_cast %get3A_322 : i32 to index
      %get3A_325 = arith.constant 0 : index
      %get3A_326 = tpu.vector_load %arg9[%get3A_323, %get3A_324, %get3A_325] {strides = array<i32>} : memref<2x8x128xi32, #tpu.memory_space<vmem>>, vector<16xi32>,
      %gather3A_327 = tpu.vector_load_idx %arg7[%get3A_326] : memref<100000xi32, #tpu.memory_space<vmem>>[vector<16xi32>], vector<16xi32>,
      %and3A_328 = vector.broadcast %squeeze3A : i32 to vector<16xi32>
      %and3A_329 = arith.andi %gather3A_321, %and3A_328 : vector<16xi32>
      %bitcast3A_330 = vector.bitcast %and3A_329 : vector<16xi32> to vector<16xf32>
      %shift_left3A_331 = arith.constant 16 : i32
      %shift_left3A_332 = vector.broadcast %shift_left3A_331 : i32 to vector<16xi32>
      %shift_left3A_333 = arith.shli %gather3A_327, %shift_left3A_332 : vector<16xi32>
      %bitcast3A_334 = vector.bitcast %shift_left3A_333 : vector<16xi32> to vector<16xf32>
      %add3A_335 = arith.addf %bitcast3A_330, %bitcast3A_334 : vector<16xf32>
      %add3A_336 = arith.constant 1 : i32
      %add3A_337 = arith.addi %mul3A_120, %add3A_336 : i32
      %swap3A_338 = arith.index_cast %add3A_337 : i32 to index
      %swap3A_339 = arith.constant 0 : index
      %swap3A_340 = tpu.vector_load %arg10[%swap3A_338, %swap3A_339] {strides = array<i32>} : memref<200x128xf32, #tpu.memory_space<vmem>>, vector<16xf32>,
      tpu.vector_store %arg10[%swap3A_338, %swap3A_339], %add3A_335 {strides = array<i32>} : memref<200x128xf32, #tpu.memory_space<vmem>>, vector<16xf32>,
      %get3A_341 = arith.constant 1 : i32
      %get3A_342 = arith.index_cast %rem3A_89 : i32 to index
      %get3A_343 = arith.index_cast %get3A_341 : i32 to index
      %get3A_344 = arith.constant 16 : index
      %get3A_345 = tpu.vector_load %arg8[%get3A_342, %get3A_343, %get3A_344] {strides = array<i32>} : memref<2x8x128xi32, #tpu.memory_space<vmem>>, vector<16xi32>,
      %gather3A_346 = tpu.vector_load_idx %arg7[%get3A_345] : memref<100000xi32, #tpu.memory_space<vmem>>[vector<16xi32>], vector<16xi32>,
      %get3A_347 = arith.constant 1 : i32
      %get3A_348 = arith.index_cast %rem3A_89 : i32 to index
      %get3A_349 = arith.index_cast %get3A_347 : i32 to index
      %get3A_350 = arith.constant 16 : index
      %get3A_351 = tpu.vector_load %arg9[%get3A_348, %get3A_349, %get3A_350] {strides = array<i32>} : memref<2x8x128xi32, #tpu.memory_space<vmem>>, vector<16xi32>,
      %gather3A_352 = tpu.vector_load_idx %arg7[%get3A_351] : memref<100000xi32, #tpu.memory_space<vmem>>[vector<16xi32>], vector<16xi32>,
      %and3A_353 = vector.broadcast %squeeze3A : i32 to vector<16xi32>
      %and3A_354 = arith.andi %gather3A_346, %and3A_353 : vector<16xi32>
      %bitcast3A_355 = vector.bitcast %and3A_354 : vector<16xi32> to vector<16xf32>
      %shift_left3A_356 = arith.constant 16 : i32
      %shift_left3A_357 = vector.broadcast %shift_left3A_356 : i32 to vector<16xi32>
      %shift_left3A_358 = arith.shli %gather3A_352, %shift_left3A_357 : vector<16xi32>
      %bitcast3A_359 = vector.bitcast %shift_left3A_358 : vector<16xi32> to vector<16xf32>
      %add3A_360 = arith.addf %bitcast3A_355, %bitcast3A_359 : vector<16xf32>
      %add3A_361 = arith.constant 1 : i32
      %add3A_362 = arith.addi %mul3A_120, %add3A_361 : i32
      %swap3A_363 = arith.index_cast %add3A_362 : i32 to index
      %swap3A_364 = arith.constant 16 : index
      %swap3A_365 = tpu.vector_load %arg10[%swap3A_363, %swap3A_364] {strides = array<i32>} : memref<200x128xf32, #tpu.memory_space<vmem>>, vector<16xf32>,
      tpu.vector_store %arg10[%swap3A_363, %swap3A_364], %add3A_360 {strides = array<i32>} : memref<200x128xf32, #tpu.memory_space<vmem>>, vector<16xf32>,
      %get3A_366 = arith.constant 1 : i32
      %get3A_367 = arith.index_cast %rem3A_89 : i32 to index
      %get3A_368 = arith.index_cast %get3A_366 : i32 to index
      %get3A_369 = arith.constant 32 : index
      %get3A_370 = tpu.vector_load %arg8[%get3A_367, %get3A_368, %get3A_369] {strides = array<i32>} : memref<2x8x128xi32, #tpu.memory_space<vmem>>, vector<16xi32>,
      %gather3A_371 = tpu.vector_load_idx %arg7[%get3A_370] : memref<100000xi32, #tpu.memory_space<vmem>>[vector<16xi32>], vector<16xi32>,
      %get3A_372 = arith.constant 1 : i32
      %get3A_373 = arith.index_cast %rem3A_89 : i32 to index
      %get3A_374 = arith.index_cast %get3A_372 : i32 to index
      %get3A_375 = arith.constant 32 : index
      %get3A_376 = tpu.vector_load %arg9[%get3A_373, %get3A_374, %get3A_375] {strides = array<i32>} : memref<2x8x128xi32, #tpu.memory_space<vmem>>, vector<16xi32>,
      %gather3A_377 = tpu.vector_load_idx %arg7[%get3A_376] : memref<100000xi32, #tpu.memory_space<vmem>>[vector<16xi32>], vector<16xi32>,
      %and3A_378 = vector.broadcast %squeeze3A : i32 to vector<16xi32>
      %and3A_379 = arith.andi %gather3A_371, %and3A_378 : vector<16xi32>
      %bitcast3A_380 = vector.bitcast %and3A_379 : vector<16xi32> to vector<16xf32>
      %shift_left3A_381 = arith.constant 16 : i32
      %shift_left3A_382 = vector.broadcast %shift_left3A_381 : i32 to vector<16xi32>
      %shift_left3A_383 = arith.shli %gather3A_377, %shift_left3A_382 : vector<16xi32>
      %bitcast3A_384 = vector.bitcast %shift_left3A_383 : vector<16xi32> to vector<16xf32>
      %add3A_385 = arith.addf %bitcast3A_380, %bitcast3A_384 : vector<16xf32>
      %add3A_386 = arith.constant 1 : i32
      %add3A_387 = arith.addi %mul3A_120, %add3A_386 : i32
      %swap3A_388 = arith.index_cast %add3A_387 : i32 to index
      %swap3A_389 = arith.constant 32 : index
      %swap3A_390 = tpu.vector_load %arg10[%swap3A_388, %swap3A_389] {strides = array<i32>} : memref<200x128xf32, #tpu.memory_space<vmem>>, vector<16xf32>,
      tpu.vector_store %arg10[%swap3A_388, %swap3A_389], %add3A_385 {strides = array<i32>} : memref<200x128xf32, #tpu.memory_space<vmem>>, vector<16xf32>,
      %get3A_391 = arith.constant 1 : i32
      %get3A_392 = arith.index_cast %rem3A_89 : i32 to index
      %get3A_393 = arith.index_cast %get3A_391 : i32 to index
      %get3A_394 = arith.constant 48 : index
      %get3A_395 = tpu.vector_load %arg8[%get3A_392, %get3A_393, %get3A_394] {strides = array<i32>} : memref<2x8x128xi32, #tpu.memory_space<vmem>>, vector<16xi32>,
      %gather3A_396 = tpu.vector_load_idx %arg7[%get3A_395] : memref<100000xi32, #tpu.memory_space<vmem>>[vector<16xi32>], vector<16xi32>,
      %get3A_397 = arith.constant 1 : i32
      %get3A_398 = arith.index_cast %rem3A_89 : i32 to index
      %get3A_399 = arith.index_cast %get3A_397 : i32 to index
      %get3A_400 = arith.constant 48 : index
      %get3A_401 = tpu.vector_load %arg9[%get3A_398, %get3A_399, %get3A_400] {strides = array<i32>} : memref<2x8x128xi32, #tpu.memory_space<vmem>>, vector<16xi32>,
      %gather3A_402 = tpu.vector_load_idx %arg7[%get3A_401] : memref<100000xi32, #tpu.memory_space<vmem>>[vector<16xi32>], vector<16xi32>,
      %and3A_403 = vector.broadcast %squeeze3A : i32 to vector<16xi32>
      %and3A_404 = arith.andi %gather3A_396, %and3A_403 : vector<16xi32>
      %bitcast3A_405 = vector.bitcast %and3A_404 : vector<16xi32> to vector<16xf32>
      %shift_left3A_406 = arith.constant 16 : i32
      %shift_left3A_407 = vector.broadcast %shift_left3A_406 : i32 to vector<16xi32>
      %shift_left3A_408 = arith.shli %gather3A_402, %shift_left3A_407 : vector<16xi32>
      %bitcast3A_409 = vector.bitcast %shift_left3A_408 : vector<16xi32> to vector<16xf32>
      %add3A_410 = arith.addf %bitcast3A_405, %bitcast3A_409 : vector<16xf32>
      %add3A_411 = arith.constant 1 : i32
      %add3A_412 = arith.addi %mul3A_120, %add3A_411 : i32
      %swap3A_413 = arith.index_cast %add3A_412 : i32 to index
      %swap3A_414 = arith.constant 48 : index
      %swap3A_415 = tpu.vector_load %arg10[%swap3A_413, %swap3A_414] {strides = array<i32>} : memref<200x128xf32, #tpu.memory_space<vmem>>, vector<16xf32>,
      tpu.vector_store %arg10[%swap3A_413, %swap3A_414], %add3A_410 {strides = array<i32>} : memref<200x128xf32, #tpu.memory_space<vmem>>, vector<16xf32>,
      %get3A_416 = arith.constant 1 : i32
      %get3A_417 = arith.index_cast %rem3A_89 : i32 to index
      %get3A_418 = arith.index_cast %get3A_416 : i32 to index
      %get3A_419 = arith.constant 64 : index
      %get3A_420 = tpu.vector_load %arg8[%get3A_417, %get3A_418, %get3A_419] {strides = array<i32>} : memref<2x8x128xi32, #tpu.memory_space<vmem>>, vector<16xi32>,
      %gather3A_421 = tpu.vector_load_idx %arg7[%get3A_420] : memref<100000xi32, #tpu.memory_space<vmem>>[vector<16xi32>], vector<16xi32>,
      %get3A_422 = arith.constant 1 : i32
      %get3A_423 = arith.index_cast %rem3A_89 : i32 to index
      %get3A_424 = arith.index_cast %get3A_422 : i32 to index
      %get3A_425 = arith.constant 64 : index
      %get3A_426 = tpu.vector_load %arg9[%get3A_423, %get3A_424, %get3A_425] {strides = array<i32>} : memref<2x8x128xi32, #tpu.memory_space<vmem>>, vector<16xi32>,
      %gather3A_427 = tpu.vector_load_idx %arg7[%get3A_426] : memref<100000xi32, #tpu.memory_space<vmem>>[vector<16xi32>], vector<16xi32>,
      %and3A_428 = vector.broadcast %squeeze3A : i32 to vector<16xi32>
      %and3A_429 = arith.andi %gather3A_421, %and3A_428 : vector<16xi32>
      %bitcast3A_430 = vector.bitcast %and3A_429 : vector<16xi32> to vector<16xf32>
      %shift_left3A_431 = arith.constant 16 : i32
      %shift_left3A_432 = vector.broadcast %shift_left3A_431 : i32 to vector<16xi32>
      %shift_left3A_433 = arith.shli %gather3A_427, %shift_left3A_432 : vector<16xi32>
      %bitcast3A_434 = vector.bitcast %shift_left3A_433 : vector<16xi32> to vector<16xf32>
      %add3A_435 = arith.addf %bitcast3A_430, %bitcast3A_434 : vector<16xf32>
      %add3A_436 = arith.constant 1 : i32
      %add3A_437 = arith.addi %mul3A_120, %add3A_436 : i32
      %swap3A_438 = arith.index_cast %add3A_437 : i32 to index
      %swap3A_439 = arith.constant 64 : index
      %swap3A_440 = tpu.vector_load %arg10[%swap3A_438, %swap3A_439] {strides = array<i32>} : memref<200x128xf32, #tpu.memory_space<vmem>>, vector<16xf32>,
      tpu.vector_store %arg10[%swap3A_438, %swap3A_439], %add3A_435 {strides = array<i32>} : memref<200x128xf32, #tpu.memory_space<vmem>>, vector<16xf32>,
      %get3A_441 = arith.constant 1 : i32
      %get3A_442 = arith.index_cast %rem3A_89 : i32 to index
      %get3A_443 = arith.index_cast %get3A_441 : i32 to index
      %get3A_444 = arith.constant 80 : index
      %get3A_445 = tpu.vector_load %arg8[%get3A_442, %get3A_443, %get3A_444] {strides = array<i32>} : memref<2x8x128xi32, #tpu.memory_space<vmem>>, vector<16xi32>,
      %gather3A_446 = tpu.vector_load_idx %arg7[%get3A_445] : memref<100000xi32, #tpu.memory_space<vmem>>[vector<16xi32>], vector<16xi32>,
      %get3A_447 = arith.constant 1 : i32
      %get3A_448 = arith.index_cast %rem3A_89 : i32 to index
      %get3A_449 = arith.index_cast %get3A_447 : i32 to index
      %get3A_450 = arith.constant 80 : index
      %get3A_451 = tpu.vector_load %arg9[%get3A_448, %get3A_449, %get3A_450] {strides = array<i32>} : memref<2x8x128xi32, #tpu.memory_space<vmem>>, vector<16xi32>,
      %gather3A_452 = tpu.vector_load_idx %arg7[%get3A_451] : memref<100000xi32, #tpu.memory_space<vmem>>[vector<16xi32>], vector<16xi32>,
      %and3A_453 = vector.broadcast %squeeze3A : i32 to vector<16xi32>
      %and3A_454 = arith.andi %gather3A_446, %and3A_453 : vector<16xi32>
      %bitcast3A_455 = vector.bitcast %and3A_454 : vector<16xi32> to vector<16xf32>
      %shift_left3A_456 = arith.constant 16 : i32
      %shift_left3A_457 = vector.broadcast %shift_left3A_456 : i32 to vector<16xi32>
      %shift_left3A_458 = arith.shli %gather3A_452, %shift_left3A_457 : vector<16xi32>
      %bitcast3A_459 = vector.bitcast %shift_left3A_458 : vector<16xi32> to vector<16xf32>
      %add3A_460 = arith.addf %bitcast3A_455, %bitcast3A_459 : vector<16xf32>
      %add3A_461 = arith.constant 1 : i32
      %add3A_462 = arith.addi %mul3A_120, %add3A_461 : i32
      %swap3A_463 = arith.index_cast %add3A_462 : i32 to index
      %swap3A_464 = arith.constant 80 : index
      %swap3A_465 = tpu.vector_load %arg10[%swap3A_463, %swap3A_464] {strides = array<i32>} : memref<200x128xf32, #tpu.memory_space<vmem>>, vector<16xf32>,
      tpu.vector_store %arg10[%swap3A_463, %swap3A_464], %add3A_460 {strides = array<i32>} : memref<200x128xf32, #tpu.memory_space<vmem>>, vector<16xf32>,
      %get3A_466 = arith.constant 1 : i32
      %get3A_467 = arith.index_cast %rem3A_89 : i32 to index
      %get3A_468 = arith.index_cast %get3A_466 : i32 to index
      %get3A_469 = arith.constant 96 : index
      %get3A_470 = tpu.vector_load %arg8[%get3A_467, %get3A_468, %get3A_469] {strides = array<i32>} : memref<2x8x128xi32, #tpu.memory_space<vmem>>, vector<16xi32>,
      %gather3A_471 = tpu.vector_load_idx %arg7[%get3A_470] : memref<100000xi32, #tpu.memory_space<vmem>>[vector<16xi32>], vector<16xi32>,
      %get3A_472 = arith.constant 1 : i32
      %get3A_473 = arith.index_cast %rem3A_89 : i32 to index
      %get3A_474 = arith.index_cast %get3A_472 : i32 to index
      %get3A_475 = arith.constant 96 : index
      %get3A_476 = tpu.vector_load %arg9[%get3A_473, %get3A_474, %get3A_475] {strides = array<i32>} : memref<2x8x128xi32, #tpu.memory_space<vmem>>, vector<16xi32>,
      %gather3A_477 = tpu.vector_load_idx %arg7[%get3A_476] : memref<100000xi32, #tpu.memory_space<vmem>>[vector<16xi32>], vector<16xi32>,
      %and3A_478 = vector.broadcast %squeeze3A : i32 to vector<16xi32>
      %and3A_479 = arith.andi %gather3A_471, %and3A_478 : vector<16xi32>
      %bitcast3A_480 = vector.bitcast %and3A_479 : vector<16xi32> to vector<16xf32>
      %shift_left3A_481 = arith.constant 16 : i32
      %shift_left3A_482 = vector.broadcast %shift_left3A_481 : i32 to vector<16xi32>
      %shift_left3A_483 = arith.shli %gather3A_477, %shift_left3A_482 : vector<16xi32>
      %bitcast3A_484 = vector.bitcast %shift_left3A_483 : vector<16xi32> to vector<16xf32>
      %add3A_485 = arith.addf %bitcast3A_480, %bitcast3A_484 : vector<16xf32>
      %add3A_486 = arith.constant 1 : i32
      %add3A_487 = arith.addi %mul3A_120, %add3A_486 : i32
      %swap3A_488 = arith.index_cast %add3A_487 : i32 to index
      %swap3A_489 = arith.constant 96 : index
      %swap3A_490 = tpu.vector_load %arg10[%swap3A_488, %swap3A_489] {strides = array<i32>} : memref<200x128xf32, #tpu.memory_space<vmem>>, vector<16xf32>,
      tpu.vector_store %arg10[%swap3A_488, %swap3A_489], %add3A_485 {strides = array<i32>} : memref<200x128xf32, #tpu.memory_space<vmem>>, vector<16xf32>,
      %get3A_491 = arith.constant 1 : i32
      %get3A_492 = arith.index_cast %rem3A_89 : i32 to index
      %get3A_493 = arith.index_cast %get3A_491 : i32 to index
      %get3A_494 = arith.constant 112 : index
      %get3A_495 = tpu.vector_load %arg8[%get3A_492, %get3A_493, %get3A_494] {strides = array<i32>} : memref<2x8x128xi32, #tpu.memory_space<vmem>>, vector<16xi32>,
      %gather3A_496 = tpu.vector_load_idx %arg7[%get3A_495] : memref<100000xi32, #tpu.memory_space<vmem>>[vector<16xi32>], vector<16xi32>,
      %get3A_497 = arith.constant 1 : i32
      %get3A_498 = arith.index_cast %rem3A_89 : i32 to index
      %get3A_499 = arith.index_cast %get3A_497 : i32 to index
      %get3A_500 = arith.constant 112 : index
      %get3A_501 = tpu.vector_load %arg9[%get3A_498, %get3A_499, %get3A_500] {strides = array<i32>} : memref<2x8x128xi32, #tpu.memory_space<vmem>>, vector<16xi32>,
      %gather3A_502 = tpu.vector_load_idx %arg7[%get3A_501] : memref<100000xi32, #tpu.memory_space<vmem>>[vector<16xi32>], vector<16xi32>,
      %and3A_503 = vector.broadcast %squeeze3A : i32 to vector<16xi32>
      %and3A_504 = arith.andi %gather3A_496, %and3A_503 : vector<16xi32>
      %bitcast3A_505 = vector.bitcast %and3A_504 : vector<16xi32> to vector<16xf32>
      %shift_left3A_506 = arith.constant 16 : i32
      %shift_left3A_507 = vector.broadcast %shift_left3A_506 : i32 to vector<16xi32>
      %shift_left3A_508 = arith.shli %gather3A_502, %shift_left3A_507 : vector<16xi32>
      %bitcast3A_509 = vector.bitcast %shift_left3A_508 : vector<16xi32> to vector<16xf32>
      %add3A_510 = arith.addf %bitcast3A_505, %bitcast3A_509 : vector<16xf32>
      %add3A_511 = arith.constant 1 : i32
      %add3A_512 = arith.addi %mul3A_120, %add3A_511 : i32
      %swap3A_513 = arith.index_cast %add3A_512 : i32 to index
      %swap3A_514 = arith.constant 112 : index
      %swap3A_515 = tpu.vector_load %arg10[%swap3A_513, %swap3A_514] {strides = array<i32>} : memref<200x128xf32, #tpu.memory_space<vmem>>, vector<16xf32>,
      tpu.vector_store %arg10[%swap3A_513, %swap3A_514], %add3A_510 {strides = array<i32>} : memref<200x128xf32, #tpu.memory_space<vmem>>, vector<16xf32>,
      %get3A_516 = arith.constant 2 : i32
      %get3A_517 = arith.index_cast %rem3A_89 : i32 to index
      %get3A_518 = arith.index_cast %get3A_516 : i32 to index
      %get3A_519 = arith.constant 0 : index
      %get3A_520 = tpu.vector_load %arg8[%get3A_517, %get3A_518, %get3A_519] {strides = array<i32>} : memref<2x8x128xi32, #tpu.memory_space<vmem>>, vector<16xi32>,
      %gather3A_521 = tpu.vector_load_idx %arg7[%get3A_520] : memref<100000xi32, #tpu.memory_space<vmem>>[vector<16xi32>], vector<16xi32>,
      %get3A_522 = arith.constant 2 : i32
      %get3A_523 = arith.index_cast %rem3A_89 : i32 to index
      %get3A_524 = arith.index_cast %get3A_522 : i32 to index
      %get3A_525 = arith.constant 0 : index
      %get3A_526 = tpu.vector_load %arg9[%get3A_523, %get3A_524, %get3A_525] {strides = array<i32>} : memref<2x8x128xi32, #tpu.memory_space<vmem>>, vector<16xi32>,
      %gather3A_527 = tpu.vector_load_idx %arg7[%get3A_526] : memref<100000xi32, #tpu.memory_space<vmem>>[vector<16xi32>], vector<16xi32>,
      %and3A_528 = vector.broadcast %squeeze3A : i32 to vector<16xi32>
      %and3A_529 = arith.andi %gather3A_521, %and3A_528 : vector<16xi32>
      %bitcast3A_530 = vector.bitcast %and3A_529 : vector<16xi32> to vector<16xf32>
      %shift_left3A_531 = arith.constant 16 : i32
      %shift_left3A_532 = vector.broadcast %shift_left3A_531 : i32 to vector<16xi32>
      %shift_left3A_533 = arith.shli %gather3A_527, %shift_left3A_532 : vector<16xi32>
      %bitcast3A_534 = vector.bitcast %shift_left3A_533 : vector<16xi32> to vector<16xf32>
      %add3A_535 = arith.addf %bitcast3A_530, %bitcast3A_534 : vector<16xf32>
      %add3A_536 = arith.constant 2 : i32
      %add3A_537 = arith.addi %mul3A_120, %add3A_536 : i32
      %swap3A_538 = arith.index_cast %add3A_537 : i32 to index
      %swap3A_539 = arith.constant 0 : index
      %swap3A_540 = tpu.vector_load %arg10[%swap3A_538, %swap3A_539] {strides = array<i32>} : memref<200x128xf32, #tpu.memory_space<vmem>>, vector<16xf32>,
      tpu.vector_store %arg10[%swap3A_538, %swap3A_539], %add3A_535 {strides = array<i32>} : memref<200x128xf32, #tpu.memory_space<vmem>>, vector<16xf32>,
      %get3A_541 = arith.constant 2 : i32
      %get3A_542 = arith.index_cast %rem3A_89 : i32 to index
      %get3A_543 = arith.index_cast %get3A_541 : i32 to index
      %get3A_544 = arith.constant 16 : index
      %get3A_545 = tpu.vector_load %arg8[%get3A_542, %get3A_543, %get3A_544] {strides = array<i32>} : memref<2x8x128xi32, #tpu.memory_space<vmem>>, vector<16xi32>,
      %gather3A_546 = tpu.vector_load_idx %arg7[%get3A_545] : memref<100000xi32, #tpu.memory_space<vmem>>[vector<16xi32>], vector<16xi32>,
      %get3A_547 = arith.constant 2 : i32
      %get3A_548 = arith.index_cast %rem3A_89 : i32 to index
      %get3A_549 = arith.index_cast %get3A_547 : i32 to index
      %get3A_550 = arith.constant 16 : index
      %get3A_551 = tpu.vector_load %arg9[%get3A_548, %get3A_549, %get3A_550] {strides = array<i32>} : memref<2x8x128xi32, #tpu.memory_space<vmem>>, vector<16xi32>,
      %gather3A_552 = tpu.vector_load_idx %arg7[%get3A_551] : memref<100000xi32, #tpu.memory_space<vmem>>[vector<16xi32>], vector<16xi32>,
      %and3A_553 = vector.broadcast %squeeze3A : i32 to vector<16xi32>
      %and3A_554 = arith.andi %gather3A_546, %and3A_553 : vector<16xi32>
      %bitcast3A_555 = vector.bitcast %and3A_554 : vector<16xi32> to vector<16xf32>
      %shift_left3A_556 = arith.constant 16 : i32
      %shift_left3A_557 = vector.broadcast %shift_left3A_556 : i32 to vector<16xi32>
      %shift_left3A_558 = arith.shli %gather3A_552, %shift_left3A_557 : vector<16xi32>
      %bitcast3A_559 = vector.bitcast %shift_left3A_558 : vector<16xi32> to vector<16xf32>
      %add3A_560 = arith.addf %bitcast3A_555, %bitcast3A_559 : vector<16xf32>
      %add3A_561 = arith.constant 2 : i32
      %add3A_562 = arith.addi %mul3A_120, %add3A_561 : i32
      %swap3A_563 = arith.index_cast %add3A_562 : i32 to index
      %swap3A_564 = arith.constant 16 : index
      %swap3A_565 = tpu.vector_load %arg10[%swap3A_563, %swap3A_564] {strides = array<i32>} : memref<200x128xf32, #tpu.memory_space<vmem>>, vector<16xf32>,
      tpu.vector_store %arg10[%swap3A_563, %swap3A_564], %add3A_560 {strides = array<i32>} : memref<200x128xf32, #tpu.memory_space<vmem>>, vector<16xf32>,
      %get3A_566 = arith.constant 2 : i32
      %get3A_567 = arith.index_cast %rem3A_89 : i32 to index
      %get3A_568 = arith.index_cast %get3A_566 : i32 to index
      %get3A_569 = arith.constant 32 : index
      %get3A_570 = tpu.vector_load %arg8[%get3A_567, %get3A_568, %get3A_569] {strides = array<i32>} : memref<2x8x128xi32, #tpu.memory_space<vmem>>, vector<16xi32>,
      %gather3A_571 = tpu.vector_load_idx %arg7[%get3A_570] : memref<100000xi32, #tpu.memory_space<vmem>>[vector<16xi32>], vector<16xi32>,
      %get3A_572 = arith.constant 2 : i32
      %get3A_573 = arith.index_cast %rem3A_89 : i32 to index
      %get3A_574 = arith.index_cast %get3A_572 : i32 to index
      %get3A_575 = arith.constant 32 : index
      %get3A_576 = tpu.vector_load %arg9[%get3A_573, %get3A_574, %get3A_575] {strides = array<i32>} : memref<2x8x128xi32, #tpu.memory_space<vmem>>, vector<16xi32>,
      %gather3A_577 = tpu.vector_load_idx %arg7[%get3A_576] : memref<100000xi32, #tpu.memory_space<vmem>>[vector<16xi32>], vector<16xi32>,
      %and3A_578 = vector.broadcast %squeeze3A : i32 to vector<16xi32>
      %and3A_579 = arith.andi %gather3A_571, %and3A_578 : vector<16xi32>
      %bitcast3A_580 = vector.bitcast %and3A_579 : vector<16xi32> to vector<16xf32>
      %shift_left3A_581 = arith.constant 16 : i32
      %shift_left3A_582 = vector.broadcast %shift_left3A_581 : i32 to vector<16xi32>
      %shift_left3A_583 = arith.shli %gather3A_577, %shift_left3A_582 : vector<16xi32>
      %bitcast3A_584 = vector.bitcast %shift_left3A_583 : vector<16xi32> to vector<16xf32>
      %add3A_585 = arith.addf %bitcast3A_580, %bitcast3A_584 : vector<16xf32>
      %add3A_586 = arith.constant 2 : i32
      %add3A_587 = arith.addi %mul3A_120, %add3A_586 : i32
      %swap3A_588 = arith.index_cast %add3A_587 : i32 to index
      %swap3A_589 = arith.constant 32 : index
      %swap3A_590 = tpu.vector_load %arg10[%swap3A_588, %swap3A_589] {strides = array<i32>} : memref<200x128xf32, #tpu.memory_space<vmem>>, vector<16xf32>,
      tpu.vector_store %arg10[%swap3A_588, %swap3A_589], %add3A_585 {strides = array<i32>} : memref<200x128xf32, #tpu.memory_space<vmem>>, vector<16xf32>,
      %get3A_591 = arith.constant 2 : i32
      %get3A_592 = arith.index_cast %rem3A_89 : i32 to index
      %get3A_593 = arith.index_cast %get3A_591 : i32 to index
      %get3A_594 = arith.constant 48 : index
      %get3A_595 = tpu.vector_load %arg8[%get3A_592, %get3A_593, %get3A_594] {strides = array<i32>} : memref<2x8x128xi32, #tpu.memory_space<vmem>>, vector<16xi32>,
      %gather3A_596 = tpu.vector_load_idx %arg7[%get3A_595] : memref<100000xi32, #tpu.memory_space<vmem>>[vector<16xi32>], vector<16xi32>,
      %get3A_597 = arith.constant 2 : i32
      %get3A_598 = arith.index_cast %rem3A_89 : i32 to index
      %get3A_599 = arith.index_cast %get3A_597 : i32 to index
      %get3A_600 = arith.constant 48 : index
      %get3A_601 = tpu.vector_load %arg9[%get3A_598, %get3A_599, %get3A_600] {strides = array<i32>} : memref<2x8x128xi32, #tpu.memory_space<vmem>>, vector<16xi32>,
      %gather3A_602 = tpu.vector_load_idx %arg7[%get3A_601] : memref<100000xi32, #tpu.memory_space<vmem>>[vector<16xi32>], vector<16xi32>,
      %and3A_603 = vector.broadcast %squeeze3A : i32 to vector<16xi32>
      %and3A_604 = arith.andi %gather3A_596, %and3A_603 : vector<16xi32>
      %bitcast3A_605 = vector.bitcast %and3A_604 : vector<16xi32> to vector<16xf32>
      %shift_left3A_606 = arith.constant 16 : i32
      %shift_left3A_607 = vector.broadcast %shift_left3A_606 : i32 to vector<16xi32>
      %shift_left3A_608 = arith.shli %gather3A_602, %shift_left3A_607 : vector<16xi32>
      %bitcast3A_609 = vector.bitcast %shift_left3A_608 : vector<16xi32> to vector<16xf32>
      %add3A_610 = arith.addf %bitcast3A_605, %bitcast3A_609 : vector<16xf32>
      %add3A_611 = arith.constant 2 : i32
      %add3A_612 = arith.addi %mul3A_120, %add3A_611 : i32
      %swap3A_613 = arith.index_cast %add3A_612 : i32 to index
      %swap3A_614 = arith.constant 48 : index
      %swap3A_615 = tpu.vector_load %arg10[%swap3A_613, %swap3A_614] {strides = array<i32>} : memref<200x128xf32, #tpu.memory_space<vmem>>, vector<16xf32>,
      tpu.vector_store %arg10[%swap3A_613, %swap3A_614], %add3A_610 {strides = array<i32>} : memref<200x128xf32, #tpu.memory_space<vmem>>, vector<16xf32>,
      %get3A_616 = arith.constant 2 : i32
      %get3A_617 = arith.index_cast %rem3A_89 : i32 to index
      %get3A_618 = arith.index_cast %get3A_616 : i32 to index
      %get3A_619 = arith.constant 64 : index
      %get3A_620 = tpu.vector_load %arg8[%get3A_617, %get3A_618, %get3A_619] {strides = array<i32>} : memref<2x8x128xi32, #tpu.memory_space<vmem>>, vector<16xi32>,
      %gather3A_621 = tpu.vector_load_idx %arg7[%get3A_620] : memref<100000xi32, #tpu.memory_space<vmem>>[vector<16xi32>], vector<16xi32>,
      %get3A_622 = arith.constant 2 : i32
      %get3A_623 = arith.index_cast %rem3A_89 : i32 to index
      %get3A_624 = arith.index_cast %get3A_622 : i32 to index
      %get3A_625 = arith.constant 64 : index
      %get3A_626 = tpu.vector_load %arg9[%get3A_623, %get3A_624, %get3A_625] {strides = array<i32>} : memref<2x8x128xi32, #tpu.memory_space<vmem>>, vector<16xi32>,
      %gather3A_627 = tpu.vector_load_idx %arg7[%get3A_626] : memref<100000xi32, #tpu.memory_space<vmem>>[vector<16xi32>], vector<16xi32>,
      %and3A_628 = vector.broadcast %squeeze3A : i32 to vector<16xi32>
      %and3A_629 = arith.andi %gather3A_621, %and3A_628 : vector<16xi32>
      %bitcast3A_630 = vector.bitcast %and3A_629 : vector<16xi32> to vector<16xf32>
      %shift_left3A_631 = arith.constant 16 : i32
      %shift_left3A_632 = vector.broadcast %shift_left3A_631 : i32 to vector<16xi32>
      %shift_left3A_633 = arith.shli %gather3A_627, %shift_left3A_632 : vector<16xi32>
      %bitcast3A_634 = vector.bitcast %shift_left3A_633 : vector<16xi32> to vector<16xf32>
      %add3A_635 = arith.addf %bitcast3A_630, %bitcast3A_634 : vector<16xf32>
      %add3A_636 = arith.constant 2 : i32
      %add3A_637 = arith.addi %mul3A_120, %add3A_636 : i32
      %swap3A_638 = arith.index_cast %add3A_637 : i32 to index
      %swap3A_639 = arith.constant 64 : index
      %swap3A_640 = tpu.vector_load %arg10[%swap3A_638, %swap3A_639] {strides = array<i32>} : memref<200x128xf32, #tpu.memory_space<vmem>>, vector<16xf32>,
      tpu.vector_store %arg10[%swap3A_638, %swap3A_639], %add3A_635 {strides = array<i32>} : memref<200x128xf32, #tpu.memory_space<vmem>>, vector<16xf32>,
      %get3A_641 = arith.constant 2 : i32
      %get3A_642 = arith.index_cast %rem3A_89 : i32 to index
      %get3A_643 = arith.index_cast %get3A_641 : i32 to index
      %get3A_644 = arith.constant 80 : index
      %get3A_645 = tpu.vector_load %arg8[%get3A_642, %get3A_643, %get3A_644] {strides = array<i32>} : memref<2x8x128xi32, #tpu.memory_space<vmem>>, vector<16xi32>,
      %gather3A_646 = tpu.vector_load_idx %arg7[%get3A_645] : memref<100000xi32, #tpu.memory_space<vmem>>[vector<16xi32>], vector<16xi32>,
      %get3A_647 = arith.constant 2 : i32
      %get3A_648 = arith.index_cast %rem3A_89 : i32 to index
      %get3A_649 = arith.index_cast %get3A_647 : i32 to index
      %get3A_650 = arith.constant 80 : index
      %get3A_651 = tpu.vector_load %arg9[%get3A_648, %get3A_649, %get3A_650] {strides = array<i32>} : memref<2x8x128xi32, #tpu.memory_space<vmem>>, vector<16xi32>,
      %gather3A_652 = tpu.vector_load_idx %arg7[%get3A_651] : memref<100000xi32, #tpu.memory_space<vmem>>[vector<16xi32>], vector<16xi32>,
      %and3A_653 = vector.broadcast %squeeze3A : i32 to vector<16xi32>
      %and3A_654 = arith.andi %gather3A_646, %and3A_653 : vector<16xi32>
      %bitcast3A_655 = vector.bitcast %and3A_654 : vector<16xi32> to vector<16xf32>
      %shift_left3A_656 = arith.constant 16 : i32
      %shift_left3A_657 = vector.broadcast %shift_left3A_656 : i32 to vector<16xi32>
      %shift_left3A_658 = arith.shli %gather3A_652, %shift_left3A_657 : vector<16xi32>
      %bitcast3A_659 = vector.bitcast %shift_left3A_658 : vector<16xi32> to vector<16xf32>
      %add3A_660 = arith.addf %bitcast3A_655, %bitcast3A_659 : vector<16xf32>
      %add3A_661 = arith.constant 2 : i32
      %add3A_662 = arith.addi %mul3A_120, %add3A_661 : i32
      %swap3A_663 = arith.index_cast %add3A_662 : i32 to index
      %swap3A_664 = arith.constant 80 : index
      %swap3A_665 = tpu.vector_load %arg10[%swap3A_663, %swap3A_664] {strides = array<i32>} : memref<200x128xf32, #tpu.memory_space<vmem>>, vector<16xf32>,
      tpu.vector_store %arg10[%swap3A_663, %swap3A_664], %add3A_660 {strides = array<i32>} : memref<200x128xf32, #tpu.memory_space<vmem>>, vector<16xf32>,
      %get3A_666 = arith.constant 2 : i32
      %get3A_667 = arith.index_cast %rem3A_89 : i32 to index
      %get3A_668 = arith.index_cast %get3A_666 : i32 to index
      %get3A_669 = arith.constant 96 : index
      %get3A_670 = tpu.vector_load %arg8[%get3A_667, %get3A_668, %get3A_669] {strides = array<i32>} : memref<2x8x128xi32, #tpu.memory_space<vmem>>, vector<16xi32>,
      %gather3A_671 = tpu.vector_load_idx %arg7[%get3A_670] : memref<100000xi32, #tpu.memory_space<vmem>>[vector<16xi32>], vector<16xi32>,
      %get3A_672 = arith.constant 2 : i32
      %get3A_673 = arith.index_cast %rem3A_89 : i32 to index
      %get3A_674 = arith.index_cast %get3A_672 : i32 to index
      %get3A_675 = arith.constant 96 : index
      %get3A_676 = tpu.vector_load %arg9[%get3A_673, %get3A_674, %get3A_675] {strides = array<i32>} : memref<2x8x128xi32, #tpu.memory_space<vmem>>, vector<16xi32>,
      %gather3A_677 = tpu.vector_load_idx %arg7[%get3A_676] : memref<100000xi32, #tpu.memory_space<vmem>>[vector<16xi32>], vector<16xi32>,
      %and3A_678 = vector.broadcast %squeeze3A : i32 to vector<16xi32>
      %and3A_679 = arith.andi %gather3A_671, %and3A_678 : vector<16xi32>
      %bitcast3A_680 = vector.bitcast %and3A_679 : vector<16xi32> to vector<16xf32>
      %shift_left3A_681 = arith.constant 16 : i32
      %shift_left3A_682 = vector.broadcast %shift_left3A_681 : i32 to vector<16xi32>
      %shift_left3A_683 = arith.shli %gather3A_677, %shift_left3A_682 : vector<16xi32>
      %bitcast3A_684 = vector.bitcast %shift_left3A_683 : vector<16xi32> to vector<16xf32>
      %add3A_685 = arith.addf %bitcast3A_680, %bitcast3A_684 : vector<16xf32>
      %add3A_686 = arith.constant 2 : i32
      %add3A_687 = arith.addi %mul3A_120, %add3A_686 : i32
      %swap3A_688 = arith.index_cast %add3A_687 : i32 to index
      %swap3A_689 = arith.constant 96 : index
      %swap3A_690 = tpu.vector_load %arg10[%swap3A_688, %swap3A_689] {strides = array<i32>} : memref<200x128xf32, #tpu.memory_space<vmem>>, vector<16xf32>,
      tpu.vector_store %arg10[%swap3A_688, %swap3A_689], %add3A_685 {strides = array<i32>} : memref<200x128xf32, #tpu.memory_space<vmem>>, vector<16xf32>,
      %get3A_691 = arith.constant 2 : i32
      %get3A_692 = arith.index_cast %rem3A_89 : i32 to index
      %get3A_693 = arith.index_cast %get3A_691 : i32 to index
      %get3A_694 = arith.constant 112 : index
      %get3A_695 = tpu.vector_load %arg8[%get3A_692, %get3A_693, %get3A_694] {strides = array<i32>} : memref<2x8x128xi32, #tpu.memory_space<vmem>>, vector<16xi32>,
      %gather3A_696 = tpu.vector_load_idx %arg7[%get3A_695] : memref<100000xi32, #tpu.memory_space<vmem>>[vector<16xi32>], vector<16xi32>,
      %get3A_697 = arith.constant 2 : i32
      %get3A_698 = arith.index_cast %rem3A_89 : i32 to index
      %get3A_699 = arith.index_cast %get3A_697 : i32 to index
      %get3A_700 = arith.constant 112 : index
      %get3A_701 = tpu.vector_load %arg9[%get3A_698, %get3A_699, %get3A_700] {strides = array<i32>} : memref<2x8x128xi32, #tpu.memory_space<vmem>>, vector<16xi32>,
      %gather3A_702 = tpu.vector_load_idx %arg7[%get3A_701] : memref<100000xi32, #tpu.memory_space<vmem>>[vector<16xi32>], vector<16xi32>,
      %and3A_703 = vector.broadcast %squeeze3A : i32 to vector<16xi32>
      %and3A_704 = arith.andi %gather3A_696, %and3A_703 : vector<16xi32>
      %bitcast3A_705 = vector.bitcast %and3A_704 : vector<16xi32> to vector<16xf32>
      %shift_left3A_706 = arith.constant 16 : i32
      %shift_left3A_707 = vector.broadcast %shift_left3A_706 : i32 to vector<16xi32>
      %shift_left3A_708 = arith.shli %gather3A_702, %shift_left3A_707 : vector<16xi32>
      %bitcast3A_709 = vector.bitcast %shift_left3A_708 : vector<16xi32> to vector<16xf32>
      %add3A_710 = arith.addf %bitcast3A_705, %bitcast3A_709 : vector<16xf32>
      %add3A_711 = arith.constant 2 : i32
      %add3A_712 = arith.addi %mul3A_120, %add3A_711 : i32
      %swap3A_713 = arith.index_cast %add3A_712 : i32 to index
      %swap3A_714 = arith.constant 112 : index
      %swap3A_715 = tpu.vector_load %arg10[%swap3A_713, %swap3A_714] {strides = array<i32>} : memref<200x128xf32, #tpu.memory_space<vmem>>, vector<16xf32>,
      tpu.vector_store %arg10[%swap3A_713, %swap3A_714], %add3A_710 {strides = array<i32>} : memref<200x128xf32, #tpu.memory_space<vmem>>, vector<16xf32>,
      %get3A_716 = arith.constant 3 : i32
      %get3A_717 = arith.index_cast %rem3A_89 : i32 to index
      %get3A_718 = arith.index_cast %get3A_716 : i32 to index
      %get3A_719 = arith.constant 0 : index
      %get3A_720 = tpu.vector_load %arg8[%get3A_717, %get3A_718, %get3A_719] {strides = array<i32>} : memref<2x8x128xi32, #tpu.memory_space<vmem>>, vector<16xi32>,
      %gather3A_721 = tpu.vector_load_idx %arg7[%get3A_720] : memref<100000xi32, #tpu.memory_space<vmem>>[vector<16xi32>], vector<16xi32>,
      %get3A_722 = arith.constant 3 : i32
      %get3A_723 = arith.index_cast %rem3A_89 : i32 to index
      %get3A_724 = arith.index_cast %get3A_722 : i32 to index
      %get3A_725 = arith.constant 0 : index
      %get3A_726 = tpu.vector_load %arg9[%get3A_723, %get3A_724, %get3A_725] {strides = array<i32>} : memref<2x8x128xi32, #tpu.memory_space<vmem>>, vector<16xi32>,
      %gather3A_727 = tpu.vector_load_idx %arg7[%get3A_726] : memref<100000xi32, #tpu.memory_space<vmem>>[vector<16xi32>], vector<16xi32>,
      %and3A_728 = vector.broadcast %squeeze3A : i32 to vector<16xi32>
      %and3A_729 = arith.andi %gather3A_721, %and3A_728 : vector<16xi32>
      %bitcast3A_730 = vector.bitcast %and3A_729 : vector<16xi32> to vector<16xf32>
      %shift_left3A_731 = arith.constant 16 : i32
      %shift_left3A_732 = vector.broadcast %shift_left3A_731 : i32 to vector<16xi32>
      %shift_left3A_733 = arith.shli %gather3A_727, %shift_left3A_732 : vector<16xi32>
      %bitcast3A_734 = vector.bitcast %shift_left3A_733 : vector<16xi32> to vector<16xf32>
      %add3A_735 = arith.addf %bitcast3A_730, %bitcast3A_734 : vector<16xf32>
      %add3A_736 = arith.constant 3 : i32
      %add3A_737 = arith.addi %mul3A_120, %add3A_736 : i32
      %swap3A_738 = arith.index_cast %add3A_737 : i32 to index
      %swap3A_739 = arith.constant 0 : index
      %swap3A_740 = tpu.vector_load %arg10[%swap3A_738, %swap3A_739] {strides = array<i32>} : memref<200x128xf32, #tpu.memory_space<vmem>>, vector<16xf32>,
      tpu.vector_store %arg10[%swap3A_738, %swap3A_739], %add3A_735 {strides = array<i32>} : memref<200x128xf32, #tpu.memory_space<vmem>>, vector<16xf32>,
      %get3A_741 = arith.constant 3 : i32
      %get3A_742 = arith.index_cast %rem3A_89 : i32 to index
      %get3A_743 = arith.index_cast %get3A_741 : i32 to index
      %get3A_744 = arith.constant 16 : index
      %get3A_745 = tpu.vector_load %arg8[%get3A_742, %get3A_743, %get3A_744] {strides = array<i32>} : memref<2x8x128xi32, #tpu.memory_space<vmem>>, vector<16xi32>,
      %gather3A_746 = tpu.vector_load_idx %arg7[%get3A_745] : memref<100000xi32, #tpu.memory_space<vmem>>[vector<16xi32>], vector<16xi32>,
      %get3A_747 = arith.constant 3 : i32
      %get3A_748 = arith.index_cast %rem3A_89 : i32 to index
      %get3A_749 = arith.index_cast %get3A_747 : i32 to index
      %get3A_750 = arith.constant 16 : index
      %get3A_751 = tpu.vector_load %arg9[%get3A_748, %get3A_749, %get3A_750] {strides = array<i32>} : memref<2x8x128xi32, #tpu.memory_space<vmem>>, vector<16xi32>,
      %gather3A_752 = tpu.vector_load_idx %arg7[%get3A_751] : memref<100000xi32, #tpu.memory_space<vmem>>[vector<16xi32>], vector<16xi32>,
      %and3A_753 = vector.broadcast %squeeze3A : i32 to vector<16xi32>
      %and3A_754 = arith.andi %gather3A_746, %and3A_753 : vector<16xi32>
      %bitcast3A_755 = vector.bitcast %and3A_754 : vector<16xi32> to vector<16xf32>
      %shift_left3A_756 = arith.constant 16 : i32
      %shift_left3A_757 = vector.broadcast %shift_left3A_756 : i32 to vector<16xi32>
      %shift_left3A_758 = arith.shli %gather3A_752, %shift_left3A_757 : vector<16xi32>
      %bitcast3A_759 = vector.bitcast %shift_left3A_758 : vector<16xi32> to vector<16xf32>
      %add3A_760 = arith.addf %bitcast3A_755, %bitcast3A_759 : vector<16xf32>
      %add3A_761 = arith.constant 3 : i32
      %add3A_762 = arith.addi %mul3A_120, %add3A_761 : i32
      %swap3A_763 = arith.index_cast %add3A_762 : i32 to index
      %swap3A_764 = arith.constant 16 : index
      %swap3A_765 = tpu.vector_load %arg10[%swap3A_763, %swap3A_764] {strides = array<i32>} : memref<200x128xf32, #tpu.memory_space<vmem>>, vector<16xf32>,
      tpu.vector_store %arg10[%swap3A_763, %swap3A_764], %add3A_760 {strides = array<i32>} : memref<200x128xf32, #tpu.memory_space<vmem>>, vector<16xf32>,
      %get3A_766 = arith.constant 3 : i32
      %get3A_767 = arith.index_cast %rem3A_89 : i32 to index
      %get3A_768 = arith.index_cast %get3A_766 : i32 to index
      %get3A_769 = arith.constant 32 : index
      %get3A_770 = tpu.vector_load %arg8[%get3A_767, %get3A_768, %get3A_769] {strides = array<i32>} : memref<2x8x128xi32, #tpu.memory_space<vmem>>, vector<16xi32>,
      %gather3A_771 = tpu.vector_load_idx %arg7[%get3A_770] : memref<100000xi32, #tpu.memory_space<vmem>>[vector<16xi32>], vector<16xi32>,
      %get3A_772 = arith.constant 3 : i32
      %get3A_773 = arith.index_cast %rem3A_89 : i32 to index
      %get3A_774 = arith.index_cast %get3A_772 : i32 to index
      %get3A_775 = arith.constant 32 : index
      %get3A_776 = tpu.vector_load %arg9[%get3A_773, %get3A_774, %get3A_775] {strides = array<i32>} : memref<2x8x128xi32, #tpu.memory_space<vmem>>, vector<16xi32>,
      %gather3A_777 = tpu.vector_load_idx %arg7[%get3A_776] : memref<100000xi32, #tpu.memory_space<vmem>>[vector<16xi32>], vector<16xi32>,
      %and3A_778 = vector.broadcast %squeeze3A : i32 to vector<16xi32>
      %and3A_779 = arith.andi %gather3A_771, %and3A_778 : vector<16xi32>
      %bitcast3A_780 = vector.bitcast %and3A_779 : vector<16xi32> to vector<16xf32>
      %shift_left3A_781 = arith.constant 16 : i32
      %shift_left3A_782 = vector.broadcast %shift_left3A_781 : i32 to vector<16xi32>
      %shift_left3A_783 = arith.shli %gather3A_777, %shift_left3A_782 : vector<16xi32>
      %bitcast3A_784 = vector.bitcast %shift_left3A_783 : vector<16xi32> to vector<16xf32>
      %add3A_785 = arith.addf %bitcast3A_780, %bitcast3A_784 : vector<16xf32>
      %add3A_786 = arith.constant 3 : i32
      %add3A_787 = arith.addi %mul3A_120, %add3A_786 : i32
      %swap3A_788 = arith.index_cast %add3A_787 : i32 to index
      %swap3A_789 = arith.constant 32 : index
      %swap3A_790 = tpu.vector_load %arg10[%swap3A_788, %swap3A_789] {strides = array<i32>} : memref<200x128xf32, #tpu.memory_space<vmem>>, vector<16xf32>,
      tpu.vector_store %arg10[%swap3A_788, %swap3A_789], %add3A_785 {strides = array<i32>} : memref<200x128xf32, #tpu.memory_space<vmem>>, vector<16xf32>,
      %get3A_791 = arith.constant 3 : i32
      %get3A_792 = arith.index_cast %rem3A_89 : i32 to index
      %get3A_793 = arith.index_cast %get3A_791 : i32 to index
      %get3A_794 = arith.constant 48 : index
      %get3A_795 = tpu.vector_load %arg8[%get3A_792, %get3A_793, %get3A_794] {strides = array<i32>} : memref<2x8x128xi32, #tpu.memory_space<vmem>>, vector<16xi32>,
      %gather3A_796 = tpu.vector_load_idx %arg7[%get3A_795] : memref<100000xi32, #tpu.memory_space<vmem>>[vector<16xi32>], vector<16xi32>,
      %get3A_797 = arith.constant 3 : i32
      %get3A_798 = arith.index_cast %rem3A_89 : i32 to index
      %get3A_799 = arith.index_cast %get3A_797 : i32 to index
      %get3A_800 = arith.constant 48 : index
      %get3A_801 = tpu.vector_load %arg9[%get3A_798, %get3A_799, %get3A_800] {strides = array<i32>} : memref<2x8x128xi32, #tpu.memory_space<vmem>>, vector<16xi32>,
      %gather3A_802 = tpu.vector_load_idx %arg7[%get3A_801] : memref<100000xi32, #tpu.memory_space<vmem>>[vector<16xi32>], vector<16xi32>,
      %and3A_803 = vector.broadcast %squeeze3A : i32 to vector<16xi32>
      %and3A_804 = arith.andi %gather3A_796, %and3A_803 : vector<16xi32>
      %bitcast3A_805 = vector.bitcast %and3A_804 : vector<16xi32> to vector<16xf32>
      %shift_left3A_806 = arith.constant 16 : i32
      %shift_left3A_807 = vector.broadcast %shift_left3A_806 : i32 to vector<16xi32>
      %shift_left3A_808 = arith.shli %gather3A_802, %shift_left3A_807 : vector<16xi32>
      %bitcast3A_809 = vector.bitcast %shift_left3A_808 : vector<16xi32> to vector<16xf32>
      %add3A_810 = arith.addf %bitcast3A_805, %bitcast3A_809 : vector<16xf32>
      %add3A_811 = arith.constant 3 : i32
      %add3A_812 = arith.addi %mul3A_120, %add3A_811 : i32
      %swap3A_813 = arith.index_cast %add3A_812 : i32 to index
      %swap3A_814 = arith.constant 48 : index
      %swap3A_815 = tpu.vector_load %arg10[%swap3A_813, %swap3A_814] {strides = array<i32>} : memref<200x128xf32, #tpu.memory_space<vmem>>, vector<16xf32>,
      tpu.vector_store %arg10[%swap3A_813, %swap3A_814], %add3A_810 {strides = array<i32>} : memref<200x128xf32, #tpu.memory_space<vmem>>, vector<16xf32>,
      %get3A_816 = arith.constant 3 : i32
      %get3A_817 = arith.index_cast %rem3A_89 : i32 to index
      %get3A_818 = arith.index_cast %get3A_816 : i32 to index
      %get3A_819 = arith.constant 64 : index
      %get3A_820 = tpu.vector_load %arg8[%get3A_817, %get3A_818, %get3A_819] {strides = array<i32>} : memref<2x8x128xi32, #tpu.memory_space<vmem>>, vector<16xi32>,
      %gather3A_821 = tpu.vector_load_idx %arg7[%get3A_820] : memref<100000xi32, #tpu.memory_space<vmem>>[vector<16xi32>], vector<16xi32>,
      %get3A_822 = arith.constant 3 : i32
      %get3A_823 = arith.index_cast %rem3A_89 : i32 to index
      %get3A_824 = arith.index_cast %get3A_822 : i32 to index
      %get3A_825 = arith.constant 64 : index
      %get3A_826 = tpu.vector_load %arg9[%get3A_823, %get3A_824, %get3A_825] {strides = array<i32>} : memref<2x8x128xi32, #tpu.memory_space<vmem>>, vector<16xi32>,
      %gather3A_827 = tpu.vector_load_idx %arg7[%get3A_826] : memref<100000xi32, #tpu.memory_space<vmem>>[vector<16xi32>], vector<16xi32>,
      %and3A_828 = vector.broadcast %squeeze3A : i32 to vector<16xi32>
      %and3A_829 = arith.andi %gather3A_821, %and3A_828 : vector<16xi32>
      %bitcast3A_830 = vector.bitcast %and3A_829 : vector<16xi32> to vector<16xf32>
      %shift_left3A_831 = arith.constant 16 : i32
      %shift_left3A_832 = vector.broadcast %shift_left3A_831 : i32 to vector<16xi32>
      %shift_left3A_833 = arith.shli %gather3A_827, %shift_left3A_832 : vector<16xi32>
      %bitcast3A_834 = vector.bitcast %shift_left3A_833 : vector<16xi32> to vector<16xf32>
      %add3A_835 = arith.addf %bitcast3A_830, %bitcast3A_834 : vector<16xf32>
      %add3A_836 = arith.constant 3 : i32
      %add3A_837 = arith.addi %mul3A_120, %add3A_836 : i32
      %swap3A_838 = arith.index_cast %add3A_837 : i32 to index
      %swap3A_839 = arith.constant 64 : index
      %swap3A_840 = tpu.vector_load %arg10[%swap3A_838, %swap3A_839] {strides = array<i32>} : memref<200x128xf32, #tpu.memory_space<vmem>>, vector<16xf32>,
      tpu.vector_store %arg10[%swap3A_838, %swap3A_839], %add3A_835 {strides = array<i32>} : memref<200x128xf32, #tpu.memory_space<vmem>>, vector<16xf32>,
      %get3A_841 = arith.constant 3 : i32
      %get3A_842 = arith.index_cast %rem3A_89 : i32 to index
      %get3A_843 = arith.index_cast %get3A_841 : i32 to index
      %get3A_844 = arith.constant 80 : index
      %get3A_845 = tpu.vector_load %arg8[%get3A_842, %get3A_843, %get3A_844] {strides = array<i32>} : memref<2x8x128xi32, #tpu.memory_space<vmem>>, vector<16xi32>,
      %gather3A_846 = tpu.vector_load_idx %arg7[%get3A_845] : memref<100000xi32, #tpu.memory_space<vmem>>[vector<16xi32>], vector<16xi32>,
      %get3A_847 = arith.constant 3 : i32
      %get3A_848 = arith.index_cast %rem3A_89 : i32 to index
      %get3A_849 = arith.index_cast %get3A_847 : i32 to index
      %get3A_850 = arith.constant 80 : index
      %get3A_851 = tpu.vector_load %arg9[%get3A_848, %get3A_849, %get3A_850] {strides = array<i32>} : memref<2x8x128xi32, #tpu.memory_space<vmem>>, vector<16xi32>,
      %gather3A_852 = tpu.vector_load_idx %arg7[%get3A_851] : memref<100000xi32, #tpu.memory_space<vmem>>[vector<16xi32>], vector<16xi32>,
      %and3A_853 = vector.broadcast %squeeze3A : i32 to vector<16xi32>
      %and3A_854 = arith.andi %gather3A_846, %and3A_853 : vector<16xi32>
      %bitcast3A_855 = vector.bitcast %and3A_854 : vector<16xi32> to vector<16xf32>
      %shift_left3A_856 = arith.constant 16 : i32
      %shift_left3A_857 = vector.broadcast %shift_left3A_856 : i32 to vector<16xi32>
      %shift_left3A_858 = arith.shli %gather3A_852, %shift_left3A_857 : vector<16xi32>
      %bitcast3A_859 = vector.bitcast %shift_left3A_858 : vector<16xi32> to vector<16xf32>
      %add3A_860 = arith.addf %bitcast3A_855, %bitcast3A_859 : vector<16xf32>
      %add3A_861 = arith.constant 3 : i32
      %add3A_862 = arith.addi %mul3A_120, %add3A_861 : i32
      %swap3A_863 = arith.index_cast %add3A_862 : i32 to index
      %swap3A_864 = arith.constant 80 : index
      %swap3A_865 = tpu.vector_load %arg10[%swap3A_863, %swap3A_864] {strides = array<i32>} : memref<200x128xf32, #tpu.memory_space<vmem>>, vector<16xf32>,
      tpu.vector_store %arg10[%swap3A_863, %swap3A_864], %add3A_860 {strides = array<i32>} : memref<200x128xf32, #tpu.memory_space<vmem>>, vector<16xf32>,
      %get3A_866 = arith.constant 3 : i32
      %get3A_867 = arith.index_cast %rem3A_89 : i32 to index
      %get3A_868 = arith.index_cast %get3A_866 : i32 to index
      %get3A_869 = arith.constant 96 : index
      %get3A_870 = tpu.vector_load %arg8[%get3A_867, %get3A_868, %get3A_869] {strides = array<i32>} : memref<2x8x128xi32, #tpu.memory_space<vmem>>, vector<16xi32>,
      %gather3A_871 = tpu.vector_load_idx %arg7[%get3A_870] : memref<100000xi32, #tpu.memory_space<vmem>>[vector<16xi32>], vector<16xi32>,
      %get3A_872 = arith.constant 3 : i32
      %get3A_873 = arith.index_cast %rem3A_89 : i32 to index
      %get3A_874 = arith.index_cast %get3A_872 : i32 to index
      %get3A_875 = arith.constant 96 : index
      %get3A_876 = tpu.vector_load %arg9[%get3A_873, %get3A_874, %get3A_875] {strides = array<i32>} : memref<2x8x128xi32, #tpu.memory_space<vmem>>, vector<16xi32>,
      %gather3A_877 = tpu.vector_load_idx %arg7[%get3A_876] : memref<100000xi32, #tpu.memory_space<vmem>>[vector<16xi32>], vector<16xi32>,
      %and3A_878 = vector.broadcast %squeeze3A : i32 to vector<16xi32>
      %and3A_879 = arith.andi %gather3A_871, %and3A_878 : vector<16xi32>
      %bitcast3A_880 = vector.bitcast %and3A_879 : vector<16xi32> to vector<16xf32>
      %shift_left3A_881 = arith.constant 16 : i32
      %shift_left3A_882 = vector.broadcast %shift_left3A_881 : i32 to vector<16xi32>
      %shift_left3A_883 = arith.shli %gather3A_877, %shift_left3A_882 : vector<16xi32>
      %bitcast3A_884 = vector.bitcast %shift_left3A_883 : vector<16xi32> to vector<16xf32>
      %add3A_885 = arith.addf %bitcast3A_880, %bitcast3A_884 : vector<16xf32>
      %add3A_886 = arith.constant 3 : i32
      %add3A_887 = arith.addi %mul3A_120, %add3A_886 : i32
      %swap3A_888 = arith.index_cast %add3A_887 : i32 to index
      %swap3A_889 = arith.constant 96 : index
      %swap3A_890 = tpu.vector_load %arg10[%swap3A_888, %swap3A_889] {strides = array<i32>} : memref<200x128xf32, #tpu.memory_space<vmem>>, vector<16xf32>,
      tpu.vector_store %arg10[%swap3A_888, %swap3A_889], %add3A_885 {strides = array<i32>} : memref<200x128xf32, #tpu.memory_space<vmem>>, vector<16xf32>,
      %get3A_891 = arith.constant 3 : i32
      %get3A_892 = arith.index_cast %rem3A_89 : i32 to index
      %get3A_893 = arith.index_cast %get3A_891 : i32 to index
      %get3A_894 = arith.constant 112 : index
      %get3A_895 = tpu.vector_load %arg8[%get3A_892, %get3A_893, %get3A_894] {strides = array<i32>} : memref<2x8x128xi32, #tpu.memory_space<vmem>>, vector<16xi32>,
      %gather3A_896 = tpu.vector_load_idx %arg7[%get3A_895] : memref<100000xi32, #tpu.memory_space<vmem>>[vector<16xi32>], vector<16xi32>,
      %get3A_897 = arith.constant 3 : i32
      %get3A_898 = arith.index_cast %rem3A_89 : i32 to index
      %get3A_899 = arith.index_cast %get3A_897 : i32 to index
      %get3A_900 = arith.constant 112 : index
      %get3A_901 = tpu.vector_load %arg9[%get3A_898, %get3A_899, %get3A_900] {strides = array<i32>} : memref<2x8x128xi32, #tpu.memory_space<vmem>>, vector<16xi32>,
      %gather3A_902 = tpu.vector_load_idx %arg7[%get3A_901] : memref<100000xi32, #tpu.memory_space<vmem>>[vector<16xi32>], vector<16xi32>,
      %and3A_903 = vector.broadcast %squeeze3A : i32 to vector<16xi32>
      %and3A_904 = arith.andi %gather3A_896, %and3A_903 : vector<16xi32>
      %bitcast3A_905 = vector.bitcast %and3A_904 : vector<16xi32> to vector<16xf32>
      %shift_left3A_906 = arith.constant 16 : i32
      %shift_left3A_907 = vector.broadcast %shift_left3A_906 : i32 to vector<16xi32>
      %shift_left3A_908 = arith.shli %gather3A_902, %shift_left3A_907 : vector<16xi32>
      %bitcast3A_909 = vector.bitcast %shift_left3A_908 : vector<16xi32> to vector<16xf32>
      %add3A_910 = arith.addf %bitcast3A_905, %bitcast3A_909 : vector<16xf32>
      %add3A_911 = arith.constant 3 : i32
      %add3A_912 = arith.addi %mul3A_120, %add3A_911 : i32
      %swap3A_913 = arith.index_cast %add3A_912 : i32 to index
      %swap3A_914 = arith.constant 112 : index
      %swap3A_915 = tpu.vector_load %arg10[%swap3A_913, %swap3A_914] {strides = array<i32>} : memref<200x128xf32, #tpu.memory_space<vmem>>, vector<16xf32>,
      tpu.vector_store %arg10[%swap3A_913, %swap3A_914], %add3A_910 {strides = array<i32>} : memref<200x128xf32, #tpu.memory_space<vmem>>, vector<16xf32>,
      %get3A_916 = arith.constant 4 : i32
      %get3A_917 = arith.index_cast %rem3A_89 : i32 to index
      %get3A_918 = arith.index_cast %get3A_916 : i32 to index
      %get3A_919 = arith.constant 0 : index
      %get3A_920 = tpu.vector_load %arg8[%get3A_917, %get3A_918, %get3A_919] {strides = array<i32>} : memref<2x8x128xi32, #tpu.memory_space<vmem>>, vector<16xi32>,
      %gather3A_921 = tpu.vector_load_idx %arg7[%get3A_920] : memref<100000xi32, #tpu.memory_space<vmem>>[vector<16xi32>], vector<16xi32>,
      %get3A_922 = arith.constant 4 : i32
      %get3A_923 = arith.index_cast %rem3A_89 : i32 to index
      %get3A_924 = arith.index_cast %get3A_922 : i32 to index
      %get3A_925 = arith.constant 0 : index
      %get3A_926 = tpu.vector_load %arg9[%get3A_923, %get3A_924, %get3A_925] {strides = array<i32>} : memref<2x8x128xi32, #tpu.memory_space<vmem>>, vector<16xi32>,
      %gather3A_927 = tpu.vector_load_idx %arg7[%get3A_926] : memref<100000xi32, #tpu.memory_space<vmem>>[vector<16xi32>], vector<16xi32>,
      %and3A_928 = vector.broadcast %squeeze3A : i32 to vector<16xi32>
      %and3A_929 = arith.andi %gather3A_921, %and3A_928 : vector<16xi32>
      %bitcast3A_930 = vector.bitcast %and3A_929 : vector<16xi32> to vector<16xf32>
      %shift_left3A_931 = arith.constant 16 : i32
      %shift_left3A_932 = vector.broadcast %shift_left3A_931 : i32 to vector<16xi32>
      %shift_left3A_933 = arith.shli %gather3A_927, %shift_left3A_932 : vector<16xi32>
      %bitcast3A_934 = vector.bitcast %shift_left3A_933 : vector<16xi32> to vector<16xf32>
      %add3A_935 = arith.addf %bitcast3A_930, %bitcast3A_934 : vector<16xf32>
      %add3A_936 = arith.constant 4 : i32
      %add3A_937 = arith.addi %mul3A_120, %add3A_936 : i32
      %swap3A_938 = arith.index_cast %add3A_937 : i32 to index
      %swap3A_939 = arith.constant 0 : index
      %swap3A_940 = tpu.vector_load %arg10[%swap3A_938, %swap3A_939] {strides = array<i32>} : memref<200x128xf32, #tpu.memory_space<vmem>>, vector<16xf32>,
      tpu.vector_store %arg10[%swap3A_938, %swap3A_939], %add3A_935 {strides = array<i32>} : memref<200x128xf32, #tpu.memory_space<vmem>>, vector<16xf32>,
      %get3A_941 = arith.constant 4 : i32
      %get3A_942 = arith.index_cast %rem3A_89 : i32 to index
      %get3A_943 = arith.index_cast %get3A_941 : i32 to index
      %get3A_944 = arith.constant 16 : index
      %get3A_945 = tpu.vector_load %arg8[%get3A_942, %get3A_943, %get3A_944] {strides = array<i32>} : memref<2x8x128xi32, #tpu.memory_space<vmem>>, vector<16xi32>,
      %gather3A_946 = tpu.vector_load_idx %arg7[%get3A_945] : memref<100000xi32, #tpu.memory_space<vmem>>[vector<16xi32>], vector<16xi32>,
      %get3A_947 = arith.constant 4 : i32
      %get3A_948 = arith.index_cast %rem3A_89 : i32 to index
      %get3A_949 = arith.index_cast %get3A_947 : i32 to index
      %get3A_950 = arith.constant 16 : index
      %get3A_951 = tpu.vector_load %arg9[%get3A_948, %get3A_949, %get3A_950] {strides = array<i32>} : memref<2x8x128xi32, #tpu.memory_space<vmem>>, vector<16xi32>,
      %gather3A_952 = tpu.vector_load_idx %arg7[%get3A_951] : memref<100000xi32, #tpu.memory_space<vmem>>[vector<16xi32>], vector<16xi32>,
      %and3A_953 = vector.broadcast %squeeze3A : i32 to vector<16xi32>
      %and3A_954 = arith.andi %gather3A_946, %and3A_953 : vector<16xi32>
      %bitcast3A_955 = vector.bitcast %and3A_954 : vector<16xi32> to vector<16xf32>
      %shift_left3A_956 = arith.constant 16 : i32
      %shift_left3A_957 = vector.broadcast %shift_left3A_956 : i32 to vector<16xi32>
      %shift_left3A_958 = arith.shli %gather3A_952, %shift_left3A_957 : vector<16xi32>
      %bitcast3A_959 = vector.bitcast %shift_left3A_958 : vector<16xi32> to vector<16xf32>
      %add3A_960 = arith.addf %bitcast3A_955, %bitcast3A_959 : vector<16xf32>
      %add3A_961 = arith.constant 4 : i32
      %add3A_962 = arith.addi %mul3A_120, %add3A_961 : i32
      %swap3A_963 = arith.index_cast %add3A_962 : i32 to index
      %swap3A_964 = arith.constant 16 : index
      %swap3A_965 = tpu.vector_load %arg10[%swap3A_963, %swap3A_964] {strides = array<i32>} : memref<200x128xf32, #tpu.memory_space<vmem>>, vector<16xf32>,
      tpu.vector_store %arg10[%swap3A_963, %swap3A_964], %add3A_960 {strides = array<i32>} : memref<200x128xf32, #tpu.memory_space<vmem>>, vector<16xf32>,
      %get3A_966 = arith.constant 4 : i32
      %get3A_967 = arith.index_cast %rem3A_89 : i32 to index
      %get3A_968 = arith.index_cast %get3A_966 : i32 to index
      %get3A_969 = arith.constant 32 : index
      %get3A_970 = tpu.vector_load %arg8[%get3A_967, %get3A_968, %get3A_969] {strides = array<i32>} : memref<2x8x128xi32, #tpu.memory_space<vmem>>, vector<16xi32>,
      %gather3A_971 = tpu.vector_load_idx %arg7[%get3A_970] : memref<100000xi32, #tpu.memory_space<vmem>>[vector<16xi32>], vector<16xi32>,
      %get3A_972 = arith.constant 4 : i32
      %get3A_973 = arith.index_cast %rem3A_89 : i32 to index
      %get3A_974 = arith.index_cast %get3A_972 : i32 to index
      %get3A_975 = arith.constant 32 : index
      %get3A_976 = tpu.vector_load %arg9[%get3A_973, %get3A_974, %get3A_975] {strides = array<i32>} : memref<2x8x128xi32, #tpu.memory_space<vmem>>, vector<16xi32>,
      %gather3A_977 = tpu.vector_load_idx %arg7[%get3A_976] : memref<100000xi32, #tpu.memory_space<vmem>>[vector<16xi32>], vector<16xi32>,
      %and3A_978 = vector.broadcast %squeeze3A : i32 to vector<16xi32>
      %and3A_979 = arith.andi %gather3A_971, %and3A_978 : vector<16xi32>
      %bitcast3A_980 = vector.bitcast %and3A_979 : vector<16xi32> to vector<16xf32>
      %shift_left3A_981 = arith.constant 16 : i32
      %shift_left3A_982 = vector.broadcast %shift_left3A_981 : i32 to vector<16xi32>
      %shift_left3A_983 = arith.shli %gather3A_977, %shift_left3A_982 : vector<16xi32>
      %bitcast3A_984 = vector.bitcast %shift_left3A_983 : vector<16xi32> to vector<16xf32>
      %add3A_985 = arith.addf %bitcast3A_980, %bitcast3A_984 : vector<16xf32>
      %add3A_986 = arith.constant 4 : i32
      %add3A_987 = arith.addi %mul3A_120, %add3A_986 : i32
      %swap3A_988 = arith.index_cast %add3A_987 : i32 to index
      %swap3A_989 = arith.constant 32 : index
      %swap3A_990 = tpu.vector_load %arg10[%swap3A_988, %swap3A_989] {strides = array<i32>} : memref<200x128xf32, #tpu.memory_space<vmem>>, vector<16xf32>,
      tpu.vector_store %arg10[%swap3A_988, %swap3A_989], %add3A_985 {strides = array<i32>} : memref<200x128xf32, #tpu.memory_space<vmem>>, vector<16xf32>,
      %get3A_991 = arith.constant 4 : i32
      %get3A_992 = arith.index_cast %rem3A_89 : i32 to index
      %get3A_993 = arith.index_cast %get3A_991 : i32 to index
      %get3A_994 = arith.constant 48 : index
      %get3A_995 = tpu.vector_load %arg8[%get3A_992, %get3A_993, %get3A_994] {strides = array<i32>} : memref<2x8x128xi32, #tpu.memory_space<vmem>>, vector<16xi32>,
      %gather3A_996 = tpu.vector_load_idx %arg7[%get3A_995] : memref<100000xi32, #tpu.memory_space<vmem>>[vector<16xi32>], vector<16xi32>,
      %get3A_997 = arith.constant 4 : i32
      %get3A_998 = arith.index_cast %rem3A_89 : i32 to index
      %get3A_999 = arith.index_cast %get3A_997 : i32 to index
      %get3A_1000 = arith.constant 48 : index
      %get3A_1001 = tpu.vector_load %arg9[%get3A_998, %get3A_999, %get3A_1000] {strides = array<i32>} : memref<2x8x128xi32, #tpu.memory_space<vmem>>, vector<16xi32>,
      %gather3A_1002 = tpu.vector_load_idx %arg7[%get3A_1001] : memref<100000xi32, #tpu.memory_space<vmem>>[vector<16xi32>], vector<16xi32>,
      %and3A_1003 = vector.broadcast %squeeze3A : i32 to vector<16xi32>
      %and3A_1004 = arith.andi %gather3A_996, %and3A_1003 : vector<16xi32>
      %bitcast3A_1005 = vector.bitcast %and3A_1004 : vector<16xi32> to vector<16xf32>
      %shift_left3A_1006 = arith.constant 16 : i32
      %shift_left3A_1007 = vector.broadcast %shift_left3A_1006 : i32 to vector<16xi32>
      %shift_left3A_1008 = arith.shli %gather3A_1002, %shift_left3A_1007 : vector<16xi32>
      %bitcast3A_1009 = vector.bitcast %shift_left3A_1008 : vector<16xi32> to vector<16xf32>
      %add3A_1010 = arith.addf %bitcast3A_1005, %bitcast3A_1009 : vector<16xf32>
      %add3A_1011 = arith.constant 4 : i32
      %add3A_1012 = arith.addi %mul3A_120, %add3A_1011 : i32
      %swap3A_1013 = arith.index_cast %add3A_1012 : i32 to index
      %swap3A_1014 = arith.constant 48 : index
      %swap3A_1015 = tpu.vector_load %arg10[%swap3A_1013, %swap3A_1014] {strides = array<i32>} : memref<200x128xf32, #tpu.memory_space<vmem>>, vector<16xf32>,
      tpu.vector_store %arg10[%swap3A_1013, %swap3A_1014], %add3A_1010 {strides = array<i32>} : memref<200x128xf32, #tpu.memory_space<vmem>>, vector<16xf32>,
      %get3A_1016 = arith.constant 4 : i32
      %get3A_1017 = arith.index_cast %rem3A_89 : i32 to index
      %get3A_1018 = arith.index_cast %get3A_1016 : i32 to index
      %get3A_1019 = arith.constant 64 : index
      %get3A_1020 = tpu.vector_load %arg8[%get3A_1017, %get3A_1018, %get3A_1019] {strides = array<i32>} : memref<2x8x128xi32, #tpu.memory_space<vmem>>, vector<16xi32>,
      %gather3A_1021 = tpu.vector_load_idx %arg7[%get3A_1020] : memref<100000xi32, #tpu.memory_space<vmem>>[vector<16xi32>], vector<16xi32>,
      %get3A_1022 = arith.constant 4 : i32
      %get3A_1023 = arith.index_cast %rem3A_89 : i32 to index
      %get3A_1024 = arith.index_cast %get3A_1022 : i32 to index
      %get3A_1025 = arith.constant 64 : index
      %get3A_1026 = tpu.vector_load %arg9[%get3A_1023, %get3A_1024, %get3A_1025] {strides = array<i32>} : memref<2x8x128xi32, #tpu.memory_space<vmem>>, vector<16xi32>,
      %gather3A_1027 = tpu.vector_load_idx %arg7[%get3A_1026] : memref<100000xi32, #tpu.memory_space<vmem>>[vector<16xi32>], vector<16xi32>,
      %and3A_1028 = vector.broadcast %squeeze3A : i32 to vector<16xi32>
      %and3A_1029 = arith.andi %gather3A_1021, %and3A_1028 : vector<16xi32>
      %bitcast3A_1030 = vector.bitcast %and3A_1029 : vector<16xi32> to vector<16xf32>
      %shift_left3A_1031 = arith.constant 16 : i32
      %shift_left3A_1032 = vector.broadcast %shift_left3A_1031 : i32 to vector<16xi32>
      %shift_left3A_1033 = arith.shli %gather3A_1027, %shift_left3A_1032 : vector<16xi32>
      %bitcast3A_1034 = vector.bitcast %shift_left3A_1033 : vector<16xi32> to vector<16xf32>
      %add3A_1035 = arith.addf %bitcast3A_1030, %bitcast3A_1034 : vector<16xf32>
      %add3A_1036 = arith.constant 4 : i32
      %add3A_1037 = arith.addi %mul3A_120, %add3A_1036 : i32
      %swap3A_1038 = arith.index_cast %add3A_1037 : i32 to index
      %swap3A_1039 = arith.constant 64 : index
      %swap3A_1040 = tpu.vector_load %arg10[%swap3A_1038, %swap3A_1039] {strides = array<i32>} : memref<200x128xf32, #tpu.memory_space<vmem>>, vector<16xf32>,
      tpu.vector_store %arg10[%swap3A_1038, %swap3A_1039], %add3A_1035 {strides = array<i32>} : memref<200x128xf32, #tpu.memory_space<vmem>>, vector<16xf32>,
      %get3A_1041 = arith.constant 4 : i32
      %get3A_1042 = arith.index_cast %rem3A_89 : i32 to index
      %get3A_1043 = arith.index_cast %get3A_1041 : i32 to index
      %get3A_1044 = arith.constant 80 : index
      %get3A_1045 = tpu.vector_load %arg8[%get3A_1042, %get3A_1043, %get3A_1044] {strides = array<i32>} : memref<2x8x128xi32, #tpu.memory_space<vmem>>, vector<16xi32>,
      %gather3A_1046 = tpu.vector_load_idx %arg7[%get3A_1045] : memref<100000xi32, #tpu.memory_space<vmem>>[vector<16xi32>], vector<16xi32>,
      %get3A_1047 = arith.constant 4 : i32
      %get3A_1048 = arith.index_cast %rem3A_89 : i32 to index
      %get3A_1049 = arith.index_cast %get3A_1047 : i32 to index
      %get3A_1050 = arith.constant 80 : index
      %get3A_1051 = tpu.vector_load %arg9[%get3A_1048, %get3A_1049, %get3A_1050] {strides = array<i32>} : memref<2x8x128xi32, #tpu.memory_space<vmem>>, vector<16xi32>,
      %gather3A_1052 = tpu.vector_load_idx %arg7[%get3A_1051] : memref<100000xi32, #tpu.memory_space<vmem>>[vector<16xi32>], vector<16xi32>,
      %and3A_1053 = vector.broadcast %squeeze3A : i32 to vector<16xi32>
      %and3A_1054 = arith.andi %gather3A_1046, %and3A_1053 : vector<16xi32>
      %bitcast3A_1055 = vector.bitcast %and3A_1054 : vector<16xi32> to vector<16xf32>
      %shift_left3A_1056 = arith.constant 16 : i32
      %shift_left3A_1057 = vector.broadcast %shift_left3A_1056 : i32 to vector<16xi32>
      %shift_left3A_1058 = arith.shli %gather3A_1052, %shift_left3A_1057 : vector<16xi32>
      %bitcast3A_1059 = vector.bitcast %shift_left3A_1058 : vector<16xi32> to vector<16xf32>
      %add3A_1060 = arith.addf %bitcast3A_1055, %bitcast3A_1059 : vector<16xf32>
      %add3A_1061 = arith.constant 4 : i32
      %add3A_1062 = arith.addi %mul3A_120, %add3A_1061 : i32
      %swap3A_1063 = arith.index_cast %add3A_1062 : i32 to index
      %swap3A_1064 = arith.constant 80 : index
      %swap3A_1065 = tpu.vector_load %arg10[%swap3A_1063, %swap3A_1064] {strides = array<i32>} : memref<200x128xf32, #tpu.memory_space<vmem>>, vector<16xf32>,
      tpu.vector_store %arg10[%swap3A_1063, %swap3A_1064], %add3A_1060 {strides = array<i32>} : memref<200x128xf32, #tpu.memory_space<vmem>>, vector<16xf32>,
      %get3A_1066 = arith.constant 4 : i32
      %get3A_1067 = arith.index_cast %rem3A_89 : i32 to index
      %get3A_1068 = arith.index_cast %get3A_1066 : i32 to index
      %get3A_1069 = arith.constant 96 : index
      %get3A_1070 = tpu.vector_load %arg8[%get3A_1067, %get3A_1068, %get3A_1069] {strides = array<i32>} : memref<2x8x128xi32, #tpu.memory_space<vmem>>, vector<16xi32>,
      %gather3A_1071 = tpu.vector_load_idx %arg7[%get3A_1070] : memref<100000xi32, #tpu.memory_space<vmem>>[vector<16xi32>], vector<16xi32>,
      %get3A_1072 = arith.constant 4 : i32
      %get3A_1073 = arith.index_cast %rem3A_89 : i32 to index
      %get3A_1074 = arith.index_cast %get3A_1072 : i32 to index
      %get3A_1075 = arith.constant 96 : index
      %get3A_1076 = tpu.vector_load %arg9[%get3A_1073, %get3A_1074, %get3A_1075] {strides = array<i32>} : memref<2x8x128xi32, #tpu.memory_space<vmem>>, vector<16xi32>,
      %gather3A_1077 = tpu.vector_load_idx %arg7[%get3A_1076] : memref<100000xi32, #tpu.memory_space<vmem>>[vector<16xi32>], vector<16xi32>,
      %and3A_1078 = vector.broadcast %squeeze3A : i32 to vector<16xi32>
      %and3A_1079 = arith.andi %gather3A_1071, %and3A_1078 : vector<16xi32>
      %bitcast3A_1080 = vector.bitcast %and3A_1079 : vector<16xi32> to vector<16xf32>
      %shift_left3A_1081 = arith.constant 16 : i32
      %shift_left3A_1082 = vector.broadcast %shift_left3A_1081 : i32 to vector<16xi32>
      %shift_left3A_1083 = arith.shli %gather3A_1077, %shift_left3A_1082 : vector<16xi32>
      %bitcast3A_1084 = vector.bitcast %shift_left3A_1083 : vector<16xi32> to vector<16xf32>
      %add3A_1085 = arith.addf %bitcast3A_1080, %bitcast3A_1084 : vector<16xf32>
      %add3A_1086 = arith.constant 4 : i32
      %add3A_1087 = arith.addi %mul3A_120, %add3A_1086 : i32
      %swap3A_1088 = arith.index_cast %add3A_1087 : i32 to index
      %swap3A_1089 = arith.constant 96 : index
      %swap3A_1090 = tpu.vector_load %arg10[%swap3A_1088, %swap3A_1089] {strides = array<i32>} : memref<200x128xf32, #tpu.memory_space<vmem>>, vector<16xf32>,
      tpu.vector_store %arg10[%swap3A_1088, %swap3A_1089], %add3A_1085 {strides = array<i32>} : memref<200x128xf32, #tpu.memory_space<vmem>>, vector<16xf32>,
      %get3A_1091 = arith.constant 4 : i32
      %get3A_1092 = arith.index_cast %rem3A_89 : i32 to index
      %get3A_1093 = arith.index_cast %get3A_1091 : i32 to index
      %get3A_1094 = arith.constant 112 : index
      %get3A_1095 = tpu.vector_load %arg8[%get3A_1092, %get3A_1093, %get3A_1094] {strides = array<i32>} : memref<2x8x128xi32, #tpu.memory_space<vmem>>, vector<16xi32>,
      %gather3A_1096 = tpu.vector_load_idx %arg7[%get3A_1095] : memref<100000xi32, #tpu.memory_space<vmem>>[vector<16xi32>], vector<16xi32>,
      %get3A_1097 = arith.constant 4 : i32
      %get3A_1098 = arith.index_cast %rem3A_89 : i32 to index
      %get3A_1099 = arith.index_cast %get3A_1097 : i32 to index
      %get3A_1100 = arith.constant 112 : index
      %get3A_1101 = tpu.vector_load %arg9[%get3A_1098, %get3A_1099, %get3A_1100] {strides = array<i32>} : memref<2x8x128xi32, #tpu.memory_space<vmem>>, vector<16xi32>,
      %gather3A_1102 = tpu.vector_load_idx %arg7[%get3A_1101] : memref<100000xi32, #tpu.memory_space<vmem>>[vector<16xi32>], vector<16xi32>,
      %and3A_1103 = vector.broadcast %squeeze3A : i32 to vector<16xi32>
      %and3A_1104 = arith.andi %gather3A_1096, %and3A_1103 : vector<16xi32>
      %bitcast3A_1105 = vector.bitcast %and3A_1104 : vector<16xi32> to vector<16xf32>
      %shift_left3A_1106 = arith.constant 16 : i32
      %shift_left3A_1107 = vector.broadcast %shift_left3A_1106 : i32 to vector<16xi32>
      %shift_left3A_1108 = arith.shli %gather3A_1102, %shift_left3A_1107 : vector<16xi32>
      %bitcast3A_1109 = vector.bitcast %shift_left3A_1108 : vector<16xi32> to vector<16xf32>
      %add3A_1110 = arith.addf %bitcast3A_1105, %bitcast3A_1109 : vector<16xf32>
      %add3A_1111 = arith.constant 4 : i32
      %add3A_1112 = arith.addi %mul3A_120, %add3A_1111 : i32
      %swap3A_1113 = arith.index_cast %add3A_1112 : i32 to index
      %swap3A_1114 = arith.constant 112 : index
      %swap3A_1115 = tpu.vector_load %arg10[%swap3A_1113, %swap3A_1114] {strides = array<i32>} : memref<200x128xf32, #tpu.memory_space<vmem>>, vector<16xf32>,
      tpu.vector_store %arg10[%swap3A_1113, %swap3A_1114], %add3A_1110 {strides = array<i32>} : memref<200x128xf32, #tpu.memory_space<vmem>>, vector<16xf32>,
      %get3A_1116 = arith.constant 5 : i32
      %get3A_1117 = arith.index_cast %rem3A_89 : i32 to index
      %get3A_1118 = arith.index_cast %get3A_1116 : i32 to index
      %get3A_1119 = arith.constant 0 : index
      %get3A_1120 = tpu.vector_load %arg8[%get3A_1117, %get3A_1118, %get3A_1119] {strides = array<i32>} : memref<2x8x128xi32, #tpu.memory_space<vmem>>, vector<16xi32>,
      %gather3A_1121 = tpu.vector_load_idx %arg7[%get3A_1120] : memref<100000xi32, #tpu.memory_space<vmem>>[vector<16xi32>], vector<16xi32>,
      %get3A_1122 = arith.constant 5 : i32
      %get3A_1123 = arith.index_cast %rem3A_89 : i32 to index
      %get3A_1124 = arith.index_cast %get3A_1122 : i32 to index
      %get3A_1125 = arith.constant 0 : index
      %get3A_1126 = tpu.vector_load %arg9[%get3A_1123, %get3A_1124, %get3A_1125] {strides = array<i32>} : memref<2x8x128xi32, #tpu.memory_space<vmem>>, vector<16xi32>,
      %gather3A_1127 = tpu.vector_load_idx %arg7[%get3A_1126] : memref<100000xi32, #tpu.memory_space<vmem>>[vector<16xi32>], vector<16xi32>,
      %and3A_1128 = vector.broadcast %squeeze3A : i32 to vector<16xi32>
      %and3A_1129 = arith.andi %gather3A_1121, %and3A_1128 : vector<16xi32>
      %bitcast3A_1130 = vector.bitcast %and3A_1129 : vector<16xi32> to vector<16xf32>
      %shift_left3A_1131 = arith.constant 16 : i32
      %shift_left3A_1132 = vector.broadcast %shift_left3A_1131 : i32 to vector<16xi32>
      %shift_left3A_1133 = arith.shli %gather3A_1127, %shift_left3A_1132 : vector<16xi32>
      %bitcast3A_1134 = vector.bitcast %shift_left3A_1133 : vector<16xi32> to vector<16xf32>
      %add3A_1135 = arith.addf %bitcast3A_1130, %bitcast3A_1134 : vector<16xf32>
      %add3A_1136 = arith.constant 5 : i32
      %add3A_1137 = arith.addi %mul3A_120, %add3A_1136 : i32
      %swap3A_1138 = arith.index_cast %add3A_1137 : i32 to index
      %swap3A_1139 = arith.constant 0 : index
      %swap3A_1140 = tpu.vector_load %arg10[%swap3A_1138, %swap3A_1139] {strides = array<i32>} : memref<200x128xf32, #tpu.memory_space<vmem>>, vector<16xf32>,
      tpu.vector_store %arg10[%swap3A_1138, %swap3A_1139], %add3A_1135 {strides = array<i32>} : memref<200x128xf32, #tpu.memory_space<vmem>>, vector<16xf32>,
      %get3A_1141 = arith.constant 5 : i32
      %get3A_1142 = arith.index_cast %rem3A_89 : i32 to index
      %get3A_1143 = arith.index_cast %get3A_1141 : i32 to index
      %get3A_1144 = arith.constant 16 : index
      %get3A_1145 = tpu.vector_load %arg8[%get3A_1142, %get3A_1143, %get3A_1144] {strides = array<i32>} : memref<2x8x128xi32, #tpu.memory_space<vmem>>, vector<16xi32>,
      %gather3A_1146 = tpu.vector_load_idx %arg7[%get3A_1145] : memref<100000xi32, #tpu.memory_space<vmem>>[vector<16xi32>], vector<16xi32>,
      %get3A_1147 = arith.constant 5 : i32
      %get3A_1148 = arith.index_cast %rem3A_89 : i32 to index
      %get3A_1149 = arith.index_cast %get3A_1147 : i32 to index
      %get3A_1150 = arith.constant 16 : index
      %get3A_1151 = tpu.vector_load %arg9[%get3A_1148, %get3A_1149, %get3A_1150] {strides = array<i32>} : memref<2x8x128xi32, #tpu.memory_space<vmem>>, vector<16xi32>,
      %gather3A_1152 = tpu.vector_load_idx %arg7[%get3A_1151] : memref<100000xi32, #tpu.memory_space<vmem>>[vector<16xi32>], vector<16xi32>,
      %and3A_1153 = vector.broadcast %squeeze3A : i32 to vector<16xi32>
      %and3A_1154 = arith.andi %gather3A_1146, %and3A_1153 : vector<16xi32>
      %bitcast3A_1155 = vector.bitcast %and3A_1154 : vector<16xi32> to vector<16xf32>
      %shift_left3A_1156 = arith.constant 16 : i32
      %shift_left3A_1157 = vector.broadcast %shift_left3A_1156 : i32 to vector<16xi32>
      %shift_left3A_1158 = arith.shli %gather3A_1152, %shift_left3A_1157 : vector<16xi32>
      %bitcast3A_1159 = vector.bitcast %shift_left3A_1158 : vector<16xi32> to vector<16xf32>
      %add3A_1160 = arith.addf %bitcast3A_1155, %bitcast3A_1159 : vector<16xf32>
      %add3A_1161 = arith.constant 5 : i32
      %add3A_1162 = arith.addi %mul3A_120, %add3A_1161 : i32
      %swap3A_1163 = arith.index_cast %add3A_1162 : i32 to index
      %swap3A_1164 = arith.constant 16 : index
      %swap3A_1165 = tpu.vector_load %arg10[%swap3A_1163, %swap3A_1164] {strides = array<i32>} : memref<200x128xf32, #tpu.memory_space<vmem>>, vector<16xf32>,
      tpu.vector_store %arg10[%swap3A_1163, %swap3A_1164], %add3A_1160 {strides = array<i32>} : memref<200x128xf32, #tpu.memory_space<vmem>>, vector<16xf32>,
      %get3A_1166 = arith.constant 5 : i32
      %get3A_1167 = arith.index_cast %rem3A_89 : i32 to index
      %get3A_1168 = arith.index_cast %get3A_1166 : i32 to index
      %get3A_1169 = arith.constant 32 : index
      %get3A_1170 = tpu.vector_load %arg8[%get3A_1167, %get3A_1168, %get3A_1169] {strides = array<i32>} : memref<2x8x128xi32, #tpu.memory_space<vmem>>, vector<16xi32>,
      %gather3A_1171 = tpu.vector_load_idx %arg7[%get3A_1170] : memref<100000xi32, #tpu.memory_space<vmem>>[vector<16xi32>], vector<16xi32>,
      %get3A_1172 = arith.constant 5 : i32
      %get3A_1173 = arith.index_cast %rem3A_89 : i32 to index
      %get3A_1174 = arith.index_cast %get3A_1172 : i32 to index
      %get3A_1175 = arith.constant 32 : index
      %get3A_1176 = tpu.vector_load %arg9[%get3A_1173, %get3A_1174, %get3A_1175] {strides = array<i32>} : memref<2x8x128xi32, #tpu.memory_space<vmem>>, vector<16xi32>,
      %gather3A_1177 = tpu.vector_load_idx %arg7[%get3A_1176] : memref<100000xi32, #tpu.memory_space<vmem>>[vector<16xi32>], vector<16xi32>,
      %and3A_1178 = vector.broadcast %squeeze3A : i32 to vector<16xi32>
      %and3A_1179 = arith.andi %gather3A_1171, %and3A_1178 : vector<16xi32>
      %bitcast3A_1180 = vector.bitcast %and3A_1179 : vector<16xi32> to vector<16xf32>
      %shift_left3A_1181 = arith.constant 16 : i32
      %shift_left3A_1182 = vector.broadcast %shift_left3A_1181 : i32 to vector<16xi32>
      %shift_left3A_1183 = arith.shli %gather3A_1177, %shift_left3A_1182 : vector<16xi32>
      %bitcast3A_1184 = vector.bitcast %shift_left3A_1183 : vector<16xi32> to vector<16xf32>
      %add3A_1185 = arith.addf %bitcast3A_1180, %bitcast3A_1184 : vector<16xf32>
      %add3A_1186 = arith.constant 5 : i32
      %add3A_1187 = arith.addi %mul3A_120, %add3A_1186 : i32
      %swap3A_1188 = arith.index_cast %add3A_1187 : i32 to index
      %swap3A_1189 = arith.constant 32 : index
      %swap3A_1190 = tpu.vector_load %arg10[%swap3A_1188, %swap3A_1189] {strides = array<i32>} : memref<200x128xf32, #tpu.memory_space<vmem>>, vector<16xf32>,
      tpu.vector_store %arg10[%swap3A_1188, %swap3A_1189], %add3A_1185 {strides = array<i32>} : memref<200x128xf32, #tpu.memory_space<vmem>>, vector<16xf32>,
      %get3A_1191 = arith.constant 5 : i32
      %get3A_1192 = arith.index_cast %rem3A_89 : i32 to index
      %get3A_1193 = arith.index_cast %get3A_1191 : i32 to index
      %get3A_1194 = arith.constant 48 : index
      %get3A_1195 = tpu.vector_load %arg8[%get3A_1192, %get3A_1193, %get3A_1194] {strides = array<i32>} : memref<2x8x128xi32, #tpu.memory_space<vmem>>, vector<16xi32>,
      %gather3A_1196 = tpu.vector_load_idx %arg7[%get3A_1195] : memref<100000xi32, #tpu.memory_space<vmem>>[vector<16xi32>], vector<16xi32>,
      %get3A_1197 = arith.constant 5 : i32
      %get3A_1198 = arith.index_cast %rem3A_89 : i32 to index
      %get3A_1199 = arith.index_cast %get3A_1197 : i32 to index
      %get3A_1200 = arith.constant 48 : index
      %get3A_1201 = tpu.vector_load %arg9[%get3A_1198, %get3A_1199, %get3A_1200] {strides = array<i32>} : memref<2x8x128xi32, #tpu.memory_space<vmem>>, vector<16xi32>,
      %gather3A_1202 = tpu.vector_load_idx %arg7[%get3A_1201] : memref<100000xi32, #tpu.memory_space<vmem>>[vector<16xi32>], vector<16xi32>,
      %and3A_1203 = vector.broadcast %squeeze3A : i32 to vector<16xi32>
      %and3A_1204 = arith.andi %gather3A_1196, %and3A_1203 : vector<16xi32>
      %bitcast3A_1205 = vector.bitcast %and3A_1204 : vector<16xi32> to vector<16xf32>
      %shift_left3A_1206 = arith.constant 16 : i32
      %shift_left3A_1207 = vector.broadcast %shift_left3A_1206 : i32 to vector<16xi32>
      %shift_left3A_1208 = arith.shli %gather3A_1202, %shift_left3A_1207 : vector<16xi32>
      %bitcast3A_1209 = vector.bitcast %shift_left3A_1208 : vector<16xi32> to vector<16xf32>
      %add3A_1210 = arith.addf %bitcast3A_1205, %bitcast3A_1209 : vector<16xf32>
      %add3A_1211 = arith.constant 5 : i32
      %add3A_1212 = arith.addi %mul3A_120, %add3A_1211 : i32
      %swap3A_1213 = arith.index_cast %add3A_1212 : i32 to index
      %swap3A_1214 = arith.constant 48 : index
      %swap3A_1215 = tpu.vector_load %arg10[%swap3A_1213, %swap3A_1214] {strides = array<i32>} : memref<200x128xf32, #tpu.memory_space<vmem>>, vector<16xf32>,
      tpu.vector_store %arg10[%swap3A_1213, %swap3A_1214], %add3A_1210 {strides = array<i32>} : memref<200x128xf32, #tpu.memory_space<vmem>>, vector<16xf32>,
      %get3A_1216 = arith.constant 5 : i32
      %get3A_1217 = arith.index_cast %rem3A_89 : i32 to index
      %get3A_1218 = arith.index_cast %get3A_1216 : i32 to index
      %get3A_1219 = arith.constant 64 : index
      %get3A_1220 = tpu.vector_load %arg8[%get3A_1217, %get3A_1218, %get3A_1219] {strides = array<i32>} : memref<2x8x128xi32, #tpu.memory_space<vmem>>, vector<16xi32>,
      %gather3A_1221 = tpu.vector_load_idx %arg7[%get3A_1220] : memref<100000xi32, #tpu.memory_space<vmem>>[vector<16xi32>], vector<16xi32>,
      %get3A_1222 = arith.constant 5 : i32
      %get3A_1223 = arith.index_cast %rem3A_89 : i32 to index
      %get3A_1224 = arith.index_cast %get3A_1222 : i32 to index
      %get3A_1225 = arith.constant 64 : index
      %get3A_1226 = tpu.vector_load %arg9[%get3A_1223, %get3A_1224, %get3A_1225] {strides = array<i32>} : memref<2x8x128xi32, #tpu.memory_space<vmem>>, vector<16xi32>,
      %gather3A_1227 = tpu.vector_load_idx %arg7[%get3A_1226] : memref<100000xi32, #tpu.memory_space<vmem>>[vector<16xi32>], vector<16xi32>,
      %and3A_1228 = vector.broadcast %squeeze3A : i32 to vector<16xi32>
      %and3A_1229 = arith.andi %gather3A_1221, %and3A_1228 : vector<16xi32>
      %bitcast3A_1230 = vector.bitcast %and3A_1229 : vector<16xi32> to vector<16xf32>
      %shift_left3A_1231 = arith.constant 16 : i32
      %shift_left3A_1232 = vector.broadcast %shift_left3A_1231 : i32 to vector<16xi32>
      %shift_left3A_1233 = arith.shli %gather3A_1227, %shift_left3A_1232 : vector<16xi32>
      %bitcast3A_1234 = vector.bitcast %shift_left3A_1233 : vector<16xi32> to vector<16xf32>
      %add3A_1235 = arith.addf %bitcast3A_1230, %bitcast3A_1234 : vector<16xf32>
      %add3A_1236 = arith.constant 5 : i32
      %add3A_1237 = arith.addi %mul3A_120, %add3A_1236 : i32
      %swap3A_1238 = arith.index_cast %add3A_1237 : i32 to index
      %swap3A_1239 = arith.constant 64 : index
      %swap3A_1240 = tpu.vector_load %arg10[%swap3A_1238, %swap3A_1239] {strides = array<i32>} : memref<200x128xf32, #tpu.memory_space<vmem>>, vector<16xf32>,
      tpu.vector_store %arg10[%swap3A_1238, %swap3A_1239], %add3A_1235 {strides = array<i32>} : memref<200x128xf32, #tpu.memory_space<vmem>>, vector<16xf32>,
      %get3A_1241 = arith.constant 5 : i32
      %get3A_1242 = arith.index_cast %rem3A_89 : i32 to index
      %get3A_1243 = arith.index_cast %get3A_1241 : i32 to index
      %get3A_1244 = arith.constant 80 : index
      %get3A_1245 = tpu.vector_load %arg8[%get3A_1242, %get3A_1243, %get3A_1244] {strides = array<i32>} : memref<2x8x128xi32, #tpu.memory_space<vmem>>, vector<16xi32>,
      %gather3A_1246 = tpu.vector_load_idx %arg7[%get3A_1245] : memref<100000xi32, #tpu.memory_space<vmem>>[vector<16xi32>], vector<16xi32>,
      %get3A_1247 = arith.constant 5 : i32
      %get3A_1248 = arith.index_cast %rem3A_89 : i32 to index
      %get3A_1249 = arith.index_cast %get3A_1247 : i32 to index
      %get3A_1250 = arith.constant 80 : index
      %get3A_1251 = tpu.vector_load %arg9[%get3A_1248, %get3A_1249, %get3A_1250] {strides = array<i32>} : memref<2x8x128xi32, #tpu.memory_space<vmem>>, vector<16xi32>,
      %gather3A_1252 = tpu.vector_load_idx %arg7[%get3A_1251] : memref<100000xi32, #tpu.memory_space<vmem>>[vector<16xi32>], vector<16xi32>,
      %and3A_1253 = vector.broadcast %squeeze3A : i32 to vector<16xi32>
      %and3A_1254 = arith.andi %gather3A_1246, %and3A_1253 : vector<16xi32>
      %bitcast3A_1255 = vector.bitcast %and3A_1254 : vector<16xi32> to vector<16xf32>
      %shift_left3A_1256 = arith.constant 16 : i32
      %shift_left3A_1257 = vector.broadcast %shift_left3A_1256 : i32 to vector<16xi32>
      %shift_left3A_1258 = arith.shli %gather3A_1252, %shift_left3A_1257 : vector<16xi32>
      %bitcast3A_1259 = vector.bitcast %shift_left3A_1258 : vector<16xi32> to vector<16xf32>
      %add3A_1260 = arith.addf %bitcast3A_1255, %bitcast3A_1259 : vector<16xf32>
      %add3A_1261 = arith.constant 5 : i32
      %add3A_1262 = arith.addi %mul3A_120, %add3A_1261 : i32
      %swap3A_1263 = arith.index_cast %add3A_1262 : i32 to index
      %swap3A_1264 = arith.constant 80 : index
      %swap3A_1265 = tpu.vector_load %arg10[%swap3A_1263, %swap3A_1264] {strides = array<i32>} : memref<200x128xf32, #tpu.memory_space<vmem>>, vector<16xf32>,
      tpu.vector_store %arg10[%swap3A_1263, %swap3A_1264], %add3A_1260 {strides = array<i32>} : memref<200x128xf32, #tpu.memory_space<vmem>>, vector<16xf32>,
      %get3A_1266 = arith.constant 5 : i32
      %get3A_1267 = arith.index_cast %rem3A_89 : i32 to index
      %get3A_1268 = arith.index_cast %get3A_1266 : i32 to index
      %get3A_1269 = arith.constant 96 : index
      %get3A_1270 = tpu.vector_load %arg8[%get3A_1267, %get3A_1268, %get3A_1269] {strides = array<i32>} : memref<2x8x128xi32, #tpu.memory_space<vmem>>, vector<16xi32>,
      %gather3A_1271 = tpu.vector_load_idx %arg7[%get3A_1270] : memref<100000xi32, #tpu.memory_space<vmem>>[vector<16xi32>], vector<16xi32>,
      %get3A_1272 = arith.constant 5 : i32
      %get3A_1273 = arith.index_cast %rem3A_89 : i32 to index
      %get3A_1274 = arith.index_cast %get3A_1272 : i32 to index
      %get3A_1275 = arith.constant 96 : index
      %get3A_1276 = tpu.vector_load %arg9[%get3A_1273, %get3A_1274, %get3A_1275] {strides = array<i32>} : memref<2x8x128xi32, #tpu.memory_space<vmem>>, vector<16xi32>,
      %gather3A_1277 = tpu.vector_load_idx %arg7[%get3A_1276] : memref<100000xi32, #tpu.memory_space<vmem>>[vector<16xi32>], vector<16xi32>,
      %and3A_1278 = vector.broadcast %squeeze3A : i32 to vector<16xi32>
      %and3A_1279 = arith.andi %gather3A_1271, %and3A_1278 : vector<16xi32>
      %bitcast3A_1280 = vector.bitcast %and3A_1279 : vector<16xi32> to vector<16xf32>
      %shift_left3A_1281 = arith.constant 16 : i32
      %shift_left3A_1282 = vector.broadcast %shift_left3A_1281 : i32 to vector<16xi32>
      %shift_left3A_1283 = arith.shli %gather3A_1277, %shift_left3A_1282 : vector<16xi32>
      %bitcast3A_1284 = vector.bitcast %shift_left3A_1283 : vector<16xi32> to vector<16xf32>
      %add3A_1285 = arith.addf %bitcast3A_1280, %bitcast3A_1284 : vector<16xf32>
      %add3A_1286 = arith.constant 5 : i32
      %add3A_1287 = arith.addi %mul3A_120, %add3A_1286 : i32
      %swap3A_1288 = arith.index_cast %add3A_1287 : i32 to index
      %swap3A_1289 = arith.constant 96 : index
      %swap3A_1290 = tpu.vector_load %arg10[%swap3A_1288, %swap3A_1289] {strides = array<i32>} : memref<200x128xf32, #tpu.memory_space<vmem>>, vector<16xf32>,
      tpu.vector_store %arg10[%swap3A_1288, %swap3A_1289], %add3A_1285 {strides = array<i32>} : memref<200x128xf32, #tpu.memory_space<vmem>>, vector<16xf32>,
      %get3A_1291 = arith.constant 5 : i32
      %get3A_1292 = arith.index_cast %rem3A_89 : i32 to index
      %get3A_1293 = arith.index_cast %get3A_1291 : i32 to index
      %get3A_1294 = arith.constant 112 : index
      %get3A_1295 = tpu.vector_load %arg8[%get3A_1292, %get3A_1293, %get3A_1294] {strides = array<i32>} : memref<2x8x128xi32, #tpu.memory_space<vmem>>, vector<16xi32>,
      %gather3A_1296 = tpu.vector_load_idx %arg7[%get3A_1295] : memref<100000xi32, #tpu.memory_space<vmem>>[vector<16xi32>], vector<16xi32>,
      %get3A_1297 = arith.constant 5 : i32
      %get3A_1298 = arith.index_cast %rem3A_89 : i32 to index
      %get3A_1299 = arith.index_cast %get3A_1297 : i32 to index
      %get3A_1300 = arith.constant 112 : index
      %get3A_1301 = tpu.vector_load %arg9[%get3A_1298, %get3A_1299, %get3A_1300] {strides = array<i32>} : memref<2x8x128xi32, #tpu.memory_space<vmem>>, vector<16xi32>,
      %gather3A_1302 = tpu.vector_load_idx %arg7[%get3A_1301] : memref<100000xi32, #tpu.memory_space<vmem>>[vector<16xi32>], vector<16xi32>,
      %and3A_1303 = vector.broadcast %squeeze3A : i32 to vector<16xi32>
      %and3A_1304 = arith.andi %gather3A_1296, %and3A_1303 : vector<16xi32>
      %bitcast3A_1305 = vector.bitcast %and3A_1304 : vector<16xi32> to vector<16xf32>
      %shift_left3A_1306 = arith.constant 16 : i32
      %shift_left3A_1307 = vector.broadcast %shift_left3A_1306 : i32 to vector<16xi32>
      %shift_left3A_1308 = arith.shli %gather3A_1302, %shift_left3A_1307 : vector<16xi32>
      %bitcast3A_1309 = vector.bitcast %shift_left3A_1308 : vector<16xi32> to vector<16xf32>
      %add3A_1310 = arith.addf %bitcast3A_1305, %bitcast3A_1309 : vector<16xf32>
      %add3A_1311 = arith.constant 5 : i32
      %add3A_1312 = arith.addi %mul3A_120, %add3A_1311 : i32
      %swap3A_1313 = arith.index_cast %add3A_1312 : i32 to index
      %swap3A_1314 = arith.constant 112 : index
      %swap3A_1315 = tpu.vector_load %arg10[%swap3A_1313, %swap3A_1314] {strides = array<i32>} : memref<200x128xf32, #tpu.memory_space<vmem>>, vector<16xf32>,
      tpu.vector_store %arg10[%swap3A_1313, %swap3A_1314], %add3A_1310 {strides = array<i32>} : memref<200x128xf32, #tpu.memory_space<vmem>>, vector<16xf32>,
      %get3A_1316 = arith.constant 6 : i32
      %get3A_1317 = arith.index_cast %rem3A_89 : i32 to index
      %get3A_1318 = arith.index_cast %get3A_1316 : i32 to index
      %get3A_1319 = arith.constant 0 : index
      %get3A_1320 = tpu.vector_load %arg8[%get3A_1317, %get3A_1318, %get3A_1319] {strides = array<i32>} : memref<2x8x128xi32, #tpu.memory_space<vmem>>, vector<16xi32>,
      %gather3A_1321 = tpu.vector_load_idx %arg7[%get3A_1320] : memref<100000xi32, #tpu.memory_space<vmem>>[vector<16xi32>], vector<16xi32>,
      %get3A_1322 = arith.constant 6 : i32
      %get3A_1323 = arith.index_cast %rem3A_89 : i32 to index
      %get3A_1324 = arith.index_cast %get3A_1322 : i32 to index
      %get3A_1325 = arith.constant 0 : index
      %get3A_1326 = tpu.vector_load %arg9[%get3A_1323, %get3A_1324, %get3A_1325] {strides = array<i32>} : memref<2x8x128xi32, #tpu.memory_space<vmem>>, vector<16xi32>,
      %gather3A_1327 = tpu.vector_load_idx %arg7[%get3A_1326] : memref<100000xi32, #tpu.memory_space<vmem>>[vector<16xi32>], vector<16xi32>,
      %and3A_1328 = vector.broadcast %squeeze3A : i32 to vector<16xi32>
      %and3A_1329 = arith.andi %gather3A_1321, %and3A_1328 : vector<16xi32>
      %bitcast3A_1330 = vector.bitcast %and3A_1329 : vector<16xi32> to vector<16xf32>
      %shift_left3A_1331 = arith.constant 16 : i32
      %shift_left3A_1332 = vector.broadcast %shift_left3A_1331 : i32 to vector<16xi32>
      %shift_left3A_1333 = arith.shli %gather3A_1327, %shift_left3A_1332 : vector<16xi32>
      %bitcast3A_1334 = vector.bitcast %shift_left3A_1333 : vector<16xi32> to vector<16xf32>
      %add3A_1335 = arith.addf %bitcast3A_1330, %bitcast3A_1334 : vector<16xf32>
      %add3A_1336 = arith.constant 6 : i32
      %add3A_1337 = arith.addi %mul3A_120, %add3A_1336 : i32
      %swap3A_1338 = arith.index_cast %add3A_1337 : i32 to index
      %swap3A_1339 = arith.constant 0 : index
      %swap3A_1340 = tpu.vector_load %arg10[%swap3A_1338, %swap3A_1339] {strides = array<i32>} : memref<200x128xf32, #tpu.memory_space<vmem>>, vector<16xf32>,
      tpu.vector_store %arg10[%swap3A_1338, %swap3A_1339], %add3A_1335 {strides = array<i32>} : memref<200x128xf32, #tpu.memory_space<vmem>>, vector<16xf32>,
      %get3A_1341 = arith.constant 6 : i32
      %get3A_1342 = arith.index_cast %rem3A_89 : i32 to index
      %get3A_1343 = arith.index_cast %get3A_1341 : i32 to index
      %get3A_1344 = arith.constant 16 : index
      %get3A_1345 = tpu.vector_load %arg8[%get3A_1342, %get3A_1343, %get3A_1344] {strides = array<i32>} : memref<2x8x128xi32, #tpu.memory_space<vmem>>, vector<16xi32>,
      %gather3A_1346 = tpu.vector_load_idx %arg7[%get3A_1345] : memref<100000xi32, #tpu.memory_space<vmem>>[vector<16xi32>], vector<16xi32>,
      %get3A_1347 = arith.constant 6 : i32
      %get3A_1348 = arith.index_cast %rem3A_89 : i32 to index
      %get3A_1349 = arith.index_cast %get3A_1347 : i32 to index
      %get3A_1350 = arith.constant 16 : index
      %get3A_1351 = tpu.vector_load %arg9[%get3A_1348, %get3A_1349, %get3A_1350] {strides = array<i32>} : memref<2x8x128xi32, #tpu.memory_space<vmem>>, vector<16xi32>,
      %gather3A_1352 = tpu.vector_load_idx %arg7[%get3A_1351] : memref<100000xi32, #tpu.memory_space<vmem>>[vector<16xi32>], vector<16xi32>,
      %and3A_1353 = vector.broadcast %squeeze3A : i32 to vector<16xi32>
      %and3A_1354 = arith.andi %gather3A_1346, %and3A_1353 : vector<16xi32>
      %bitcast3A_1355 = vector.bitcast %and3A_1354 : vector<16xi32> to vector<16xf32>
      %shift_left3A_1356 = arith.constant 16 : i32
      %shift_left3A_1357 = vector.broadcast %shift_left3A_1356 : i32 to vector<16xi32>
      %shift_left3A_1358 = arith.shli %gather3A_1352, %shift_left3A_1357 : vector<16xi32>
      %bitcast3A_1359 = vector.bitcast %shift_left3A_1358 : vector<16xi32> to vector<16xf32>
      %add3A_1360 = arith.addf %bitcast3A_1355, %bitcast3A_1359 : vector<16xf32>
      %add3A_1361 = arith.constant 6 : i32
      %add3A_1362 = arith.addi %mul3A_120, %add3A_1361 : i32
      %swap3A_1363 = arith.index_cast %add3A_1362 : i32 to index
      %swap3A_1364 = arith.constant 16 : index
      %swap3A_1365 = tpu.vector_load %arg10[%swap3A_1363, %swap3A_1364] {strides = array<i32>} : memref<200x128xf32, #tpu.memory_space<vmem>>, vector<16xf32>,
      tpu.vector_store %arg10[%swap3A_1363, %swap3A_1364], %add3A_1360 {strides = array<i32>} : memref<200x128xf32, #tpu.memory_space<vmem>>, vector<16xf32>,
      %get3A_1366 = arith.constant 6 : i32
      %get3A_1367 = arith.index_cast %rem3A_89 : i32 to index
      %get3A_1368 = arith.index_cast %get3A_1366 : i32 to index
      %get3A_1369 = arith.constant 32 : index
      %get3A_1370 = tpu.vector_load %arg8[%get3A_1367, %get3A_1368, %get3A_1369] {strides = array<i32>} : memref<2x8x128xi32, #tpu.memory_space<vmem>>, vector<16xi32>,
      %gather3A_1371 = tpu.vector_load_idx %arg7[%get3A_1370] : memref<100000xi32, #tpu.memory_space<vmem>>[vector<16xi32>], vector<16xi32>,
      %get3A_1372 = arith.constant 6 : i32
      %get3A_1373 = arith.index_cast %rem3A_89 : i32 to index
      %get3A_1374 = arith.index_cast %get3A_1372 : i32 to index
      %get3A_1375 = arith.constant 32 : index
      %get3A_1376 = tpu.vector_load %arg9[%get3A_1373, %get3A_1374, %get3A_1375] {strides = array<i32>} : memref<2x8x128xi32, #tpu.memory_space<vmem>>, vector<16xi32>,
      %gather3A_1377 = tpu.vector_load_idx %arg7[%get3A_1376] : memref<100000xi32, #tpu.memory_space<vmem>>[vector<16xi32>], vector<16xi32>,
      %and3A_1378 = vector.broadcast %squeeze3A : i32 to vector<16xi32>
      %and3A_1379 = arith.andi %gather3A_1371, %and3A_1378 : vector<16xi32>
      %bitcast3A_1380 = vector.bitcast %and3A_1379 : vector<16xi32> to vector<16xf32>
      %shift_left3A_1381 = arith.constant 16 : i32
      %shift_left3A_1382 = vector.broadcast %shift_left3A_1381 : i32 to vector<16xi32>
      %shift_left3A_1383 = arith.shli %gather3A_1377, %shift_left3A_1382 : vector<16xi32>
      %bitcast3A_1384 = vector.bitcast %shift_left3A_1383 : vector<16xi32> to vector<16xf32>
      %add3A_1385 = arith.addf %bitcast3A_1380, %bitcast3A_1384 : vector<16xf32>
      %add3A_1386 = arith.constant 6 : i32
      %add3A_1387 = arith.addi %mul3A_120, %add3A_1386 : i32
      %swap3A_1388 = arith.index_cast %add3A_1387 : i32 to index
      %swap3A_1389 = arith.constant 32 : index
      %swap3A_1390 = tpu.vector_load %arg10[%swap3A_1388, %swap3A_1389] {strides = array<i32>} : memref<200x128xf32, #tpu.memory_space<vmem>>, vector<16xf32>,
      tpu.vector_store %arg10[%swap3A_1388, %swap3A_1389], %add3A_1385 {strides = array<i32>} : memref<200x128xf32, #tpu.memory_space<vmem>>, vector<16xf32>,
      %get3A_1391 = arith.constant 6 : i32
      %get3A_1392 = arith.index_cast %rem3A_89 : i32 to index
      %get3A_1393 = arith.index_cast %get3A_1391 : i32 to index
      %get3A_1394 = arith.constant 48 : index
      %get3A_1395 = tpu.vector_load %arg8[%get3A_1392, %get3A_1393, %get3A_1394] {strides = array<i32>} : memref<2x8x128xi32, #tpu.memory_space<vmem>>, vector<16xi32>,
      %gather3A_1396 = tpu.vector_load_idx %arg7[%get3A_1395] : memref<100000xi32, #tpu.memory_space<vmem>>[vector<16xi32>], vector<16xi32>,
      %get3A_1397 = arith.constant 6 : i32
      %get3A_1398 = arith.index_cast %rem3A_89 : i32 to index
      %get3A_1399 = arith.index_cast %get3A_1397 : i32 to index
      %get3A_1400 = arith.constant 48 : index
      %get3A_1401 = tpu.vector_load %arg9[%get3A_1398, %get3A_1399, %get3A_1400] {strides = array<i32>} : memref<2x8x128xi32, #tpu.memory_space<vmem>>, vector<16xi32>,
      %gather3A_1402 = tpu.vector_load_idx %arg7[%get3A_1401] : memref<100000xi32, #tpu.memory_space<vmem>>[vector<16xi32>], vector<16xi32>,
      %and3A_1403 = vector.broadcast %squeeze3A : i32 to vector<16xi32>
      %and3A_1404 = arith.andi %gather3A_1396, %and3A_1403 : vector<16xi32>
      %bitcast3A_1405 = vector.bitcast %and3A_1404 : vector<16xi32> to vector<16xf32>
      %shift_left3A_1406 = arith.constant 16 : i32
      %shift_left3A_1407 = vector.broadcast %shift_left3A_1406 : i32 to vector<16xi32>
      %shift_left3A_1408 = arith.shli %gather3A_1402, %shift_left3A_1407 : vector<16xi32>
      %bitcast3A_1409 = vector.bitcast %shift_left3A_1408 : vector<16xi32> to vector<16xf32>
      %add3A_1410 = arith.addf %bitcast3A_1405, %bitcast3A_1409 : vector<16xf32>
      %add3A_1411 = arith.constant 6 : i32
      %add3A_1412 = arith.addi %mul3A_120, %add3A_1411 : i32
      %swap3A_1413 = arith.index_cast %add3A_1412 : i32 to index
      %swap3A_1414 = arith.constant 48 : index
      %swap3A_1415 = tpu.vector_load %arg10[%swap3A_1413, %swap3A_1414] {strides = array<i32>} : memref<200x128xf32, #tpu.memory_space<vmem>>, vector<16xf32>,
      tpu.vector_store %arg10[%swap3A_1413, %swap3A_1414], %add3A_1410 {strides = array<i32>} : memref<200x128xf32, #tpu.memory_space<vmem>>, vector<16xf32>,
      %get3A_1416 = arith.constant 6 : i32
      %get3A_1417 = arith.index_cast %rem3A_89 : i32 to index
      %get3A_1418 = arith.index_cast %get3A_1416 : i32 to index
      %get3A_1419 = arith.constant 64 : index
      %get3A_1420 = tpu.vector_load %arg8[%get3A_1417, %get3A_1418, %get3A_1419] {strides = array<i32>} : memref<2x8x128xi32, #tpu.memory_space<vmem>>, vector<16xi32>,
      %gather3A_1421 = tpu.vector_load_idx %arg7[%get3A_1420] : memref<100000xi32, #tpu.memory_space<vmem>>[vector<16xi32>], vector<16xi32>,
      %get3A_1422 = arith.constant 6 : i32
      %get3A_1423 = arith.index_cast %rem3A_89 : i32 to index
      %get3A_1424 = arith.index_cast %get3A_1422 : i32 to index
      %get3A_1425 = arith.constant 64 : index
      %get3A_1426 = tpu.vector_load %arg9[%get3A_1423, %get3A_1424, %get3A_1425] {strides = array<i32>} : memref<2x8x128xi32, #tpu.memory_space<vmem>>, vector<16xi32>,
      %gather3A_1427 = tpu.vector_load_idx %arg7[%get3A_1426] : memref<100000xi32, #tpu.memory_space<vmem>>[vector<16xi32>], vector<16xi32>,
      %and3A_1428 = vector.broadcast %squeeze3A : i32 to vector<16xi32>
      %and3A_1429 = arith.andi %gather3A_1421, %and3A_1428 : vector<16xi32>
      %bitcast3A_1430 = vector.bitcast %and3A_1429 : vector<16xi32> to vector<16xf32>
      %shift_left3A_1431 = arith.constant 16 : i32
      %shift_left3A_1432 = vector.broadcast %shift_left3A_1431 : i32 to vector<16xi32>
      %shift_left3A_1433 = arith.shli %gather3A_1427, %shift_left3A_1432 : vector<16xi32>
      %bitcast3A_1434 = vector.bitcast %shift_left3A_1433 : vector<16xi32> to vector<16xf32>
      %add3A_1435 = arith.addf %bitcast3A_1430, %bitcast3A_1434 : vector<16xf32>
      %add3A_1436 = arith.constant 6 : i32
      %add3A_1437 = arith.addi %mul3A_120, %add3A_1436 : i32
      %swap3A_1438 = arith.index_cast %add3A_1437 : i32 to index
      %swap3A_1439 = arith.constant 64 : index
      %swap3A_1440 = tpu.vector_load %arg10[%swap3A_1438, %swap3A_1439] {strides = array<i32>} : memref<200x128xf32, #tpu.memory_space<vmem>>, vector<16xf32>,
      tpu.vector_store %arg10[%swap3A_1438, %swap3A_1439], %add3A_1435 {strides = array<i32>} : memref<200x128xf32, #tpu.memory_space<vmem>>, vector<16xf32>,
      %get3A_1441 = arith.constant 6 : i32
      %get3A_1442 = arith.index_cast %rem3A_89 : i32 to index
      %get3A_1443 = arith.index_cast %get3A_1441 : i32 to index
      %get3A_1444 = arith.constant 80 : index
      %get3A_1445 = tpu.vector_load %arg8[%get3A_1442, %get3A_1443, %get3A_1444] {strides = array<i32>} : memref<2x8x128xi32, #tpu.memory_space<vmem>>, vector<16xi32>,
      %gather3A_1446 = tpu.vector_load_idx %arg7[%get3A_1445] : memref<100000xi32, #tpu.memory_space<vmem>>[vector<16xi32>], vector<16xi32>,
      %get3A_1447 = arith.constant 6 : i32
      %get3A_1448 = arith.index_cast %rem3A_89 : i32 to index
      %get3A_1449 = arith.index_cast %get3A_1447 : i32 to index
      %get3A_1450 = arith.constant 80 : index
      %get3A_1451 = tpu.vector_load %arg9[%get3A_1448, %get3A_1449, %get3A_1450] {strides = array<i32>} : memref<2x8x128xi32, #tpu.memory_space<vmem>>, vector<16xi32>,
      %gather3A_1452 = tpu.vector_load_idx %arg7[%get3A_1451] : memref<100000xi32, #tpu.memory_space<vmem>>[vector<16xi32>], vector<16xi32>,
      %and3A_1453 = vector.broadcast %squeeze3A : i32 to vector<16xi32>
      %and3A_1454 = arith.andi %gather3A_1446, %and3A_1453 : vector<16xi32>
      %bitcast3A_1455 = vector.bitcast %and3A_1454 : vector<16xi32> to vector<16xf32>
      %shift_left3A_1456 = arith.constant 16 : i32
      %shift_left3A_1457 = vector.broadcast %shift_left3A_1456 : i32 to vector<16xi32>
      %shift_left3A_1458 = arith.shli %gather3A_1452, %shift_left3A_1457 : vector<16xi32>
      %bitcast3A_1459 = vector.bitcast %shift_left3A_1458 : vector<16xi32> to vector<16xf32>
      %add3A_1460 = arith.addf %bitcast3A_1455, %bitcast3A_1459 : vector<16xf32>
      %add3A_1461 = arith.constant 6 : i32
      %add3A_1462 = arith.addi %mul3A_120, %add3A_1461 : i32
      %swap3A_1463 = arith.index_cast %add3A_1462 : i32 to index
      %swap3A_1464 = arith.constant 80 : index
      %swap3A_1465 = tpu.vector_load %arg10[%swap3A_1463, %swap3A_1464] {strides = array<i32>} : memref<200x128xf32, #tpu.memory_space<vmem>>, vector<16xf32>,
      tpu.vector_store %arg10[%swap3A_1463, %swap3A_1464], %add3A_1460 {strides = array<i32>} : memref<200x128xf32, #tpu.memory_space<vmem>>, vector<16xf32>,
      %get3A_1466 = arith.constant 6 : i32
      %get3A_1467 = arith.index_cast %rem3A_89 : i32 to index
      %get3A_1468 = arith.index_cast %get3A_1466 : i32 to index
      %get3A_1469 = arith.constant 96 : index
      %get3A_1470 = tpu.vector_load %arg8[%get3A_1467, %get3A_1468, %get3A_1469] {strides = array<i32>} : memref<2x8x128xi32, #tpu.memory_space<vmem>>, vector<16xi32>,
      %gather3A_1471 = tpu.vector_load_idx %arg7[%get3A_1470] : memref<100000xi32, #tpu.memory_space<vmem>>[vector<16xi32>], vector<16xi32>,
      %get3A_1472 = arith.constant 6 : i32
      %get3A_1473 = arith.index_cast %rem3A_89 : i32 to index
      %get3A_1474 = arith.index_cast %get3A_1472 : i32 to index
      %get3A_1475 = arith.constant 96 : index
      %get3A_1476 = tpu.vector_load %arg9[%get3A_1473, %get3A_1474, %get3A_1475] {strides = array<i32>} : memref<2x8x128xi32, #tpu.memory_space<vmem>>, vector<16xi32>,
      %gather3A_1477 = tpu.vector_load_idx %arg7[%get3A_1476] : memref<100000xi32, #tpu.memory_space<vmem>>[vector<16xi32>], vector<16xi32>,
      %and3A_1478 = vector.broadcast %squeeze3A : i32 to vector<16xi32>
      %and3A_1479 = arith.andi %gather3A_1471, %and3A_1478 : vector<16xi32>
      %bitcast3A_1480 = vector.bitcast %and3A_1479 : vector<16xi32> to vector<16xf32>
      %shift_left3A_1481 = arith.constant 16 : i32
      %shift_left3A_1482 = vector.broadcast %shift_left3A_1481 : i32 to vector<16xi32>
      %shift_left3A_1483 = arith.shli %gather3A_1477, %shift_left3A_1482 : vector<16xi32>
      %bitcast3A_1484 = vector.bitcast %shift_left3A_1483 : vector<16xi32> to vector<16xf32>
      %add3A_1485 = arith.addf %bitcast3A_1480, %bitcast3A_1484 : vector<16xf32>
      %add3A_1486 = arith.constant 6 : i32
      %add3A_1487 = arith.addi %mul3A_120, %add3A_1486 : i32
      %swap3A_1488 = arith.index_cast %add3A_1487 : i32 to index
      %swap3A_1489 = arith.constant 96 : index
      %swap3A_1490 = tpu.vector_load %arg10[%swap3A_1488, %swap3A_1489] {strides = array<i32>} : memref<200x128xf32, #tpu.memory_space<vmem>>, vector<16xf32>,
      tpu.vector_store %arg10[%swap3A_1488, %swap3A_1489], %add3A_1485 {strides = array<i32>} : memref<200x128xf32, #tpu.memory_space<vmem>>, vector<16xf32>,
      %get3A_1491 = arith.constant 6 : i32
      %get3A_1492 = arith.index_cast %rem3A_89 : i32 to index
      %get3A_1493 = arith.index_cast %get3A_1491 : i32 to index
      %get3A_1494 = arith.constant 112 : index
      %get3A_1495 = tpu.vector_load %arg8[%get3A_1492, %get3A_1493, %get3A_1494] {strides = array<i32>} : memref<2x8x128xi32, #tpu.memory_space<vmem>>, vector<16xi32>,
      %gather3A_1496 = tpu.vector_load_idx %arg7[%get3A_1495] : memref<100000xi32, #tpu.memory_space<vmem>>[vector<16xi32>], vector<16xi32>,
      %get3A_1497 = arith.constant 6 : i32
      %get3A_1498 = arith.index_cast %rem3A_89 : i32 to index
      %get3A_1499 = arith.index_cast %get3A_1497 : i32 to index
      %get3A_1500 = arith.constant 112 : index
      %get3A_1501 = tpu.vector_load %arg9[%get3A_1498, %get3A_1499, %get3A_1500] {strides = array<i32>} : memref<2x8x128xi32, #tpu.memory_space<vmem>>, vector<16xi32>,
      %gather3A_1502 = tpu.vector_load_idx %arg7[%get3A_1501] : memref<100000xi32, #tpu.memory_space<vmem>>[vector<16xi32>], vector<16xi32>,
      %and3A_1503 = vector.broadcast %squeeze3A : i32 to vector<16xi32>
      %and3A_1504 = arith.andi %gather3A_1496, %and3A_1503 : vector<16xi32>
      %bitcast3A_1505 = vector.bitcast %and3A_1504 : vector<16xi32> to vector<16xf32>
      %shift_left3A_1506 = arith.constant 16 : i32
      %shift_left3A_1507 = vector.broadcast %shift_left3A_1506 : i32 to vector<16xi32>
      %shift_left3A_1508 = arith.shli %gather3A_1502, %shift_left3A_1507 : vector<16xi32>
      %bitcast3A_1509 = vector.bitcast %shift_left3A_1508 : vector<16xi32> to vector<16xf32>
      %add3A_1510 = arith.addf %bitcast3A_1505, %bitcast3A_1509 : vector<16xf32>
      %add3A_1511 = arith.constant 6 : i32
      %add3A_1512 = arith.addi %mul3A_120, %add3A_1511 : i32
      %swap3A_1513 = arith.index_cast %add3A_1512 : i32 to index
      %swap3A_1514 = arith.constant 112 : index
      %swap3A_1515 = tpu.vector_load %arg10[%swap3A_1513, %swap3A_1514] {strides = array<i32>} : memref<200x128xf32, #tpu.memory_space<vmem>>, vector<16xf32>,
      tpu.vector_store %arg10[%swap3A_1513, %swap3A_1514], %add3A_1510 {strides = array<i32>} : memref<200x128xf32, #tpu.memory_space<vmem>>, vector<16xf32>,
      %get3A_1516 = arith.constant 7 : i32
      %get3A_1517 = arith.index_cast %rem3A_89 : i32 to index
      %get3A_1518 = arith.index_cast %get3A_1516 : i32 to index
      %get3A_1519 = arith.constant 0 : index
      %get3A_1520 = tpu.vector_load %arg8[%get3A_1517, %get3A_1518, %get3A_1519] {strides = array<i32>} : memref<2x8x128xi32, #tpu.memory_space<vmem>>, vector<16xi32>,
      %gather3A_1521 = tpu.vector_load_idx %arg7[%get3A_1520] : memref<100000xi32, #tpu.memory_space<vmem>>[vector<16xi32>], vector<16xi32>,
      %get3A_1522 = arith.constant 7 : i32
      %get3A_1523 = arith.index_cast %rem3A_89 : i32 to index
      %get3A_1524 = arith.index_cast %get3A_1522 : i32 to index
      %get3A_1525 = arith.constant 0 : index
      %get3A_1526 = tpu.vector_load %arg9[%get3A_1523, %get3A_1524, %get3A_1525] {strides = array<i32>} : memref<2x8x128xi32, #tpu.memory_space<vmem>>, vector<16xi32>,
      %gather3A_1527 = tpu.vector_load_idx %arg7[%get3A_1526] : memref<100000xi32, #tpu.memory_space<vmem>>[vector<16xi32>], vector<16xi32>,
      %and3A_1528 = vector.broadcast %squeeze3A : i32 to vector<16xi32>
      %and3A_1529 = arith.andi %gather3A_1521, %and3A_1528 : vector<16xi32>
      %bitcast3A_1530 = vector.bitcast %and3A_1529 : vector<16xi32> to vector<16xf32>
      %shift_left3A_1531 = arith.constant 16 : i32
      %shift_left3A_1532 = vector.broadcast %shift_left3A_1531 : i32 to vector<16xi32>
      %shift_left3A_1533 = arith.shli %gather3A_1527, %shift_left3A_1532 : vector<16xi32>
      %bitcast3A_1534 = vector.bitcast %shift_left3A_1533 : vector<16xi32> to vector<16xf32>
      %add3A_1535 = arith.addf %bitcast3A_1530, %bitcast3A_1534 : vector<16xf32>
      %add3A_1536 = arith.constant 7 : i32
      %add3A_1537 = arith.addi %mul3A_120, %add3A_1536 : i32
      %swap3A_1538 = arith.index_cast %add3A_1537 : i32 to index
      %swap3A_1539 = arith.constant 0 : index
      %swap3A_1540 = tpu.vector_load %arg10[%swap3A_1538, %swap3A_1539] {strides = array<i32>} : memref<200x128xf32, #tpu.memory_space<vmem>>, vector<16xf32>,
      tpu.vector_store %arg10[%swap3A_1538, %swap3A_1539], %add3A_1535 {strides = array<i32>} : memref<200x128xf32, #tpu.memory_space<vmem>>, vector<16xf32>,
      %get3A_1541 = arith.constant 7 : i32
      %get3A_1542 = arith.index_cast %rem3A_89 : i32 to index
      %get3A_1543 = arith.index_cast %get3A_1541 : i32 to index
      %get3A_1544 = arith.constant 16 : index
      %get3A_1545 = tpu.vector_load %arg8[%get3A_1542, %get3A_1543, %get3A_1544] {strides = array<i32>} : memref<2x8x128xi32, #tpu.memory_space<vmem>>, vector<16xi32>,
      %gather3A_1546 = tpu.vector_load_idx %arg7[%get3A_1545] : memref<100000xi32, #tpu.memory_space<vmem>>[vector<16xi32>], vector<16xi32>,
      %get3A_1547 = arith.constant 7 : i32
      %get3A_1548 = arith.index_cast %rem3A_89 : i32 to index
      %get3A_1549 = arith.index_cast %get3A_1547 : i32 to index
      %get3A_1550 = arith.constant 16 : index
      %get3A_1551 = tpu.vector_load %arg9[%get3A_1548, %get3A_1549, %get3A_1550] {strides = array<i32>} : memref<2x8x128xi32, #tpu.memory_space<vmem>>, vector<16xi32>,
      %gather3A_1552 = tpu.vector_load_idx %arg7[%get3A_1551] : memref<100000xi32, #tpu.memory_space<vmem>>[vector<16xi32>], vector<16xi32>,
      %and3A_1553 = vector.broadcast %squeeze3A : i32 to vector<16xi32>
      %and3A_1554 = arith.andi %gather3A_1546, %and3A_1553 : vector<16xi32>
      %bitcast3A_1555 = vector.bitcast %and3A_1554 : vector<16xi32> to vector<16xf32>
      %shift_left3A_1556 = arith.constant 16 : i32
      %shift_left3A_1557 = vector.broadcast %shift_left3A_1556 : i32 to vector<16xi32>
      %shift_left3A_1558 = arith.shli %gather3A_1552, %shift_left3A_1557 : vector<16xi32>
      %bitcast3A_1559 = vector.bitcast %shift_left3A_1558 : vector<16xi32> to vector<16xf32>
      %add3A_1560 = arith.addf %bitcast3A_1555, %bitcast3A_1559 : vector<16xf32>
      %add3A_1561 = arith.constant 7 : i32
      %add3A_1562 = arith.addi %mul3A_120, %add3A_1561 : i32
      %swap3A_1563 = arith.index_cast %add3A_1562 : i32 to index
      %swap3A_1564 = arith.constant 16 : index
      %swap3A_1565 = tpu.vector_load %arg10[%swap3A_1563, %swap3A_1564] {strides = array<i32>} : memref<200x128xf32, #tpu.memory_space<vmem>>, vector<16xf32>,
      tpu.vector_store %arg10[%swap3A_1563, %swap3A_1564], %add3A_1560 {strides = array<i32>} : memref<200x128xf32, #tpu.memory_space<vmem>>, vector<16xf32>,
      %get3A_1566 = arith.constant 7 : i32
      %get3A_1567 = arith.index_cast %rem3A_89 : i32 to index
      %get3A_1568 = arith.index_cast %get3A_1566 : i32 to index
      %get3A_1569 = arith.constant 32 : index
      %get3A_1570 = tpu.vector_load %arg8[%get3A_1567, %get3A_1568, %get3A_1569] {strides = array<i32>} : memref<2x8x128xi32, #tpu.memory_space<vmem>>, vector<16xi32>,
      %gather3A_1571 = tpu.vector_load_idx %arg7[%get3A_1570] : memref<100000xi32, #tpu.memory_space<vmem>>[vector<16xi32>], vector<16xi32>,
      %get3A_1572 = arith.constant 7 : i32
      %get3A_1573 = arith.index_cast %rem3A_89 : i32 to index
      %get3A_1574 = arith.index_cast %get3A_1572 : i32 to index
      %get3A_1575 = arith.constant 32 : index
      %get3A_1576 = tpu.vector_load %arg9[%get3A_1573, %get3A_1574, %get3A_1575] {strides = array<i32>} : memref<2x8x128xi32, #tpu.memory_space<vmem>>, vector<16xi32>,
      %gather3A_1577 = tpu.vector_load_idx %arg7[%get3A_1576] : memref<100000xi32, #tpu.memory_space<vmem>>[vector<16xi32>], vector<16xi32>,
      %and3A_1578 = vector.broadcast %squeeze3A : i32 to vector<16xi32>
      %and3A_1579 = arith.andi %gather3A_1571, %and3A_1578 : vector<16xi32>
      %bitcast3A_1580 = vector.bitcast %and3A_1579 : vector<16xi32> to vector<16xf32>
      %shift_left3A_1581 = arith.constant 16 : i32
      %shift_left3A_1582 = vector.broadcast %shift_left3A_1581 : i32 to vector<16xi32>
      %shift_left3A_1583 = arith.shli %gather3A_1577, %shift_left3A_1582 : vector<16xi32>
      %bitcast3A_1584 = vector.bitcast %shift_left3A_1583 : vector<16xi32> to vector<16xf32>
      %add3A_1585 = arith.addf %bitcast3A_1580, %bitcast3A_1584 : vector<16xf32>
      %add3A_1586 = arith.constant 7 : i32
      %add3A_1587 = arith.addi %mul3A_120, %add3A_1586 : i32
      %swap3A_1588 = arith.index_cast %add3A_1587 : i32 to index
      %swap3A_1589 = arith.constant 32 : index
      %swap3A_1590 = tpu.vector_load %arg10[%swap3A_1588, %swap3A_1589] {strides = array<i32>} : memref<200x128xf32, #tpu.memory_space<vmem>>, vector<16xf32>,
      tpu.vector_store %arg10[%swap3A_1588, %swap3A_1589], %add3A_1585 {strides = array<i32>} : memref<200x128xf32, #tpu.memory_space<vmem>>, vector<16xf32>,
      %get3A_1591 = arith.constant 7 : i32
      %get3A_1592 = arith.index_cast %rem3A_89 : i32 to index
      %get3A_1593 = arith.index_cast %get3A_1591 : i32 to index
      %get3A_1594 = arith.constant 48 : index
      %get3A_1595 = tpu.vector_load %arg8[%get3A_1592, %get3A_1593, %get3A_1594] {strides = array<i32>} : memref<2x8x128xi32, #tpu.memory_space<vmem>>, vector<16xi32>,
      %gather3A_1596 = tpu.vector_load_idx %arg7[%get3A_1595] : memref<100000xi32, #tpu.memory_space<vmem>>[vector<16xi32>], vector<16xi32>,
      %get3A_1597 = arith.constant 7 : i32
      %get3A_1598 = arith.index_cast %rem3A_89 : i32 to index
      %get3A_1599 = arith.index_cast %get3A_1597 : i32 to index
      %get3A_1600 = arith.constant 48 : index
      %get3A_1601 = tpu.vector_load %arg9[%get3A_1598, %get3A_1599, %get3A_1600] {strides = array<i32>} : memref<2x8x128xi32, #tpu.memory_space<vmem>>, vector<16xi32>,
      %gather3A_1602 = tpu.vector_load_idx %arg7[%get3A_1601] : memref<100000xi32, #tpu.memory_space<vmem>>[vector<16xi32>], vector<16xi32>,
      %and3A_1603 = vector.broadcast %squeeze3A : i32 to vector<16xi32>
      %and3A_1604 = arith.andi %gather3A_1596, %and3A_1603 : vector<16xi32>
      %bitcast3A_1605 = vector.bitcast %and3A_1604 : vector<16xi32> to vector<16xf32>
      %shift_left3A_1606 = arith.constant 16 : i32
      %shift_left3A_1607 = vector.broadcast %shift_left3A_1606 : i32 to vector<16xi32>
      %shift_left3A_1608 = arith.shli %gather3A_1602, %shift_left3A_1607 : vector<16xi32>
      %bitcast3A_1609 = vector.bitcast %shift_left3A_1608 : vector<16xi32> to vector<16xf32>
      %add3A_1610 = arith.addf %bitcast3A_1605, %bitcast3A_1609 : vector<16xf32>
      %add3A_1611 = arith.constant 7 : i32
      %add3A_1612 = arith.addi %mul3A_120, %add3A_1611 : i32
      %swap3A_1613 = arith.index_cast %add3A_1612 : i32 to index
      %swap3A_1614 = arith.constant 48 : index
      %swap3A_1615 = tpu.vector_load %arg10[%swap3A_1613, %swap3A_1614] {strides = array<i32>} : memref<200x128xf32, #tpu.memory_space<vmem>>, vector<16xf32>,
      tpu.vector_store %arg10[%swap3A_1613, %swap3A_1614], %add3A_1610 {strides = array<i32>} : memref<200x128xf32, #tpu.memory_space<vmem>>, vector<16xf32>,
      %get3A_1616 = arith.constant 7 : i32
      %get3A_1617 = arith.index_cast %rem3A_89 : i32 to index
      %get3A_1618 = arith.index_cast %get3A_1616 : i32 to index
      %get3A_1619 = arith.constant 64 : index
      %get3A_1620 = tpu.vector_load %arg8[%get3A_1617, %get3A_1618, %get3A_1619] {strides = array<i32>} : memref<2x8x128xi32, #tpu.memory_space<vmem>>, vector<16xi32>,
      %gather3A_1621 = tpu.vector_load_idx %arg7[%get3A_1620] : memref<100000xi32, #tpu.memory_space<vmem>>[vector<16xi32>], vector<16xi32>,
      %get3A_1622 = arith.constant 7 : i32
      %get3A_1623 = arith.index_cast %rem3A_89 : i32 to index
      %get3A_1624 = arith.index_cast %get3A_1622 : i32 to index
      %get3A_1625 = arith.constant 64 : index
      %get3A_1626 = tpu.vector_load %arg9[%get3A_1623, %get3A_1624, %get3A_1625] {strides = array<i32>} : memref<2x8x128xi32, #tpu.memory_space<vmem>>, vector<16xi32>,
      %gather3A_1627 = tpu.vector_load_idx %arg7[%get3A_1626] : memref<100000xi32, #tpu.memory_space<vmem>>[vector<16xi32>], vector<16xi32>,
      %and3A_1628 = vector.broadcast %squeeze3A : i32 to vector<16xi32>
      %and3A_1629 = arith.andi %gather3A_1621, %and3A_1628 : vector<16xi32>
      %bitcast3A_1630 = vector.bitcast %and3A_1629 : vector<16xi32> to vector<16xf32>
      %shift_left3A_1631 = arith.constant 16 : i32
      %shift_left3A_1632 = vector.broadcast %shift_left3A_1631 : i32 to vector<16xi32>
      %shift_left3A_1633 = arith.shli %gather3A_1627, %shift_left3A_1632 : vector<16xi32>
      %bitcast3A_1634 = vector.bitcast %shift_left3A_1633 : vector<16xi32> to vector<16xf32>
      %add3A_1635 = arith.addf %bitcast3A_1630, %bitcast3A_1634 : vector<16xf32>
      %add3A_1636 = arith.constant 7 : i32
      %add3A_1637 = arith.addi %mul3A_120, %add3A_1636 : i32
      %swap3A_1638 = arith.index_cast %add3A_1637 : i32 to index
      %swap3A_1639 = arith.constant 64 : index
      %swap3A_1640 = tpu.vector_load %arg10[%swap3A_1638, %swap3A_1639] {strides = array<i32>} : memref<200x128xf32, #tpu.memory_space<vmem>>, vector<16xf32>,
      tpu.vector_store %arg10[%swap3A_1638, %swap3A_1639], %add3A_1635 {strides = array<i32>} : memref<200x128xf32, #tpu.memory_space<vmem>>, vector<16xf32>,
      %get3A_1641 = arith.constant 7 : i32
      %get3A_1642 = arith.index_cast %rem3A_89 : i32 to index
      %get3A_1643 = arith.index_cast %get3A_1641 : i32 to index
      %get3A_1644 = arith.constant 80 : index
      %get3A_1645 = tpu.vector_load %arg8[%get3A_1642, %get3A_1643, %get3A_1644] {strides = array<i32>} : memref<2x8x128xi32, #tpu.memory_space<vmem>>, vector<16xi32>,
      %gather3A_1646 = tpu.vector_load_idx %arg7[%get3A_1645] : memref<100000xi32, #tpu.memory_space<vmem>>[vector<16xi32>], vector<16xi32>,
      %get3A_1647 = arith.constant 7 : i32
      %get3A_1648 = arith.index_cast %rem3A_89 : i32 to index
      %get3A_1649 = arith.index_cast %get3A_1647 : i32 to index
      %get3A_1650 = arith.constant 80 : index
      %get3A_1651 = tpu.vector_load %arg9[%get3A_1648, %get3A_1649, %get3A_1650] {strides = array<i32>} : memref<2x8x128xi32, #tpu.memory_space<vmem>>, vector<16xi32>,
      %gather3A_1652 = tpu.vector_load_idx %arg7[%get3A_1651] : memref<100000xi32, #tpu.memory_space<vmem>>[vector<16xi32>], vector<16xi32>,
      %and3A_1653 = vector.broadcast %squeeze3A : i32 to vector<16xi32>
      %and3A_1654 = arith.andi %gather3A_1646, %and3A_1653 : vector<16xi32>
      %bitcast3A_1655 = vector.bitcast %and3A_1654 : vector<16xi32> to vector<16xf32>
      %shift_left3A_1656 = arith.constant 16 : i32
      %shift_left3A_1657 = vector.broadcast %shift_left3A_1656 : i32 to vector<16xi32>
      %shift_left3A_1658 = arith.shli %gather3A_1652, %shift_left3A_1657 : vector<16xi32>
      %bitcast3A_1659 = vector.bitcast %shift_left3A_1658 : vector<16xi32> to vector<16xf32>
      %add3A_1660 = arith.addf %bitcast3A_1655, %bitcast3A_1659 : vector<16xf32>
      %add3A_1661 = arith.constant 7 : i32
      %add3A_1662 = arith.addi %mul3A_120, %add3A_1661 : i32
      %swap3A_1663 = arith.index_cast %add3A_1662 : i32 to index
      %swap3A_1664 = arith.constant 80 : index
      %swap3A_1665 = tpu.vector_load %arg10[%swap3A_1663, %swap3A_1664] {strides = array<i32>} : memref<200x128xf32, #tpu.memory_space<vmem>>, vector<16xf32>,
      tpu.vector_store %arg10[%swap3A_1663, %swap3A_1664], %add3A_1660 {strides = array<i32>} : memref<200x128xf32, #tpu.memory_space<vmem>>, vector<16xf32>,
      %get3A_1666 = arith.constant 7 : i32
      %get3A_1667 = arith.index_cast %rem3A_89 : i32 to index
      %get3A_1668 = arith.index_cast %get3A_1666 : i32 to index
      %get3A_1669 = arith.constant 96 : index
      %get3A_1670 = tpu.vector_load %arg8[%get3A_1667, %get3A_1668, %get3A_1669] {strides = array<i32>} : memref<2x8x128xi32, #tpu.memory_space<vmem>>, vector<16xi32>,
      %gather3A_1671 = tpu.vector_load_idx %arg7[%get3A_1670] : memref<100000xi32, #tpu.memory_space<vmem>>[vector<16xi32>], vector<16xi32>,
      %get3A_1672 = arith.constant 7 : i32
      %get3A_1673 = arith.index_cast %rem3A_89 : i32 to index
      %get3A_1674 = arith.index_cast %get3A_1672 : i32 to index
      %get3A_1675 = arith.constant 96 : index
      %get3A_1676 = tpu.vector_load %arg9[%get3A_1673, %get3A_1674, %get3A_1675] {strides = array<i32>} : memref<2x8x128xi32, #tpu.memory_space<vmem>>, vector<16xi32>,
      %gather3A_1677 = tpu.vector_load_idx %arg7[%get3A_1676] : memref<100000xi32, #tpu.memory_space<vmem>>[vector<16xi32>], vector<16xi32>,
      %and3A_1678 = vector.broadcast %squeeze3A : i32 to vector<16xi32>
      %and3A_1679 = arith.andi %gather3A_1671, %and3A_1678 : vector<16xi32>
      %bitcast3A_1680 = vector.bitcast %and3A_1679 : vector<16xi32> to vector<16xf32>
      %shift_left3A_1681 = arith.constant 16 : i32
      %shift_left3A_1682 = vector.broadcast %shift_left3A_1681 : i32 to vector<16xi32>
      %shift_left3A_1683 = arith.shli %gather3A_1677, %shift_left3A_1682 : vector<16xi32>
      %bitcast3A_1684 = vector.bitcast %shift_left3A_1683 : vector<16xi32> to vector<16xf32>
      %add3A_1685 = arith.addf %bitcast3A_1680, %bitcast3A_1684 : vector<16xf32>
      %add3A_1686 = arith.constant 7 : i32
      %add3A_1687 = arith.addi %mul3A_120, %add3A_1686 : i32
      %swap3A_1688 = arith.index_cast %add3A_1687 : i32 to index
      %swap3A_1689 = arith.constant 96 : index
      %swap3A_1690 = tpu.vector_load %arg10[%swap3A_1688, %swap3A_1689] {strides = array<i32>} : memref<200x128xf32, #tpu.memory_space<vmem>>, vector<16xf32>,
      tpu.vector_store %arg10[%swap3A_1688, %swap3A_1689], %add3A_1685 {strides = array<i32>} : memref<200x128xf32, #tpu.memory_space<vmem>>, vector<16xf32>,
      %get3A_1691 = arith.constant 7 : i32
      %get3A_1692 = arith.index_cast %rem3A_89 : i32 to index
      %get3A_1693 = arith.index_cast %get3A_1691 : i32 to index
      %get3A_1694 = arith.constant 112 : index
      %get3A_1695 = tpu.vector_load %arg8[%get3A_1692, %get3A_1693, %get3A_1694] {strides = array<i32>} : memref<2x8x128xi32, #tpu.memory_space<vmem>>, vector<16xi32>,
      %gather3A_1696 = tpu.vector_load_idx %arg7[%get3A_1695] : memref<100000xi32, #tpu.memory_space<vmem>>[vector<16xi32>], vector<16xi32>,
      %get3A_1697 = arith.constant 7 : i32
      %get3A_1698 = arith.index_cast %rem3A_89 : i32 to index
      %get3A_1699 = arith.index_cast %get3A_1697 : i32 to index
      %get3A_1700 = arith.constant 112 : index
      %get3A_1701 = tpu.vector_load %arg9[%get3A_1698, %get3A_1699, %get3A_1700] {strides = array<i32>} : memref<2x8x128xi32, #tpu.memory_space<vmem>>, vector<16xi32>,
      %gather3A_1702 = tpu.vector_load_idx %arg7[%get3A_1701] : memref<100000xi32, #tpu.memory_space<vmem>>[vector<16xi32>], vector<16xi32>,
      %and3A_1703 = vector.broadcast %squeeze3A : i32 to vector<16xi32>
      %and3A_1704 = arith.andi %gather3A_1696, %and3A_1703 : vector<16xi32>
      %bitcast3A_1705 = vector.bitcast %and3A_1704 : vector<16xi32> to vector<16xf32>
      %shift_left3A_1706 = arith.constant 16 : i32
      %shift_left3A_1707 = vector.broadcast %shift_left3A_1706 : i32 to vector<16xi32>
      %shift_left3A_1708 = arith.shli %gather3A_1702, %shift_left3A_1707 : vector<16xi32>
      %bitcast3A_1709 = vector.bitcast %shift_left3A_1708 : vector<16xi32> to vector<16xf32>
      %add3A_1710 = arith.addf %bitcast3A_1705, %bitcast3A_1709 : vector<16xf32>
      %add3A_1711 = arith.constant 7 : i32
      %add3A_1712 = arith.addi %mul3A_120, %add3A_1711 : i32
      %swap3A_1713 = arith.index_cast %add3A_1712 : i32 to index
      %swap3A_1714 = arith.constant 112 : index
      %swap3A_1715 = tpu.vector_load %arg10[%swap3A_1713, %swap3A_1714] {strides = array<i32>} : memref<200x128xf32, #tpu.memory_space<vmem>>, vector<16xf32>,
      tpu.vector_store %arg10[%swap3A_1713, %swap3A_1714], %add3A_1710 {strides = array<i32>} : memref<200x128xf32, #tpu.memory_space<vmem>>, vector<16xf32>,
    }
    %scan3A_37 = arith.constant 25 : i32
    %broadcast_in_dim3A = arith.constant 0.000000e+00 : f32
    %broadcast_in_dim3A_38 = vector.broadcast %broadcast_in_dim3A : f32 to vector<16xf32>
    %broadcast_in_dim3A_39 = arith.constant 0.000000e+00 : f32
    %broadcast_in_dim3A_40 = vector.broadcast %broadcast_in_dim3A_39 : f32 to vector<16xf32>
    %broadcast_in_dim3A_41 = arith.constant 0.000000e+00 : f32
    %broadcast_in_dim3A_42 = vector.broadcast %broadcast_in_dim3A_41 : f32 to vector<16xf32>
    %broadcast_in_dim3A_43 = arith.constant 0.000000e+00 : f32
    %broadcast_in_dim3A_44 = vector.broadcast %broadcast_in_dim3A_43 : f32 to vector<16xf32>
    %broadcast_in_dim3A_45 = arith.constant 0.000000e+00 : f32
    %broadcast_in_dim3A_46 = vector.broadcast %broadcast_in_dim3A_45 : f32 to vector<16xf32>
    %broadcast_in_dim3A_47 = arith.constant 0.000000e+00 : f32
    %broadcast_in_dim3A_48 = vector.broadcast %broadcast_in_dim3A_47 : f32 to vector<16xf32>
    %broadcast_in_dim3A_49 = arith.constant 0.000000e+00 : f32
    %broadcast_in_dim3A_50 = vector.broadcast %broadcast_in_dim3A_49 : f32 to vector<16xf32>
    %broadcast_in_dim3A_51 = arith.constant 0.000000e+00 : f32
    %broadcast_in_dim3A_52 = vector.broadcast %broadcast_in_dim3A_51 : f32 to vector<16xf32>
    %scan3A_53 = arith.constant 0 : i32
    %scan3A_54 = arith.constant 200 : i32
    %scan3A_55 = arith.addi %scan3A_53, %scan3A_54 : i32
    %scan3A_56 = arith.constant 1 : i32
    %scan3A_57:8 = scf.for %scan3A_88 = %scan3A_53 to %scan3A_55 step %scan3A_56 iter_args(%scan3A_89 = %broadcast_in_dim3A_38, %scan3A_90 = %broadcast_in_dim3A_40, %scan3A_91 = %broadcast_in_dim3A_42, %scan3A_92 = %broadcast_in_dim3A_44, %scan3A_93 = %broadcast_in_dim3A_46, %scan3A_94 = %broadcast_in_dim3A_48, %scan3A_95 = %broadcast_in_dim3A_50, %scan3A_96 = %broadcast_in_dim3A_52) -> (vector<16xf32>, vector<16xf32>, vector<16xf32>, vector<16xf32>, vector<16xf32>, vector<16xf32>, vector<16xf32>, vector<16xf32>)  : i32 {
      %get3A_97 = arith.index_cast %scan3A_88 : i32 to index
      %get3A_98 = arith.constant 0 : index
      %get3A_99 = tpu.vector_load %arg10[%get3A_97, %get3A_98] {strides = array<i32>} : memref<200x128xf32, #tpu.memory_space<vmem>>, vector<16xf32>,
      %exp3A = math.exp %get3A_99 : vector<16xf32>
      %swap3A = arith.index_cast %scan3A_88 : i32 to index
      %swap3A_100 = arith.constant 0 : index
      %swap3A_101 = tpu.vector_load %arg10[%swap3A, %swap3A_100] {strides = array<i32>} : memref<200x128xf32, #tpu.memory_space<vmem>>, vector<16xf32>,
      tpu.vector_store %arg10[%swap3A, %swap3A_100], %exp3A {strides = array<i32>} : memref<200x128xf32, #tpu.memory_space<vmem>>, vector<16xf32>,
      %add3A_102 = arith.addf %scan3A_89, %exp3A : vector<16xf32>
      %get3A_103 = arith.index_cast %scan3A_88 : i32 to index
      %get3A_104 = arith.constant 16 : index
      %get3A_105 = tpu.vector_load %arg10[%get3A_103, %get3A_104] {strides = array<i32>} : memref<200x128xf32, #tpu.memory_space<vmem>>, vector<16xf32>,
      %exp3A_106 = math.exp %get3A_105 : vector<16xf32>
      %swap3A_107 = arith.index_cast %scan3A_88 : i32 to index
      %swap3A_108 = arith.constant 16 : index
      %swap3A_109 = tpu.vector_load %arg10[%swap3A_107, %swap3A_108] {strides = array<i32>} : memref<200x128xf32, #tpu.memory_space<vmem>>, vector<16xf32>,
      tpu.vector_store %arg10[%swap3A_107, %swap3A_108], %exp3A_106 {strides = array<i32>} : memref<200x128xf32, #tpu.memory_space<vmem>>, vector<16xf32>,
      %add3A_110 = arith.addf %scan3A_90, %exp3A_106 : vector<16xf32>
      %get3A_111 = arith.index_cast %scan3A_88 : i32 to index
      %get3A_112 = arith.constant 32 : index
      %get3A_113 = tpu.vector_load %arg10[%get3A_111, %get3A_112] {strides = array<i32>} : memref<200x128xf32, #tpu.memory_space<vmem>>, vector<16xf32>,
      %exp3A_114 = math.exp %get3A_113 : vector<16xf32>
      %swap3A_115 = arith.index_cast %scan3A_88 : i32 to index
      %swap3A_116 = arith.constant 32 : index
      %swap3A_117 = tpu.vector_load %arg10[%swap3A_115, %swap3A_116] {strides = array<i32>} : memref<200x128xf32, #tpu.memory_space<vmem>>, vector<16xf32>,
      tpu.vector_store %arg10[%swap3A_115, %swap3A_116], %exp3A_114 {strides = array<i32>} : memref<200x128xf32, #tpu.memory_space<vmem>>, vector<16xf32>,
      %add3A_118 = arith.addf %scan3A_91, %exp3A_114 : vector<16xf32>
      %get3A_119 = arith.index_cast %scan3A_88 : i32 to index
      %get3A_120 = arith.constant 48 : index
      %get3A_121 = tpu.vector_load %arg10[%get3A_119, %get3A_120] {strides = array<i32>} : memref<200x128xf32, #tpu.memory_space<vmem>>, vector<16xf32>,
      %exp3A_122 = math.exp %get3A_121 : vector<16xf32>
      %swap3A_123 = arith.index_cast %scan3A_88 : i32 to index
      %swap3A_124 = arith.constant 48 : index
      %swap3A_125 = tpu.vector_load %arg10[%swap3A_123, %swap3A_124] {strides = array<i32>} : memref<200x128xf32, #tpu.memory_space<vmem>>, vector<16xf32>,
      tpu.vector_store %arg10[%swap3A_123, %swap3A_124], %exp3A_122 {strides = array<i32>} : memref<200x128xf32, #tpu.memory_space<vmem>>, vector<16xf32>,
      %add3A_126 = arith.addf %scan3A_92, %exp3A_122 : vector<16xf32>
      %get3A_127 = arith.index_cast %scan3A_88 : i32 to index
      %get3A_128 = arith.constant 64 : index
      %get3A_129 = tpu.vector_load %arg10[%get3A_127, %get3A_128] {strides = array<i32>} : memref<200x128xf32, #tpu.memory_space<vmem>>, vector<16xf32>,
      %exp3A_130 = math.exp %get3A_129 : vector<16xf32>
      %swap3A_131 = arith.index_cast %scan3A_88 : i32 to index
      %swap3A_132 = arith.constant 64 : index
      %swap3A_133 = tpu.vector_load %arg10[%swap3A_131, %swap3A_132] {strides = array<i32>} : memref<200x128xf32, #tpu.memory_space<vmem>>, vector<16xf32>,
      tpu.vector_store %arg10[%swap3A_131, %swap3A_132], %exp3A_130 {strides = array<i32>} : memref<200x128xf32, #tpu.memory_space<vmem>>, vector<16xf32>,
      %add3A_134 = arith.addf %scan3A_93, %exp3A_130 : vector<16xf32>
      %get3A_135 = arith.index_cast %scan3A_88 : i32 to index
      %get3A_136 = arith.constant 80 : index
      %get3A_137 = tpu.vector_load %arg10[%get3A_135, %get3A_136] {strides = array<i32>} : memref<200x128xf32, #tpu.memory_space<vmem>>, vector<16xf32>,
      %exp3A_138 = math.exp %get3A_137 : vector<16xf32>
      %swap3A_139 = arith.index_cast %scan3A_88 : i32 to index
      %swap3A_140 = arith.constant 80 : index
      %swap3A_141 = tpu.vector_load %arg10[%swap3A_139, %swap3A_140] {strides = array<i32>} : memref<200x128xf32, #tpu.memory_space<vmem>>, vector<16xf32>,
      tpu.vector_store %arg10[%swap3A_139, %swap3A_140], %exp3A_138 {strides = array<i32>} : memref<200x128xf32, #tpu.memory_space<vmem>>, vector<16xf32>,
      %add3A_142 = arith.addf %scan3A_94, %exp3A_138 : vector<16xf32>
      %get3A_143 = arith.index_cast %scan3A_88 : i32 to index
      %get3A_144 = arith.constant 96 : index
      %get3A_145 = tpu.vector_load %arg10[%get3A_143, %get3A_144] {strides = array<i32>} : memref<200x128xf32, #tpu.memory_space<vmem>>, vector<16xf32>,
      %exp3A_146 = math.exp %get3A_145 : vector<16xf32>
      %swap3A_147 = arith.index_cast %scan3A_88 : i32 to index
      %swap3A_148 = arith.constant 96 : index
      %swap3A_149 = tpu.vector_load %arg10[%swap3A_147, %swap3A_148] {strides = array<i32>} : memref<200x128xf32, #tpu.memory_space<vmem>>, vector<16xf32>,
      tpu.vector_store %arg10[%swap3A_147, %swap3A_148], %exp3A_146 {strides = array<i32>} : memref<200x128xf32, #tpu.memory_space<vmem>>, vector<16xf32>,
      %add3A_150 = arith.addf %scan3A_95, %exp3A_146 : vector<16xf32>
      %get3A_151 = arith.index_cast %scan3A_88 : i32 to index
      %get3A_152 = arith.constant 112 : index
      %get3A_153 = tpu.vector_load %arg10[%get3A_151, %get3A_152] {strides = array<i32>} : memref<200x128xf32, #tpu.memory_space<vmem>>, vector<16xf32>,
      %exp3A_154 = math.exp %get3A_153 : vector<16xf32>
      %swap3A_155 = arith.index_cast %scan3A_88 : i32 to index
      %swap3A_156 = arith.constant 112 : index
      %swap3A_157 = tpu.vector_load %arg10[%swap3A_155, %swap3A_156] {strides = array<i32>} : memref<200x128xf32, #tpu.memory_space<vmem>>, vector<16xf32>,
      tpu.vector_store %arg10[%swap3A_155, %swap3A_156], %exp3A_154 {strides = array<i32>} : memref<200x128xf32, #tpu.memory_space<vmem>>, vector<16xf32>,
      %add3A_158 = arith.addf %scan3A_96, %exp3A_154 : vector<16xf32>
      scf.yield %add3A_102, %add3A_110, %add3A_118, %add3A_126, %add3A_134, %add3A_142, %add3A_150, %add3A_158 : vector<16xf32>, vector<16xf32>, vector<16xf32>, vector<16xf32>, vector<16xf32>, vector<16xf32>, vector<16xf32>, vector<16xf32>
    }
    %scan3A_58 = arith.constant 200 : i32
    %div3A = arith.constant 1.000000e+00 : f32
    %div3A_59 = vector.broadcast %div3A : f32 to vector<16xf32>
    %div3A_60 = arith.divf %div3A_59, %scan3A_57#0 : vector<16xf32>
    %div3A_61 = arith.constant 1.000000e+00 : f32
    %div3A_62 = vector.broadcast %div3A_61 : f32 to vector<16xf32>
    %div3A_63 = arith.divf %div3A_62, %scan3A_57#1 : vector<16xf32>
    %div3A_64 = arith.constant 1.000000e+00 : f32
    %div3A_65 = vector.broadcast %div3A_64 : f32 to vector<16xf32>
    %div3A_66 = arith.divf %div3A_65, %scan3A_57#2 : vector<16xf32>
    %div3A_67 = arith.constant 1.000000e+00 : f32
    %div3A_68 = vector.broadcast %div3A_67 : f32 to vector<16xf32>
    %div3A_69 = arith.divf %div3A_68, %scan3A_57#3 : vector<16xf32>
    %div3A_70 = arith.constant 1.000000e+00 : f32
    %div3A_71 = vector.broadcast %div3A_70 : f32 to vector<16xf32>
    %div3A_72 = arith.divf %div3A_71, %scan3A_57#4 : vector<16xf32>
    %div3A_73 = arith.constant 1.000000e+00 : f32
    %div3A_74 = vector.broadcast %div3A_73 : f32 to vector<16xf32>
    %div3A_75 = arith.divf %div3A_74, %scan3A_57#5 : vector<16xf32>
    %div3A_76 = arith.constant 1.000000e+00 : f32
    %div3A_77 = vector.broadcast %div3A_76 : f32 to vector<16xf32>
    %div3A_78 = arith.divf %div3A_77, %scan3A_57#6 : vector<16xf32>
    %div3A_79 = arith.constant 1.000000e+00 : f32
    %div3A_80 = vector.broadcast %div3A_79 : f32 to vector<16xf32>
    %div3A_81 = arith.divf %div3A_80, %scan3A_57#7 : vector<16xf32>
    %scan3A_82 = arith.constant 0 : i32
    %scan3A_83 = arith.constant 0 : i32
    %scan3A_84 = arith.constant 200 : i32
    %scan3A_85 = arith.addi %scan3A_83, %scan3A_84 : i32
    %scan3A_86 = arith.constant 1 : i32
    scf.for %scan3A_88 = %scan3A_83 to %scan3A_85 step %scan3A_86  : i32 {
      %get3A_89 = arith.index_cast %scan3A_88 : i32 to index
      %get3A_90 = arith.constant 0 : index
      %get3A_91 = tpu.vector_load %arg10[%get3A_89, %get3A_90] {strides = array<i32>} : memref<200x128xf32, #tpu.memory_space<vmem>>, vector<16xf32>,
      %mul3A_92 = arith.mulf %get3A_91, %div3A_60 : vector<16xf32>
      %swap3A = arith.index_cast %scan3A_88 : i32 to index
      %swap3A_93 = arith.constant 0 : index
      %swap3A_94 = tpu.vector_load %arg10[%swap3A, %swap3A_93] {strides = array<i32>} : memref<200x128xf32, #tpu.memory_space<vmem>>, vector<16xf32>,
      tpu.vector_store %arg10[%swap3A, %swap3A_93], %mul3A_92 {strides = array<i32>} : memref<200x128xf32, #tpu.memory_space<vmem>>, vector<16xf32>,
      %get3A_95 = arith.index_cast %scan3A_88 : i32 to index
      %get3A_96 = arith.constant 16 : index
      %get3A_97 = tpu.vector_load %arg10[%get3A_95, %get3A_96] {strides = array<i32>} : memref<200x128xf32, #tpu.memory_space<vmem>>, vector<16xf32>,
      %mul3A_98 = arith.mulf %get3A_97, %div3A_63 : vector<16xf32>
      %swap3A_99 = arith.index_cast %scan3A_88 : i32 to index
      %swap3A_100 = arith.constant 16 : index
      %swap3A_101 = tpu.vector_load %arg10[%swap3A_99, %swap3A_100] {strides = array<i32>} : memref<200x128xf32, #tpu.memory_space<vmem>>, vector<16xf32>,
      tpu.vector_store %arg10[%swap3A_99, %swap3A_100], %mul3A_98 {strides = array<i32>} : memref<200x128xf32, #tpu.memory_space<vmem>>, vector<16xf32>,
      %get3A_102 = arith.index_cast %scan3A_88 : i32 to index
      %get3A_103 = arith.constant 32 : index
      %get3A_104 = tpu.vector_load %arg10[%get3A_102, %get3A_103] {strides = array<i32>} : memref<200x128xf32, #tpu.memory_space<vmem>>, vector<16xf32>,
      %mul3A_105 = arith.mulf %get3A_104, %div3A_66 : vector<16xf32>
      %swap3A_106 = arith.index_cast %scan3A_88 : i32 to index
      %swap3A_107 = arith.constant 32 : index
      %swap3A_108 = tpu.vector_load %arg10[%swap3A_106, %swap3A_107] {strides = array<i32>} : memref<200x128xf32, #tpu.memory_space<vmem>>, vector<16xf32>,
      tpu.vector_store %arg10[%swap3A_106, %swap3A_107], %mul3A_105 {strides = array<i32>} : memref<200x128xf32, #tpu.memory_space<vmem>>, vector<16xf32>,
      %get3A_109 = arith.index_cast %scan3A_88 : i32 to index
      %get3A_110 = arith.constant 48 : index
      %get3A_111 = tpu.vector_load %arg10[%get3A_109, %get3A_110] {strides = array<i32>} : memref<200x128xf32, #tpu.memory_space<vmem>>, vector<16xf32>,
      %mul3A_112 = arith.mulf %get3A_111, %div3A_69 : vector<16xf32>
      %swap3A_113 = arith.index_cast %scan3A_88 : i32 to index
      %swap3A_114 = arith.constant 48 : index
      %swap3A_115 = tpu.vector_load %arg10[%swap3A_113, %swap3A_114] {strides = array<i32>} : memref<200x128xf32, #tpu.memory_space<vmem>>, vector<16xf32>,
      tpu.vector_store %arg10[%swap3A_113, %swap3A_114], %mul3A_112 {strides = array<i32>} : memref<200x128xf32, #tpu.memory_space<vmem>>, vector<16xf32>,
      %get3A_116 = arith.index_cast %scan3A_88 : i32 to index
      %get3A_117 = arith.constant 64 : index
      %get3A_118 = tpu.vector_load %arg10[%get3A_116, %get3A_117] {strides = array<i32>} : memref<200x128xf32, #tpu.memory_space<vmem>>, vector<16xf32>,
      %mul3A_119 = arith.mulf %get3A_118, %div3A_72 : vector<16xf32>
      %swap3A_120 = arith.index_cast %scan3A_88 : i32 to index
      %swap3A_121 = arith.constant 64 : index
      %swap3A_122 = tpu.vector_load %arg10[%swap3A_120, %swap3A_121] {strides = array<i32>} : memref<200x128xf32, #tpu.memory_space<vmem>>, vector<16xf32>,
      tpu.vector_store %arg10[%swap3A_120, %swap3A_121], %mul3A_119 {strides = array<i32>} : memref<200x128xf32, #tpu.memory_space<vmem>>, vector<16xf32>,
      %get3A_123 = arith.index_cast %scan3A_88 : i32 to index
      %get3A_124 = arith.constant 80 : index
      %get3A_125 = tpu.vector_load %arg10[%get3A_123, %get3A_124] {strides = array<i32>} : memref<200x128xf32, #tpu.memory_space<vmem>>, vector<16xf32>,
      %mul3A_126 = arith.mulf %get3A_125, %div3A_75 : vector<16xf32>
      %swap3A_127 = arith.index_cast %scan3A_88 : i32 to index
      %swap3A_128 = arith.constant 80 : index
      %swap3A_129 = tpu.vector_load %arg10[%swap3A_127, %swap3A_128] {strides = array<i32>} : memref<200x128xf32, #tpu.memory_space<vmem>>, vector<16xf32>,
      tpu.vector_store %arg10[%swap3A_127, %swap3A_128], %mul3A_126 {strides = array<i32>} : memref<200x128xf32, #tpu.memory_space<vmem>>, vector<16xf32>,
      %get3A_130 = arith.index_cast %scan3A_88 : i32 to index
      %get3A_131 = arith.constant 96 : index
      %get3A_132 = tpu.vector_load %arg10[%get3A_130, %get3A_131] {strides = array<i32>} : memref<200x128xf32, #tpu.memory_space<vmem>>, vector<16xf32>,
      %mul3A_133 = arith.mulf %get3A_132, %div3A_78 : vector<16xf32>
      %swap3A_134 = arith.index_cast %scan3A_88 : i32 to index
      %swap3A_135 = arith.constant 96 : index
      %swap3A_136 = tpu.vector_load %arg10[%swap3A_134, %swap3A_135] {strides = array<i32>} : memref<200x128xf32, #tpu.memory_space<vmem>>, vector<16xf32>,
      tpu.vector_store %arg10[%swap3A_134, %swap3A_135], %mul3A_133 {strides = array<i32>} : memref<200x128xf32, #tpu.memory_space<vmem>>, vector<16xf32>,
      %get3A_137 = arith.index_cast %scan3A_88 : i32 to index
      %get3A_138 = arith.constant 112 : index
      %get3A_139 = tpu.vector_load %arg10[%get3A_137, %get3A_138] {strides = array<i32>} : memref<200x128xf32, #tpu.memory_space<vmem>>, vector<16xf32>,
      %mul3A_140 = arith.mulf %get3A_139, %div3A_81 : vector<16xf32>
      %swap3A_141 = arith.index_cast %scan3A_88 : i32 to index
      %swap3A_142 = arith.constant 112 : index
      %swap3A_143 = tpu.vector_load %arg10[%swap3A_141, %swap3A_142] {strides = array<i32>} : memref<200x128xf32, #tpu.memory_space<vmem>>, vector<16xf32>,
      tpu.vector_store %arg10[%swap3A_141, %swap3A_142], %mul3A_140 {strides = array<i32>} : memref<200x128xf32, #tpu.memory_space<vmem>>, vector<16xf32>,
    }
    %scan3A_87 = arith.constant 200 : i32
    "tpu.region"() ({
      %run_scoped3A = tpu.sem_alloc : memref<!tpu.dma_semaphore, #tpu.memory_space<semaphore_mem>>
      %dma_start3A_88 = arith.constant 0 : i32
      %dma_start3A_89 = tpu.memref_slice %arg6[%mul3A_3, %dma_start3A_88] : memref<6400x128xf32, #tpu.memory_space<hbm>> -> memref<200x128xf32, #tpu.memory_space<hbm>>
      %dma_start3A_90 = arith.constant 0 : i32
      %dma_start3A_91 = tpu.memref_slice %arg6[%mul3A_3, %dma_start3A_90] : memref<6400x128xf32, #tpu.memory_space<hbm>> -> memref<200x128xf32, #tpu.memory_space<hbm>>
      tpu.enqueue_dma source(%arg10 : memref<200x128xf32, #tpu.memory_space<vmem>>) target(%dma_start3A_91 : memref<200x128xf32, #tpu.memory_space<hbm>>) target_semaphore(%run_scoped3A : memref<!tpu.dma_semaphore, #tpu.memory_space<semaphore_mem>>)
      %dma_wait3A = arith.constant 0 : i32
      %dma_wait3A_92 = tpu.memref_slice %arg6[%mul3A_3, %dma_wait3A] : memref<6400x128xf32, #tpu.memory_space<hbm>> -> memref<200x128xf32, #tpu.memory_space<hbm>>
      %dma_wait3A_93 = arith.constant 0 : i32
      %dma_wait3A_94 = tpu.memref_slice %arg6[%mul3A_3, %dma_wait3A_93] : memref<6400x128xf32, #tpu.memory_space<hbm>> -> memref<200x128xf32, #tpu.memory_space<hbm>>
      tpu.wait_dma2 semaphore(%run_scoped3A : memref<!tpu.dma_semaphore, #tpu.memory_space<semaphore_mem>>) src(%arg10 : memref<200x128xf32, #tpu.memory_space<vmem>>) dst(%dma_wait3A_94 : memref<200x128xf32, #tpu.memory_space<hbm>>)
      tpu.yield
    }) : () -> ()
    return
  }
}

module attributes {stable_mosaic.version = 14 : i64} {
  func.func @_rowmean_pack_body(%arg0: i32, %arg1: memref<4096x256xf32, #tpu.memory_space<vmem>>, %arg2: memref<4096x256xf32, #tpu.memory_space<vmem>>, %arg3: memref<4096xi32, #tpu.memory_space<vmem>>) attributes {dimension_semantics = [#tpu.dimension_semantics<arbitrary>], iteration_bounds = array<i64: 25>, scalar_prefetch = 0 : i64, scratch_operands = 0 : i64, tpu.core_type = #tpu.core_type<tc>, window_params = [{transform_indices = @transform_0, window_bounds = array<i64: 4096, 256>}, {transform_indices = @transform_1, window_bounds = array<i64: 4096, 256>}, {transform_indices = @transform_2, window_bounds = array<i64: 4096>}]} {
    %get3A = arith.constant 0 : index
    %get3A_0 = arith.constant 0 : index
    %get3A_1 = vector.load %arg1[%get3A, %get3A_0] : memref<4096x256xf32, #tpu.memory_space<vmem>>, vector<4096x256xf32>
    %reduce_sum3A = arith.constant dense<0.000000e+00> : vector<4096xf32>
    %reduce_sum3A_2 = vector.multi_reduction <add>, %get3A_1, %reduce_sum3A [1] : vector<4096x256xf32> to vector<4096xf32>
    %broadcast_in_dim3A = vector.shape_cast %reduce_sum3A_2 : vector<4096xf32> to vector<4096x1xf32>
    %div3A = arith.constant 2.560000e+02 : f32
    %div3A_3 = vector.broadcast %div3A : f32 to vector<4096x1xf32>
    %div3A_4 = arith.divf %broadcast_in_dim3A, %div3A_3 : vector<4096x1xf32>
    %get3A_5 = arith.constant 0 : index
    %get3A_6 = arith.constant 0 : index
    %get3A_7 = vector.load %arg2[%get3A_5, %get3A_6] : memref<4096x256xf32, #tpu.memory_space<vmem>>, vector<4096x256xf32>
    %reduce_sum3A_8 = arith.constant dense<0.000000e+00> : vector<4096xf32>
    %reduce_sum3A_9 = vector.multi_reduction <add>, %get3A_7, %reduce_sum3A_8 [1] : vector<4096x256xf32> to vector<4096xf32>
    %broadcast_in_dim3A_10 = vector.shape_cast %reduce_sum3A_9 : vector<4096xf32> to vector<4096x1xf32>
    %div3A_11 = arith.constant 2.560000e+02 : f32
    %div3A_12 = vector.broadcast %div3A_11 : f32 to vector<4096x1xf32>
    %div3A_13 = arith.divf %broadcast_in_dim3A_10, %div3A_12 : vector<4096x1xf32>
    %convert_element_type3A = arith.truncf %div3A_4 : vector<4096x1xf32> to vector<4096x1xbf16>
    %bitcast_convert_type3A = tpu.bitcast %convert_element_type3A : vector<4096x1xbf16> -> vector<4096x1xi16>
    %convert_element_type3A_14 = arith.truncf %div3A_13 : vector<4096x1xf32> to vector<4096x1xbf16>
    %bitcast_convert_type3A_15 = tpu.bitcast %convert_element_type3A_14 : vector<4096x1xbf16> -> vector<4096x1xi16>
    %convert_element_type3A_16 = arith.extui %bitcast_convert_type3A : vector<4096x1xi16> to vector<4096x1xi32>
    %shift_left3A = arith.constant 16 : i32
    %shift_left3A_17 = vector.broadcast %shift_left3A : i32 to vector<4096x1xi32>
    %shift_left3A_18 = arith.shli %convert_element_type3A_16, %shift_left3A_17 : vector<4096x1xi32>
    %convert_element_type3A_19 = arith.extui %bitcast_convert_type3A_15 : vector<4096x1xi16> to vector<4096x1xi32>
    %or3A = arith.ori %shift_left3A_18, %convert_element_type3A_19 : vector<4096x1xi32>
    %bitcast_convert_type3A_20 = tpu.bitcast %or3A : vector<4096x1xi32> -> vector<4096x1xi32>
    %squeeze3A = vector.shape_cast %bitcast_convert_type3A_20 : vector<4096x1xi32> to vector<4096xi32>
    %swap3A = arith.constant 0 : index
    %swap3A_21 = vector.load %arg3[%swap3A] : memref<4096xi32, #tpu.memory_space<vmem>>, vector<4096xi32>
    tpu.vector_store %arg3[%swap3A], %squeeze3A {strides = array<i32>} : memref<4096xi32, #tpu.memory_space<vmem>>, vector<4096xi32>,
    return
  }
  func.func @transform_0(%arg0: i32) -> (i32, i32) {
    %c0_i32 = arith.constant 0 : i32
    %c0_i32_0 = arith.constant 0 : i32
    return %arg0, %c0_i32 : i32, i32
  }
  func.func @transform_1(%arg0: i32) -> (i32, i32) {
    %c0_i32 = arith.constant 0 : i32
    %c0_i32_0 = arith.constant 0 : i32
    return %arg0, %c0_i32 : i32, i32
  }
  func.func @transform_2(%arg0: i32) -> i32 {
    %c0_i32 = arith.constant 0 : i32
    return %arg0 : i32
  }
}

</mosaic_0001>

<sc_bundles>
// kernel: kernel.4.cloned.1.call-start
scs
__scs_entry_jumppad:
0x0: {  	(pc) =	sbr.rel $0x88, $3  }
0x1: {  	(tag) =	ssettag $0x0;
	lr =	simm.s32 $0x1  }
0x2: {  	[smem:$0x3F9E] =	sst lr;
	_ =	strace $0xD0000000  }
0x3: {  	_ = 	snop  }
0x4: {  	_ = 	snop  }
0x5: {  	_ = 	snop  }
0x6: {  	_ = 	snop  }
0x7: {  	_ = 	snop  }
__scs_overlays_trampoline_lowered:
0x8: {  	[smem:$0x3FAD] =	sst s0  }
0x9: {  	[smem:$0x3FAE] =	sst s1  }
0xa: {  	[smem:$0x3FAF] =	sst s2  }
0xb: {  	[smem:$0x3FB0] =	sst s3  }
0xc: {  	[smem:$0x3FB1] =	sst s4  }
0xd: {  	[smem:$0x3FB2] =	sst s5  }
0xe: {  	[smem:$0x3FB3] =	sst s6  }
0xf: {  	[smem:$0x3FB4] =	sst s7  }
0x10: {  	[smem:$0x3FB5] =	sst s8  }
0x11: {  	[smem:$0x3FB6] =	sst s9;
	s0 =	simm.s32 @!p0 $0x0  }
0x12: {  	s1 =	sld [smem:$0x3F9C];
	s0 =	simm.s32 @p0 $0x1  }
0x13: {  	[smem:$0x3FB7] =	sst s0;
	s0 =	simm.s32 @!p1 $0x0  }
0x14: {  	s2 =	sld [smem:$0x3F9B];
	s0 =	simm.s32 @p1 $0x1  }
0x15: {  	[smem:$0x3FB8] =	sst s0;
	s0 =	simm.s32 @!p2 $0x0  }
0x16: {  	s3 =	sld [smem:$0x3FDB];
	s0 =	simm.s32 @p2 $0x1  }
0x17: {  	s4 =	simm.s32 $0x1BF5;
	[smem:$0x3FBA] =	sst s0  }
0x18: {  	s0 =	sld [smem:$0x3F9D];
	_ =	swait.ge [sflag:s4], $0x0  }
0x19: {  	s7 =	sld [smem:$0x3F9E]  }
0x1a: {  	s8 =	sadd.s32 $0xFFFFE003, lr  }
0x1b: {  	s9 =	sadd.s32 $0xFFFFFEF7, lr;
	s5 =	simm.s32 $0xFFFFFFFF;
	p2 =	slt.u32 s8, $0xFFFFF086  }
0x1c: {  	p1 =	slt.u32 s9, $0xF7A;
	s5 =	simm.s32 @!p2 $0x0  }
0x1d: {  	s5 =	simm.s32 @p1 $0x1;
	p0 =	seq.s32 s7, s2  }
0x1e: {  	s7 =	smul.u32 @!p0 $0xF7A, s2;
	p2 =	seq.s32 @!p0 s5, $0x0  }
0x1f: {  	s9 =	smul.u32 $0xF7A, s1;
	s8 =	simm.s32 @!p0 $0x1BF5;
	p2 =	por !p2, p0  }
0x20: {  	[sflag:s8] =	ssyncset.s32 @!p0 $0xFFFFF086;
	s6 =	sadd.s32 @!p0 s3, s7;
	s7 =	simm.s32 @!p0 $0x108  }
0x21: {  	s3 =	sadd.s32 s3, s9;
	s6 =	sadd.s32 @!p0 $0x88, s6;
	s7 =	simm.s32 @p2 $0x1082  }
0x22: {  	[simem:s7], [sflag:s8] =	dma.local @!p0 [hbm:s6], $0xF7A  }
0x23: {  	s9 =	sor.u32 $0xD0000000, s2;
	s6 =	simm.s32 $0x108;
	_ =	swait.ge @!p0 [sflag:s8], $0x0  }
0x24: {  	s3 =	sadd.s32 $0x88, s3;
	s6 =	simm.s32 @!p1 $0x1082;
	[sflag:s4] =	ssyncset.s32 $0xFFFFF086  }
0x25: {  	[simem:s6], [sflag:s4] =	dma.local [hbm:s3], $0xF7A  }
0x26: {  	[smem:$0x3F9E] =	sst s1;
	(tag) =	ssettag s2;
	_ =	strace s9  }
0x27: {  	s1 =	sld [smem:$0x3FAE]  }
0x28: {  	s2 =	sld [smem:$0x3FAF]  }
0x29: {  	s4 =	sld [smem:$0x3FB1]  }
0x2a: {  	p0 =	seq.s32 s5, $0x0;
	s5 =	sld [smem:$0x3FB2]  }
0x2b: {  	s6 =	sld [smem:$0x3FB3]  }
0x2c: {  	s7 =	sld [smem:$0x3FB4]  }
0x2d: {  	s3 =	simm.s32 $0x108;
	s8 =	sld [smem:$0x3FB5]  }
0x2e: {  	s3 =	simm.s32 @!p0 $0x1082;
	s9 =	sld [smem:$0x3FB6]  }
0x2f: {  	lr =	sadd.s32 s0, s3;
	s0 =	sld [smem:$0x3FAD]  }
0x30: {  	s3 =	sld [smem:$0x3FB0]  }
0x31: {  	[smem:$0x3FB9] =	sst s10  }
0x32: {  	s10 =	sld [smem:$0x3FB7];
	_ =	sdelay $0x3  }
0x33: {  	p0 =	seq.s32 s10, $0x1;
	s10 =	sld [smem:$0x3FB9];
	_ =	sdelay $0x3  }
0x34: {  	[smem:$0x3FB9] =	sst s10  }
0x35: {  	s10 =	sld [smem:$0x3FB8];
	_ =	sdelay $0x3  }
0x36: {  	p1 =	seq.s32 s10, $0x1;
	s10 =	sld [smem:$0x3FB9];
	_ =	sdelay $0x3  }
0x37: {  	[smem:$0x3FB9] =	sst s10  }
0x38: {  	s10 =	sld [smem:$0x3FBA]  }
0x39: {  	_ = 	snop;
	(pc) =	sbr.ind lr, $3  }
0x3a: {  	_ = 	snop  }
0x3b: {  	_ = 	snop  }
0x3c: {  	p2 =	seq.s32 s10, $0x1;
	s10 =	sld [smem:$0x3FB9]  }
0x3d: {  	_ =	shalt  }
0x3e: {  	_ =	shalt  }
0x3f: {  	_ =	shalt  }
0x40: {  	_ =	shalt  }
0x41: {  	_ =	shalt  }
0x42: {  	_ =	shalt  }
0x43: {  	_ =	shalt  }
0x44: {  	_ =	shalt  }
0x45: {  	_ =	shalt  }
0x46: {  	_ =	shalt  }
0x47: {  	_ =	shalt  }
0x48: {  	_ =	shalt  }
0x49: {  	_ =	shalt  }
0x4a: {  	_ =	shalt  }
0x4b: {  	_ =	shalt  }
0x4c: {  	_ =	shalt  }
0x4d: {  	_ =	shalt  }
0x4e: {  	_ =	shalt  }
0x4f: {  	_ =	shalt  }
0x50: {  	_ =	shalt  }
0x51: {  	_ =	shalt  }
0x52: {  	_ =	shalt  }
0x53: {  	_ =	shalt  }
0x54: {  	_ =	shalt  }
0x55: {  	_ =	shalt  }
0x56: {  	_ =	shalt  }
0x57: {  	_ =	shalt  }
0x58: {  	_ =	shalt  }
0x59: {  	_ =	shalt  }
0x5a: {  	_ =	shalt  }
0x5b: {  	_ =	shalt  }
0x5c: {  	_ =	shalt  }
0x5d: {  	_ =	shalt  }
0x5e: {  	_ =	shalt  }
0x5f: {  	_ =	shalt  }
0x60: {  	_ =	shalt  }
0x61: {  	_ =	shalt  }
0x62: {  	_ =	shalt  }
0x63: {  	_ =	shalt  }
0x64: {  	_ =	shalt  }
0x65: {  	_ =	shalt  }
0x66: {  	_ =	shalt  }
0x67: {  	_ =	shalt  }
0x68: {  	_ =	shalt  }
0x69: {  	_ =	shalt  }
0x6a: {  	_ =	shalt  }
0x6b: {  	_ =	shalt  }
0x6c: {  	_ =	shalt  }
0x6d: {  	_ =	shalt  }
0x6e: {  	_ =	shalt  }
0x6f: {  	_ =	shalt  }
0x70: {  	_ =	shalt  }
0x71: {  	_ =	shalt  }
0x72: {  	_ =	shalt  }
0x73: {  	_ =	shalt  }
0x74: {  	_ =	shalt  }
0x75: {  	_ =	shalt  }
0x76: {  	_ =	shalt  }
0x77: {  	_ =	shalt  }
0x78: {  	_ =	shalt  }
0x79: {  	_ =	shalt  }
0x7a: {  	_ =	shalt  }
0x7b: {  	_ =	shalt  }
0x7c: {  	_ =	shalt  }
0x7d: {  	_ =	shalt  }
0x7e: {  	_ =	shalt  }
0x7f: {  	_ =	shalt  }
0x80: {  	_ =	shalt  }
0x81: {  	_ =	shalt  }
0x82: {  	_ =	shalt  }
0x83: {  	_ =	shalt  }
0x84: {  	_ =	shalt  }
0x85: {  	_ =	shalt  }
0x86: {  	_ =	shalt  }
0x87: {  	_ =	shalt  }
.Lfunc_end0:
.L_simem_size_0:
called_computation_lowered:
.L_overlay_start_0:
0x88: {  	s2 =	sld [smem:$0x3FD9]  }
0x89: {  	s3 =	sld [smem:$0x3FFE];
	_ =	sdelay $0x1  }
0x8a: {  	s1 =	srdreg.scid  }
0x8b: {  	s0 =	sand.u32 $0x1, s1  }
0x8c: {  	s17 =	sshll.u32 s0, $0xA;
	s2 =	sadd.s32 s3, s2  }
0x8d: {  	s2 =	sadd.s32 s2, s17  }
0x8e: {  	[smem:$0x3FC5] =	sst s2  }
0x8f: {  	_ = 	snop  }
0x90: {  	s2 =	sld [smem:$0x3FD0];
	(tm) =	ssettm $0x1  }
0x91: {  	s18 =	sld [smem:$0x3FFB];
	_ =	sdelay $0x3  }
0x92: {  	_ =	strace s18  }
0x93: {  	s3 =	sld [smem:$0x3FFC];
	_ =	sdelay $0x3  }
0x94: {  	_ =	strace s3  }
0x95: {  	s3 =	sld [smem:$0x3FFD];
	_ =	sdelay $0x3  }
0x96: {  	_ =	strace s3  }
0x97: {  	_ =	strace $0x8FFFFFFF  }
0x98: {  	s19 =	sld [smem:$0x3FDB];
	_ =	sdelay $0x1  }
0x99: {  	s4 =	simm.s32 $_scs_section_size  }
0x9a: {  	s5 =	simm.s32 $_size__tile_overlayer_lowered;
	s6 =	simm.s32 $_tile_overlayer_lowered  }
0x9b: {  	s22 =	simm.s32 $0x1BFF;
	s21 =	sshll.u32 s6, $0x1;
	s3 =	sadd.s32 s4, s19  }
0x9c: {  	s7 =	simm.s32 $0x0;
	s20 =	sshll.u32 s5, $0x1;
	s5 =	sadd.s32 s21, s3  }
0x9d: {  	[timem:s7], [sflag:s22] =	dma.local [hbm:s5], s20  }
0x9e: {  	_ =	swait.ge [sflag:s22], s20  }
0x9f: {  	s4 =	ssub.s32 $0x0, s20;
	[sflag:s22] =	ssyncset.done $0x0  }
0xa0: {  	[sflag:s22] =	ssyncadd.s32 s4;
	_ =	sdelay $0x1  }
0xa1: {  	s23 =	simm.s32 $0x1B8B  }
0xa2: {  	_ =	swait.ge [sflag:s23], $0x1  }
0xa3: {  	[sflag:s23] =	ssyncset.done $0x0  }
0xa4: {  	s25 =	simm.s32 $0x1B8E;
	s24 =	sld [smem:$0x3FFE];
	[sflag:s23] =	ssyncadd.s32 $0xFFFFFFFF  }
0xa5: {  	s26 =	simm.s32 $execute0_lowered;
	[smem:$0x3FD2] =	sst s25  }
0xa6: {  	s5 =	sshll.u32 s26, $0x1;
	_ =	strace $0x80000046;
	[dreg:$0x1] =	wrdreg $0xFFFFFFFF  }
0xa7: {  	s28 =	simm.s32 $_size_execute0_lowered;
	s3 =	sadd.s32 s3, s5;
	[dreg:$0x0] =	wrdreg $0x0  }
0xa8: {  	s5 =	sshll.u32 s28, $0x1;
	[dreg:$0x2] =	wrdreg s3  }
0xa9: {  	[dreg:$0x3] =	wrdreg s5  }
0xaa: {  	[dreg:$0x4] =	wrdreg $0xC0  }
0xab: {  	_ =	task [dreg:s7], $0x5FFFF  }
0xac: {  	[dreg:$0x1] =	wrdreg $0xFFFFFFFF  }
0xad: {  	[dreg:$0x0] =	wrdreg $0x60  }
0xae: {  	[dreg:$0x2] =	wrdreg s24  }
0xaf: {  	[dreg:$0x3] =	wrdreg s2  }
0xb0: {  	[dreg:$0x4] =	wrdreg $0x9  }
0xb1: {  	_ =	task.clear_ibuf [dreg:s7], $0x5FFFF;
	_ =	strace $0x90000046  }
0xb2: {  	s29 =	simm.s32 $0x9;
	_ =	strace $0x80000048  }
0xb3: {  	_ =	swait.ge [sflag:s29], $0x1  }
0xb4: {  	[sflag:s29] =	ssyncadd.s32 $0xFFFFFFFF  }
0xb5: {  	_ =	strace $0x90000048  }
0xb6: {  	_ =	sfence  }
0xb7: {  	s30 =	sld [smem:$0x0];
	_ =	sdelay $0x2  }
0xb8: {  	s31 =	sshll.u32 s1, $0xD;
	s1 =	sshrl.u32 s1, $0x2  }
0xb9: {  	s3 =	sand.u32 $0x4000, s31;
	s1 =	sadd.s32 s1, s30  }
0xba: {  	s0 =	sor.u32 s3, s0;
	s1 =	sshll.u32 s1, $0x11  }
0xbb: {  	s0 =	sor.u32 s1, s0  }
0xbc: {  	s0 =	sadd.s32 $0x8F2B, s0  }
0xbd: {  	[sflag:s0] =	ssyncadd.remote.s32 $0x1  }
0xbe: {  	_ =	sfence.sel $0xFFFF  }
0xbf: {  	[dreg:$0x0] =	wrdreg $0xFFFFFFFF;
	(pc) =	sbr.abs _section_cstart, $3  }
0xc0: {  	[dreg:$0x1] =	wrdreg $0xFFFFFFFF  }
0xc1: {  	_ =	task.clear_ibuf [dreg:s7], $0x2FFFF;
	_ =	strace $0x9FFFFFFF  }
0xc2: {  	(tm) =	ssettm $0x7FFFFFFF  }
0xc3: {  	_ =	shalt  }
tec
execute0_lowered:
.L_overlay_start_1:
0x0: {  	(tag) =	ssettag $0x1  }
0x1: {  	s5 =	rddreg [dreg:$0x0];
	s1 =	srdreg.scid  }
0x2: {  	s0 =	stileid.u32;
	s8 =	rddreg [dreg:$0x1]  }
0x3: {  	s2 =	simm.s32 $0x0;
	s14 =	simm.s32 $0x18F00;
	s15 =	simm.s32 $0x1  }
0x4: {  	s16 =	simm.s32 $0x2;
	s17 =	simm.s32 $0x3;
	s18 =	simm.s32 $0x19700  }
0x5: {  	s19 =	simm.s32 $0x0;
	s4 =	sand.u32 $0x1, s1;
	s1 =	rddreg [dreg:$0x2]  }
0x6: {  	s3 =	sshll.u32 s0, $0x1;
	[smem:$0x7FF] =	sst s2;
	s7 =	smul.u32 $0x32, s0  }
0x7: {  	s11 =	sadd.s32 $0x800, s5;
	s3 =	sor.u32 s4, s3;
	_ =	strace $0x80000047  }
0x8: {  	s9 =	ssub.s32 $0x2, s4;
	s10 =	smul.u32 $0x19, s4;
	s4 =	sadd.s32 $0x1CA00, s5  }
0x9: {  	s6 =	smul.u32 $0xC80, s3;
	s3 =	sadd.s32 $0x19800, s5;
	s12 =	sshrl.u32 s9, $0x1  }
0xa: {  	s9 =	ssub.s32 s9, s12;
	s7 =	sadd.s32 s10, s7;
	s12 =	simm.s32 $0x4  }
0xb: {  	s13 =	sadd.s32 s6, s5;
	s5 =	sadd.s32 s8, s6;
	s10 =	sshll.u32 s7, $0x7  }
0xc: {  	s6 =	sadd.s32 s11, s6;
	s7 =	sadd.s32 $0x1CC00, s13;
	s11 =	sadd.s32 s10, s11  }
0xd: {  	s10 =	sadd.s32 s10, s8;
	s8 =	smax.u32 s9, $0x1;
	s13 =	simm.s32 $0x18700  }
0xe: {  	s9 =	sadd.s32 $0x80, s11;
	s10 =	sadd.s32 $0x80, s10;
	s11 =	simm.s32 $0x1FB00  }
.LBB2_1:
0xf: {  	[tilespmem:s11], [sflag:$0x4] =	stream.linear.gather [hbm4b:s4+s2], $0x1, $0x38;
	[tilespmem:$0x1FB80] =	vst v63  }
0x10: {  	_ =	swait.ge [sflag:s12], $0x1  }
0x11: {  	[sflag:s12] =	ssyncset.done $0x0  }
0x12: {  	[sflag:s12] =	ssyncadd.s32 $0xFFFFFFFF  }
0x13: {  	v0 =	vld.msk [tilespmem:$0x1FB00 ss:$0x0], $0xffff;
	[tilespmem:s2], [sflag:$0x1] =	stream.linear.gather [hbm4b:s3+s2], $0x18700, $0x38  }
0x14: {  	_ = 	snop  }
0x15: {  	[tilespmem:s13], [sflag:$0x2] =	stream.linear.gather [hbm4b:s5+s2], $0x400, $0x38;
	[tilespmem:$0x1FB80] =	vst v63  }
0x16: {  	_ = 	snop  }
0x17: {  	[tilespmem:s14], [sflag:$0x3] =	stream.linear.gather [hbm4b:s6+s2], $0x400, $0x38;
	[tilespmem:$0x1FB80] =	vst v63  }
0x18: {  	_ =	swait.ge [sflag:s15], $0x18700  }
0x19: {  	s20 =	simm.s32 $0x19900;
	s21 =	smov.u32 s10;
	[sflag:s15] =	ssyncset.done $0x0  }
0x1a: {  	s22 =	smov.u32 s9;
	s23 =	simm.s32 $0x0;
	[sflag:s15] =	ssyncadd.s32 $0xFFFE7900  }
.LBB2_2:
0x1b: {  	p0 =	seq.s32 s23, $0x6000  }
0x1c: {  	s24 =	sxor.u32 @!p0 $0xFFFFFFFF, s23  }
0x1d: {  	s24 =	sand.u32 @!p0 $0x400, s24  }
0x1e: {  	s26 =	simm.s32 @!p0 $0x0;
	s25 =	sadd.s32 @!p0 $0x18700, s24  }
0x1f: {  	[tilespmem:s25], [sflag:$0x2] =	stream.linear.gather @!p0 [hbm4b:s21+s26], $0x400, $0x38;
	[tilespmem:$0x1FB80] =	vst v63  }
0x20: {  	s24 =	sadd.s32 @!p0 $0x18F00, s24  }
0x21: {  	[tilespmem:s24], [sflag:$0x3] =	stream.linear.gather @!p0 [hbm4b:s22+s26], $0x400, $0x38;
	[tilespmem:$0x1FB80] =	vst v63  }
0x22: {  	_ =	swait.ge [sflag:s16], $0x400  }
0x23: {  	[sflag:s16] =	ssyncset.done $0x0  }
0x24: {  	[sflag:s16] =	ssyncadd.s32 $0xFFFFFC00  }
0x25: {  	_ =	swait.ge [sflag:s17], $0x400  }
0x26: {  	[sflag:s17] =	ssyncset.done $0x0  }
0x27: {  	s30 =	sand.u32 $0x400, s23;
	[sflag:s17] =	ssyncadd.s32 $0xFFFFFC00  }
0x28: {  	v1 =	vld [tilespmem:s30+$0x18700]  }
0x29: {  	v2 =	vld [tilespmem:s30+$0x18F00];
	_ =	sdelay $0x5  }
0x2a: {  	s31 =	simm.s32 $0x0  }
0x2b: {  	v1 =	vld.idx.msk [tilespmem:v1+s31+$0x0], $0xffff  }
0x2c: {  	v2 =	vld.idx.msk [tilespmem:v2+s31+$0x0], $0xffff;
	_ =	sdelay $0x4  }
0x2d: {  	v1 =	vand.u32 v0, v1;
	v2 =	vshll.u32 v2, $0x10  }
0x2e: {  	v1 =	vadd.f32 v2, v1;
	_ =	sdelay $0x1  }
0x2f: {  	[tilespmem:s20+$0xFFFFFE00] =	vst v1  }
0x30: {  	v1 =	vld [tilespmem:s30+$0x18710]  }
0x31: {  	v2 =	vld [tilespmem:s30+$0x18F10];
	_ =	sdelay $0x6  }
0x32: {  	v1 =	vld.idx.msk [tilespmem:v1+s31+$0x0], $0xffff  }
0x33: {  	v2 =	vld.idx.msk [tilespmem:v2+s31+$0x0], $0xffff;
	_ =	sdelay $0x4  }
0x34: {  	v1 =	vand.u32 v0, v1;
	v2 =	vshll.u32 v2, $0x10  }
0x35: {  	v1 =	vadd.f32 v2, v1;
	_ =	sdelay $0x1  }
0x36: {  	[tilespmem:s20+$0xFFFFFE10] =	vst v1  }
0x37: {  	v1 =	vld [tilespmem:s30+$0x18720]  }
0x38: {  	v2 =	vld [tilespmem:s30+$0x18F20];
	_ =	sdelay $0x6  }
0x39: {  	v1 =	vld.idx.msk [tilespmem:v1+s31+$0x0], $0xffff  }
0x3a: {  	v2 =	vld.idx.msk [tilespmem:v2+s31+$0x0], $0xffff;
	_ =	sdelay $0x4  }
0x3b: {  	v1 =	vand.u32 v0, v1;
	v2 =	vshll.u32 v2, $0x10  }
0x3c: {  	v1 =	vadd.f32 v2, v1;
	_ =	sdelay $0x1  }
0x3d: {  	[tilespmem:s20+$0xFFFFFE20] =	vst v1  }
0x3e: {  	v1 =	vld [tilespmem:s30+$0x18730]  }
0x3f: {  	v2 =	vld [tilespmem:s30+$0x18F30];
	_ =	sdelay $0x6  }
0x40: {  	v1 =	vld.idx.msk [tilespmem:v1+s31+$0x0], $0xffff  }
0x41: {  	v2 =	vld.idx.msk [tilespmem:v2+s31+$0x0], $0xffff;
	_ =	sdelay $0x4  }
0x42: {  	v1 =	vand.u32 v0, v1;
	v2 =	vshll.u32 v2, $0x10  }
0x43: {  	v1 =	vadd.f32 v2, v1;
	_ =	sdelay $0x1  }
0x44: {  	[tilespmem:s20+$0xFFFFFE30] =	vst v1  }
0x45: {  	v1 =	vld [tilespmem:s30+$0x18740]  }
0x46: {  	v2 =	vld [tilespmem:s30+$0x18F40];
	_ =	sdelay $0x6  }
0x47: {  	v1 =	vld.idx.msk [tilespmem:v1+s31+$0x0], $0xffff  }
0x48: {  	v2 =	vld.idx.msk [tilespmem:v2+s31+$0x0], $0xffff;
	_ =	sdelay $0x4  }
0x49: {  	v1 =	vand.u32 v0, v1;
	v2 =	vshll.u32 v2, $0x10  }
0x4a: {  	v1 =	vadd.f32 v2, v1;
	_ =	sdelay $0x1  }
0x4b: {  	[tilespmem:s20+$0xFFFFFE40] =	vst v1  }
0x4c: {  	v1 =	vld [tilespmem:s30+$0x18750]  }
0x4d: {  	v2 =	vld [tilespmem:s30+$0x18F50];
	_ =	sdelay $0x6  }
0x4e: {  	v1 =	vld.idx.msk [tilespmem:v1+s31+$0x0], $0xffff  }
0x4f: {  	v2 =	vld.idx.msk [tilespmem:v2+s31+$0x0], $0xffff;
	_ =	sdelay $0x4  }
0x50: {  	v1 =	vand.u32 v0, v1;
	v2 =	vshll.u32 v2, $0x10  }
0x51: {  	v1 =	vadd.f32 v2, v1;
	_ =	sdelay $0x1  }
0x52: {  	[tilespmem:s20+$0xFFFFFE50] =	vst v1  }
0x53: {  	v1 =	vld [tilespmem:s30+$0x18760]  }
0x54: {  	v2 =	vld [tilespmem:s30+$0x18F60];
	_ =	sdelay $0x6  }
0x55: {  	v1 =	vld.idx.msk [tilespmem:v1+s31+$0x0], $0xffff  }
0x56: {  	v2 =	vld.idx.msk [tilespmem:v2+s31+$0x0], $0xffff;
	_ =	sdelay $0x4  }
0x57: {  	v1 =	vand.u32 v0, v1;
	v2 =	vshll.u32 v2, $0x10  }
0x58: {  	v1 =	vadd.f32 v2, v1;
	_ =	sdelay $0x1  }
0x59: {  	[tilespmem:s20+$0xFFFFFE60] =	vst v1  }
0x5a: {  	v1 =	vld [tilespmem:s30+$0x18770]  }
0x5b: {  	v2 =	vld [tilespmem:s30+$0x18F70];
	_ =	sdelay $0x6  }
0x5c: {  	v1 =	vld.idx.msk [tilespmem:v1+s31+$0x0], $0xffff  }
0x5d: {  	v2 =	vld.idx.msk [tilespmem:v2+s31+$0x0], $0xffff;
	_ =	sdelay $0x4  }
0x5e: {  	v1 =	vand.u32 v0, v1;
	v2 =	vshll.u32 v2, $0x10  }
0x5f: {  	v1 =	vadd.f32 v2, v1;
	_ =	sdelay $0x1  }
0x60: {  	[tilespmem:s20+$0xFFFFFE70] =	vst v1  }
0x61: {  	v1 =	vld [tilespmem:s30+$0x18780]  }
0x62: {  	v2 =	vld [tilespmem:s30+$0x18F80];
	_ =	sdelay $0x6  }
0x63: {  	v1 =	vld.idx.msk [tilespmem:v1+s31+$0x0], $0xffff  }
0x64: {  	v2 =	vld.idx.msk [tilespmem:v2+s31+$0x0], $0xffff;
	_ =	sdelay $0x4  }
0x65: {  	v1 =	vand.u32 v0, v1;
	v2 =	vshll.u32 v2, $0x10  }
0x66: {  	v1 =	vadd.f32 v2, v1;
	_ =	sdelay $0x1  }
0x67: {  	[tilespmem:s20+$0xFFFFFE80] =	vst v1  }
0x68: {  	v1 =	vld [tilespmem:s30+$0x18790]  }
0x69: {  	v2 =	vld [tilespmem:s30+$0x18F90];
	_ =	sdelay $0x6  }
0x6a: {  	v1 =	vld.idx.msk [tilespmem:v1+s31+$0x0], $0xffff  }
0x6b: {  	v2 =	vld.idx.msk [tilespmem:v2+s31+$0x0], $0xffff;
	_ =	sdelay $0x4  }
0x6c: {  	v1 =	vand.u32 v0, v1;
	v2 =	vshll.u32 v2, $0x10  }
0x6d: {  	v1 =	vadd.f32 v2, v1;
	_ =	sdelay $0x1  }
0x6e: {  	[tilespmem:s20+$0xFFFFFE90] =	vst v1  }
0x6f: {  	v1 =	vld [tilespmem:s30+$0x187A0]  }
0x70: {  	v2 =	vld [tilespmem:s30+$0x18FA0];
	_ =	sdelay $0x6  }
0x71: {  	v1 =	vld.idx.msk [tilespmem:v1+s31+$0x0], $0xffff  }
0x72: {  	v2 =	vld.idx.msk [tilespmem:v2+s31+$0x0], $0xffff;
	_ =	sdelay $0x4  }
0x73: {  	v1 =	vand.u32 v0, v1;
	v2 =	vshll.u32 v2, $0x10  }
0x74: {  	v1 =	vadd.f32 v2, v1;
	_ =	sdelay $0x1  }
0x75: {  	[tilespmem:s20+$0xFFFFFEA0] =	vst v1  }
0x76: {  	v1 =	vld [tilespmem:s30+$0x187B0]  }
0x77: {  	v2 =	vld [tilespmem:s30+$0x18FB0];
	_ =	sdelay $0x6  }
0x78: {  	v1 =	vld.idx.msk [tilespmem:v1+s31+$0x0], $0xffff  }
0x79: {  	v2 =	vld.idx.msk [tilespmem:v2+s31+$0x0], $0xffff;
	_ =	sdelay $0x4  }
0x7a: {  	v1 =	vand.u32 v0, v1;
	v2 =	vshll.u32 v2, $0x10  }
0x7b: {  	v1 =	vadd.f32 v2, v1;
	_ =	sdelay $0x1  }
0x7c: {  	[tilespmem:s20+$0xFFFFFEB0] =	vst v1  }
0x7d: {  	v1 =	vld [tilespmem:s30+$0x187C0]  }
0x7e: {  	v2 =	vld [tilespmem:s30+$0x18FC0];
	_ =	sdelay $0x6  }
0x7f: {  	v1 =	vld.idx.msk [tilespmem:v1+s31+$0x0], $0xffff  }
0x80: {  	v2 =	vld.idx.msk [tilespmem:v2+s31+$0x0], $0xffff;
	_ =	sdelay $0x4  }
0x81: {  	v1 =	vand.u32 v0, v1;
	v2 =	vshll.u32 v2, $0x10  }
0x82: {  	v1 =	vadd.f32 v2, v1;
	_ =	sdelay $0x1  }
0x83: {  	[tilespmem:s20+$0xFFFFFEC0] =	vst v1  }
0x84: {  	v1 =	vld [tilespmem:s30+$0x187D0]  }
0x85: {  	v2 =	vld [tilespmem:s30+$0x18FD0];
	_ =	sdelay $0x6  }
0x86: {  	v1 =	vld.idx.msk [tilespmem:v1+s31+$0x0], $0xffff  }
0x87: {  	v2 =	vld.idx.msk [tilespmem:v2+s31+$0x0], $0xffff;
	_ =	sdelay $0x4  }
0x88: {  	v1 =	vand.u32 v0, v1;
	v2 =	vshll.u32 v2, $0x10  }
0x89: {  	v1 =	vadd.f32 v2, v1;
	_ =	sdelay $0x1  }
0x8a: {  	[tilespmem:s20+$0xFFFFFED0] =	vst v1  }
0x8b: {  	v1 =	vld [tilespmem:s30+$0x187E0]  }
0x8c: {  	v2 =	vld [tilespmem:s30+$0x18FE0];
	_ =	sdelay $0x6  }
0x8d: {  	v1 =	vld.idx.msk [tilespmem:v1+s31+$0x0], $0xffff  }
0x8e: {  	v2 =	vld.idx.msk [tilespmem:v2+s31+$0x0], $0xffff;
	_ =	sdelay $0x4  }
0x8f: {  	v1 =	vand.u32 v0, v1;
	v2 =	vshll.u32 v2, $0x10  }
0x90: {  	v1 =	vadd.f32 v2, v1;
	_ =	sdelay $0x1  }
0x91: {  	[tilespmem:s20+$0xFFFFFEE0] =	vst v1  }
0x92: {  	v1 =	vld [tilespmem:s30+$0x187F0]  }
0x93: {  	v2 =	vld [tilespmem:s30+$0x18FF0];
	_ =	sdelay $0x6  }
0x94: {  	v1 =	vld.idx.msk [tilespmem:v1+s31+$0x0], $0xffff  }
0x95: {  	v2 =	vld.idx.msk [tilespmem:v2+s31+$0x0], $0xffff;
	_ =	sdelay $0x4  }
0x96: {  	v1 =	vand.u32 v0, v1;
	v2 =	vshll.u32 v2, $0x10  }
0x97: {  	v1 =	vadd.f32 v2, v1;
	_ =	sdelay $0x1  }
0x98: {  	[tilespmem:s20+$0xFFFFFEF0] =	vst v1  }
0x99: {  	v1 =	vld [tilespmem:s30+$0x18800]  }
0x9a: {  	v2 =	vld [tilespmem:s30+$0x19000];
	_ =	sdelay $0x6  }
0x9b: {  	v1 =	vld.idx.msk [tilespmem:v1+s31+$0x0], $0xffff  }
0x9c: {  	v2 =	vld.idx.msk [tilespmem:v2+s31+$0x0], $0xffff;
	_ =	sdelay $0x4  }
0x9d: {  	v1 =	vand.u32 v0, v1;
	v2 =	vshll.u32 v2, $0x10  }
0x9e: {  	v1 =	vadd.f32 v2, v1;
	_ =	sdelay $0x1  }
0x9f: {  	[tilespmem:s20+$0xFFFFFF00] =	vst v1  }
0xa0: {  	v1 =	vld [tilespmem:s30+$0x18810]  }
0xa1: {  	v2 =	vld [tilespmem:s30+$0x19010];
	_ =	sdelay $0x6  }
0xa2: {  	v1 =	vld.idx.msk [tilespmem:v1+s31+$0x0], $0xffff  }
0xa3: {  	v2 =	vld.idx.msk [tilespmem:v2+s31+$0x0], $0xffff;
	_ =	sdelay $0x4  }
0xa4: {  	v1 =	vand.u32 v0, v1;
	v2 =	vshll.u32 v2, $0x10  }
0xa5: {  	v1 =	vadd.f32 v2, v1;
	_ =	sdelay $0x1  }
0xa6: {  	[tilespmem:s20+$0xFFFFFF10] =	vst v1  }
0xa7: {  	v1 =	vld [tilespmem:s30+$0x18820]  }
0xa8: {  	v2 =	vld [tilespmem:s30+$0x19020];
	_ =	sdelay $0x6  }
0xa9: {  	v1 =	vld.idx.msk [tilespmem:v1+s31+$0x0], $0xffff  }
0xaa: {  	v2 =	vld.idx.msk [tilespmem:v2+s31+$0x0], $0xffff;
	_ =	sdelay $0x4  }
0xab: {  	v1 =	vand.u32 v0, v1;
	v2 =	vshll.u32 v2, $0x10  }
0xac: {  	v1 =	vadd.f32 v2, v1;
	_ =	sdelay $0x1  }
0xad: {  	[tilespmem:s20+$0xFFFFFF20] =	vst v1  }
0xae: {  	v1 =	vld [tilespmem:s30+$0x18830]  }
0xaf: {  	v2 =	vld [tilespmem:s30+$0x19030];
	_ =	sdelay $0x6  }
0xb0: {  	v1 =	vld.idx.msk [tilespmem:v1+s31+$0x0], $0xffff  }
0xb1: {  	v2 =	vld.idx.msk [tilespmem:v2+s31+$0x0], $0xffff;
	_ =	sdelay $0x4  }
0xb2: {  	v1 =	vand.u32 v0, v1;
	v2 =	vshll.u32 v2, $0x10  }
0xb3: {  	v1 =	vadd.f32 v2, v1;
	_ =	sdelay $0x1  }
0xb4: {  	[tilespmem:s20+$0xFFFFFF30] =	vst v1  }
0xb5: {  	v1 =	vld [tilespmem:s30+$0x18840]  }
0xb6: {  	v2 =	vld [tilespmem:s30+$0x19040];
	_ =	sdelay $0x6  }
0xb7: {  	v1 =	vld.idx.msk [tilespmem:v1+s31+$0x0], $0xffff  }
0xb8: {  	v2 =	vld.idx.msk [tilespmem:v2+s31+$0x0], $0xffff;
	_ =	sdelay $0x4  }
0xb9: {  	v1 =	vand.u32 v0, v1;
	v2 =	vshll.u32 v2, $0x10  }
0xba: {  	v1 =	vadd.f32 v2, v1;
	_ =	sdelay $0x1  }
0xbb: {  	[tilespmem:s20+$0xFFFFFF40] =	vst v1  }
0xbc: {  	v1 =	vld [tilespmem:s30+$0x18850]  }
0xbd: {  	v2 =	vld [tilespmem:s30+$0x19050];
	_ =	sdelay $0x6  }
0xbe: {  	v1 =	vld.idx.msk [tilespmem:v1+s31+$0x0], $0xffff  }
0xbf: {  	v2 =	vld.idx.msk [tilespmem:v2+s31+$0x0], $0xffff;
	_ =	sdelay $0x4  }
0xc0: {  	v1 =	vand.u32 v0, v1;
	v2 =	vshll.u32 v2, $0x10  }
0xc1: {  	v1 =	vadd.f32 v2, v1;
	_ =	sdelay $0x1  }
0xc2: {  	[tilespmem:s20+$0xFFFFFF50] =	vst v1  }
0xc3: {  	v1 =	vld [tilespmem:s30+$0x18860]  }
0xc4: {  	v2 =	vld [tilespmem:s30+$0x19060];
	_ =	sdelay $0x6  }
0xc5: {  	v1 =	vld.idx.msk [tilespmem:v1+s31+$0x0], $0xffff  }
0xc6: {  	v2 =	vld.idx.msk [tilespmem:v2+s31+$0x0], $0xffff;
	_ =	sdelay $0x4  }
0xc7: {  	v1 =	vand.u32 v0, v1;
	v2 =	vshll.u32 v2, $0x10  }
0xc8: {  	v1 =	vadd.f32 v2, v1;
	_ =	sdelay $0x1  }
0xc9: {  	[tilespmem:s20+$0xFFFFFF60] =	vst v1  }
0xca: {  	v1 =	vld [tilespmem:s30+$0x18870]  }
0xcb: {  	v2 =	vld [tilespmem:s30+$0x19070];
	_ =	sdelay $0x6  }
0xcc: {  	v1 =	vld.idx.msk [tilespmem:v1+s31+$0x0], $0xffff  }
0xcd: {  	v2 =	vld.idx.msk [tilespmem:v2+s31+$0x0], $0xffff;
	_ =	sdelay $0x4  }
0xce: {  	v1 =	vand.u32 v0, v1;
	v2 =	vshll.u32 v2, $0x10  }
0xcf: {  	v1 =	vadd.f32 v2, v1;
	_ =	sdelay $0x1  }
0xd0: {  	[tilespmem:s20+$0xFFFFFF70] =	vst v1  }
0xd1: {  	v1 =	vld [tilespmem:s30+$0x18880]  }
0xd2: {  	v2 =	vld [tilespmem:s30+$0x19080];
	_ =	sdelay $0x6  }
0xd3: {  	v1 =	vld.idx.msk [tilespmem:v1+s31+$0x0], $0xffff  }
0xd4: {  	v2 =	vld.idx.msk [tilespmem:v2+s31+$0x0], $0xffff;
	_ =	sdelay $0x4  }
0xd5: {  	v1 =	vand.u32 v0, v1;
	v2 =	vshll.u32 v2, $0x10  }
0xd6: {  	v1 =	vadd.f32 v2, v1;
	_ =	sdelay $0x1  }
0xd7: {  	[tilespmem:s20+$0xFFFFFF80] =	vst v1  }
0xd8: {  	v1 =	vld [tilespmem:s30+$0x18890]  }
0xd9: {  	v2 =	vld [tilespmem:s30+$0x19090];
	_ =	sdelay $0x6  }
0xda: {  	v1 =	vld.idx.msk [tilespmem:v1+s31+$0x0], $0xffff  }
0xdb: {  	v2 =	vld.idx.msk [tilespmem:v2+s31+$0x0], $0xffff;
	_ =	sdelay $0x4  }
0xdc: {  	v1 =	vand.u32 v0, v1;
	v2 =	vshll.u32 v2, $0x10  }
0xdd: {  	v1 =	vadd.f32 v2, v1;
	_ =	sdelay $0x1  }
0xde: {  	[tilespmem:s20+$0xFFFFFF90] =	vst v1  }
0xdf: {  	v1 =	vld [tilespmem:s30+$0x188A0]  }
0xe0: {  	v2 =	vld [tilespmem:s30+$0x190A0];
	_ =	sdelay $0x6  }
0xe1: {  	v1 =	vld.idx.msk [tilespmem:v1+s31+$0x0], $0xffff  }
0xe2: {  	v2 =	vld.idx.msk [tilespmem:v2+s31+$0x0], $0xffff;
	_ =	sdelay $0x4  }
0xe3: {  	v1 =	vand.u32 v0, v1;
	v2 =	vshll.u32 v2, $0x10  }
0xe4: {  	v1 =	vadd.f32 v2, v1;
	_ =	sdelay $0x1  }
0xe5: {  	[tilespmem:s20+$0xFFFFFFA0] =	vst v1  }
0xe6: {  	v1 =	vld [tilespmem:s30+$0x188B0]  }
0xe7: {  	v2 =	vld [tilespmem:s30+$0x190B0];
	_ =	sdelay $0x6  }
0xe8: {  	v1 =	vld.idx.msk [tilespmem:v1+s31+$0x0], $0xffff  }
0xe9: {  	v2 =	vld.idx.msk [tilespmem:v2+s31+$0x0], $0xffff;
	_ =	sdelay $0x4  }
0xea: {  	v1 =	vand.u32 v0, v1;
	v2 =	vshll.u32 v2, $0x10  }
0xeb: {  	v1 =	vadd.f32 v2, v1;
	_ =	sdelay $0x1  }
0xec: {  	[tilespmem:s20+$0xFFFFFFB0] =	vst v1  }
0xed: {  	v1 =	vld [tilespmem:s30+$0x188C0]  }
0xee: {  	v2 =	vld [tilespmem:s30+$0x190C0];
	_ =	sdelay $0x6  }
0xef: {  	v1 =	vld.idx.msk [tilespmem:v1+s31+$0x0], $0xffff  }
0xf0: {  	v2 =	vld.idx.msk [tilespmem:v2+s31+$0x0], $0xffff;
	_ =	sdelay $0x4  }
0xf1: {  	v1 =	vand.u32 v0, v1;
	v2 =	vshll.u32 v2, $0x10  }
0xf2: {  	v1 =	vadd.f32 v2, v1;
	_ =	sdelay $0x1  }
0xf3: {  	[tilespmem:s20+$0xFFFFFFC0] =	vst v1  }
0xf4: {  	v1 =	vld [tilespmem:s30+$0x188D0]  }
0xf5: {  	v2 =	vld [tilespmem:s30+$0x190D0];
	_ =	sdelay $0x6  }
0xf6: {  	v1 =	vld.idx.msk [tilespmem:v1+s31+$0x0], $0xffff  }
0xf7: {  	v2 =	vld.idx.msk [tilespmem:v2+s31+$0x0], $0xffff;
	_ =	sdelay $0x4  }
0xf8: {  	v1 =	vand.u32 v0, v1;
	v2 =	vshll.u32 v2, $0x10  }
0xf9: {  	v1 =	vadd.f32 v2, v1;
	_ =	sdelay $0x1  }
0xfa: {  	[tilespmem:s20+$0xFFFFFFD0] =	vst v1  }
0xfb: {  	v1 =	vld [tilespmem:s30+$0x188E0]  }
0xfc: {  	v2 =	vld [tilespmem:s30+$0x190E0];
	_ =	sdelay $0x6  }
0xfd: {  	v1 =	vld.idx.msk [tilespmem:v1+s31+$0x0], $0xffff  }
0xfe: {  	v2 =	vld.idx.msk [tilespmem:v2+s31+$0x0], $0xffff;
	_ =	sdelay $0x4  }
0xff: {  	v1 =	vand.u32 v0, v1;
	v2 =	vshll.u32 v2, $0x10  }
0x100: {  	v1 =	vadd.f32 v2, v1;
	_ =	sdelay $0x1  }
0x101: {  	[tilespmem:s20+$0xFFFFFFE0] =	vst v1  }
0x102: {  	v1 =	vld [tilespmem:s30+$0x188F0]  }
0x103: {  	v2 =	vld [tilespmem:s30+$0x190F0];
	_ =	sdelay $0x6  }
0x104: {  	v1 =	vld.idx.msk [tilespmem:v1+s31+$0x0], $0xffff  }
0x105: {  	v2 =	vld.idx.msk [tilespmem:v2+s31+$0x0], $0xffff;
	_ =	sdelay $0x4  }
0x106: {  	v1 =	vand.u32 v0, v1;
	v2 =	vshll.u32 v2, $0x10  }
0x107: {  	v1 =	vadd.f32 v2, v1;
	_ =	sdelay $0x1  }
0x108: {  	[tilespmem:s20+$0xFFFFFFF0] =	vst v1  }
0x109: {  	v1 =	vld [tilespmem:s30+$0x18900]  }
0x10a: {  	v2 =	vld [tilespmem:s30+$0x19100];
	_ =	sdelay $0x6  }
0x10b: {  	v1 =	vld.idx.msk [tilespmem:v1+s31+$0x0], $0xffff  }
0x10c: {  	v2 =	vld.idx.msk [tilespmem:v2+s31+$0x0], $0xffff;
	_ =	sdelay $0x4  }
0x10d: {  	v1 =	vand.u32 v0, v1;
	v2 =	vshll.u32 v2, $0x10  }
0x10e: {  	v1 =	vadd.f32 v2, v1;
	_ =	sdelay $0x1  }
0x10f: {  	[tilespmem:s20+$0x0] =	vst v1  }
0x110: {  	v1 =	vld [tilespmem:s30+$0x18910]  }
0x111: {  	v2 =	vld [tilespmem:s30+$0x19110];
	_ =	sdelay $0x6  }
0x112: {  	v1 =	vld.idx.msk [tilespmem:v1+s31+$0x0], $0xffff  }
0x113: {  	v2 =	vld.idx.msk [tilespmem:v2+s31+$0x0], $0xffff;
	_ =	sdelay $0x4  }
0x114: {  	v1 =	vand.u32 v0, v1;
	v2 =	vshll.u32 v2, $0x10  }
0x115: {  	v1 =	vadd.f32 v2, v1;
	_ =	sdelay $0x1  }
0x116: {  	[tilespmem:s20+$0x10] =	vst v1  }
0x117: {  	v1 =	vld [tilespmem:s30+$0x18920]  }
0x118: {  	v2 =	vld [tilespmem:s30+$0x19120];
	_ =	sdelay $0x6  }
0x119: {  	v1 =	vld.idx.msk [tilespmem:v1+s31+$0x0], $0xffff  }
0x11a: {  	v2 =	vld.idx.msk [tilespmem:v2+s31+$0x0], $0xffff;
	_ =	sdelay $0x4  }
0x11b: {  	v1 =	vand.u32 v0, v1;
	v2 =	vshll.u32 v2, $0x10  }
0x11c: {  	v1 =	vadd.f32 v2, v1;
	_ =	sdelay $0x1  }
0x11d: {  	[tilespmem:s20+$0x20] =	vst v1  }
0x11e: {  	v1 =	vld [tilespmem:s30+$0x18930]  }
0x11f: {  	v2 =	vld [tilespmem:s30+$0x19130];
	_ =	sdelay $0x6  }
0x120: {  	v1 =	vld.idx.msk [tilespmem:v1+s31+$0x0], $0xffff  }
0x121: {  	v2 =	vld.idx.msk [tilespmem:v2+s31+$0x0], $0xffff;
	_ =	sdelay $0x4  }
0x122: {  	v1 =	vand.u32 v0, v1;
	v2 =	vshll.u32 v2, $0x10  }
0x123: {  	v1 =	vadd.f32 v2, v1;
	_ =	sdelay $0x1  }
0x124: {  	[tilespmem:s20+$0x30] =	vst v1  }
0x125: {  	v1 =	vld [tilespmem:s30+$0x18940]  }
0x126: {  	v2 =	vld [tilespmem:s30+$0x19140];
	_ =	sdelay $0x6  }
0x127: {  	v1 =	vld.idx.msk [tilespmem:v1+s31+$0x0], $0xffff  }
0x128: {  	v2 =	vld.idx.msk [tilespmem:v2+s31+$0x0], $0xffff;
	_ =	sdelay $0x4  }
0x129: {  	v1 =	vand.u32 v0, v1;
	v2 =	vshll.u32 v2, $0x10  }
0x12a: {  	v1 =	vadd.f32 v2, v1;
	_ =	sdelay $0x1  }
0x12b: {  	[tilespmem:s20+$0x40] =	vst v1  }
0x12c: {  	v1 =	vld [tilespmem:s30+$0x18950]  }
0x12d: {  	v2 =	vld [tilespmem:s30+$0x19150];
	_ =	sdelay $0x6  }
0x12e: {  	v1 =	vld.idx.msk [tilespmem:v1+s31+$0x0], $0xffff  }
0x12f: {  	v2 =	vld.idx.msk [tilespmem:v2+s31+$0x0], $0xffff;
	_ =	sdelay $0x4  }
0x130: {  	v1 =	vand.u32 v0, v1;
	v2 =	vshll.u32 v2, $0x10  }
0x131: {  	v1 =	vadd.f32 v2, v1;
	_ =	sdelay $0x1  }
0x132: {  	[tilespmem:s20+$0x50] =	vst v1  }
0x133: {  	v1 =	vld [tilespmem:s30+$0x18960]  }
0x134: {  	v2 =	vld [tilespmem:s30+$0x19160];
	_ =	sdelay $0x6  }
0x135: {  	v1 =	vld.idx.msk [tilespmem:v1+s31+$0x0], $0xffff  }
0x136: {  	v2 =	vld.idx.msk [tilespmem:v2+s31+$0x0], $0xffff;
	_ =	sdelay $0x4  }
0x137: {  	v1 =	vand.u32 v0, v1;
	v2 =	vshll.u32 v2, $0x10  }
0x138: {  	v1 =	vadd.f32 v2, v1;
	_ =	sdelay $0x1  }
0x139: {  	[tilespmem:s20+$0x60] =	vst v1  }
0x13a: {  	v1 =	vld [tilespmem:s30+$0x18970]  }
0x13b: {  	v2 =	vld [tilespmem:s30+$0x19170];
	_ =	sdelay $0x6  }
0x13c: {  	v1 =	vld.idx.msk [tilespmem:v1+s31+$0x0], $0xffff  }
0x13d: {  	v2 =	vld.idx.msk [tilespmem:v2+s31+$0x0], $0xffff;
	_ =	sdelay $0x4  }
0x13e: {  	v1 =	vand.u32 v0, v1;
	v2 =	vshll.u32 v2, $0x10  }
0x13f: {  	v1 =	vadd.f32 v2, v1;
	_ =	sdelay $0x1  }
0x140: {  	[tilespmem:s20+$0x70] =	vst v1  }
0x141: {  	v1 =	vld [tilespmem:s30+$0x18980]  }
0x142: {  	v2 =	vld [tilespmem:s30+$0x19180];
	_ =	sdelay $0x6  }
0x143: {  	v1 =	vld.idx.msk [tilespmem:v1+s31+$0x0], $0xffff  }
0x144: {  	v2 =	vld.idx.msk [tilespmem:v2+s31+$0x0], $0xffff;
	_ =	sdelay $0x4  }
0x145: {  	v1 =	vand.u32 v0, v1;
	v2 =	vshll.u32 v2, $0x10  }
0x146: {  	v1 =	vadd.f32 v2, v1;
	_ =	sdelay $0x1  }
0x147: {  	[tilespmem:s20+$0x80] =	vst v1  }
0x148: {  	v1 =	vld [tilespmem:s30+$0x18990]  }
0x149: {  	v2 =	vld [tilespmem:s30+$0x19190];
	_ =	sdelay $0x6  }
0x14a: {  	v1 =	vld.idx.msk [tilespmem:v1+s31+$0x0], $0xffff  }
0x14b: {  	v2 =	vld.idx.msk [tilespmem:v2+s31+$0x0], $0xffff;
	_ =	sdelay $0x4  }
0x14c: {  	v1 =	vand.u32 v0, v1;
	v2 =	vshll.u32 v2, $0x10  }
0x14d: {  	v1 =	vadd.f32 v2, v1;
	_ =	sdelay $0x1  }
0x14e: {  	[tilespmem:s20+$0x90] =	vst v1  }
0x14f: {  	v1 =	vld [tilespmem:s30+$0x189A0]  }
0x150: {  	v2 =	vld [tilespmem:s30+$0x191A0];
	_ =	sdelay $0x6  }
0x151: {  	v1 =	vld.idx.msk [tilespmem:v1+s31+$0x0], $0xffff  }
0x152: {  	v2 =	vld.idx.msk [tilespmem:v2+s31+$0x0], $0xffff;
	_ =	sdelay $0x4  }
0x153: {  	v1 =	vand.u32 v0, v1;
	v2 =	vshll.u32 v2, $0x10  }
0x154: {  	v1 =	vadd.f32 v2, v1;
	_ =	sdelay $0x1  }
0x155: {  	[tilespmem:s20+$0xA0] =	vst v1  }
0x156: {  	v1 =	vld [tilespmem:s30+$0x189B0]  }
0x157: {  	v2 =	vld [tilespmem:s30+$0x191B0];
	_ =	sdelay $0x6  }
0x158: {  	v1 =	vld.idx.msk [tilespmem:v1+s31+$0x0], $0xffff  }
0x159: {  	v2 =	vld.idx.msk [tilespmem:v2+s31+$0x0], $0xffff;
	_ =	sdelay $0x4  }
0x15a: {  	v1 =	vand.u32 v0, v1;
	v2 =	vshll.u32 v2, $0x10  }
0x15b: {  	v1 =	vadd.f32 v2, v1;
	_ =	sdelay $0x1  }
0x15c: {  	[tilespmem:s20+$0xB0] =	vst v1  }
0x15d: {  	v1 =	vld [tilespmem:s30+$0x189C0]  }
0x15e: {  	v2 =	vld [tilespmem:s30+$0x191C0];
	_ =	sdelay $0x6  }
0x15f: {  	v1 =	vld.idx.msk [tilespmem:v1+s31+$0x0], $0xffff  }
0x160: {  	v2 =	vld.idx.msk [tilespmem:v2+s31+$0x0], $0xffff;
	_ =	sdelay $0x4  }
0x161: {  	v1 =	vand.u32 v0, v1;
	v2 =	vshll.u32 v2, $0x10  }
0x162: {  	v1 =	vadd.f32 v2, v1;
	_ =	sdelay $0x1  }
0x163: {  	[tilespmem:s20+$0xC0] =	vst v1  }
0x164: {  	v1 =	vld [tilespmem:s30+$0x189D0]  }
0x165: {  	v2 =	vld [tilespmem:s30+$0x191D0];
	_ =	sdelay $0x6  }
0x166: {  	v1 =	vld.idx.msk [tilespmem:v1+s31+$0x0], $0xffff  }
0x167: {  	v2 =	vld.idx.msk [tilespmem:v2+s31+$0x0], $0xffff;
	_ =	sdelay $0x4  }
0x168: {  	v1 =	vand.u32 v0, v1;
	v2 =	vshll.u32 v2, $0x10  }
0x169: {  	v1 =	vadd.f32 v2, v1;
	_ =	sdelay $0x1  }
0x16a: {  	[tilespmem:s20+$0xD0] =	vst v1  }
0x16b: {  	v1 =	vld [tilespmem:s30+$0x189E0]  }
0x16c: {  	v2 =	vld [tilespmem:s30+$0x191E0];
	_ =	sdelay $0x6  }
0x16d: {  	v1 =	vld.idx.msk [tilespmem:v1+s31+$0x0], $0xffff  }
0x16e: {  	v2 =	vld.idx.msk [tilespmem:v2+s31+$0x0], $0xffff;
	_ =	sdelay $0x4  }
0x16f: {  	v1 =	vand.u32 v0, v1;
	v2 =	vshll.u32 v2, $0x10  }
0x170: {  	v1 =	vadd.f32 v2, v1;
	_ =	sdelay $0x1  }
0x171: {  	[tilespmem:s20+$0xE0] =	vst v1  }
0x172: {  	v1 =	vld [tilespmem:s30+$0x189F0]  }
0x173: {  	v2 =	vld [tilespmem:s30+$0x191F0];
	_ =	sdelay $0x6  }
0x174: {  	v1 =	vld.idx.msk [tilespmem:v1+s31+$0x0], $0xffff  }
0x175: {  	v2 =	vld.idx.msk [tilespmem:v2+s31+$0x0], $0xffff;
	_ =	sdelay $0x4  }
0x176: {  	v1 =	vand.u32 v0, v1;
	v2 =	vshll.u32 v2, $0x10  }
0x177: {  	v1 =	vadd.f32 v2, v1;
	_ =	sdelay $0x1  }
0x178: {  	[tilespmem:s20+$0xF0] =	vst v1  }
0x179: {  	v1 =	vld [tilespmem:s30+$0x18A00]  }
0x17a: {  	v2 =	vld [tilespmem:s30+$0x19200];
	_ =	sdelay $0x6  }
0x17b: {  	v1 =	vld.idx.msk [tilespmem:v1+s31+$0x0], $0xffff  }
0x17c: {  	v2 =	vld.idx.msk [tilespmem:v2+s31+$0x0], $0xffff;
	_ =	sdelay $0x4  }
0x17d: {  	v1 =	vand.u32 v0, v1;
	v2 =	vshll.u32 v2, $0x10  }
0x17e: {  	v1 =	vadd.f32 v2, v1;
	_ =	sdelay $0x1  }
0x17f: {  	[tilespmem:s20+$0x100] =	vst v1  }
0x180: {  	v1 =	vld [tilespmem:s30+$0x18A10]  }
0x181: {  	v2 =	vld [tilespmem:s30+$0x19210];
	_ =	sdelay $0x6  }
0x182: {  	v1 =	vld.idx.msk [tilespmem:v1+s31+$0x0], $0xffff  }
0x183: {  	v2 =	vld.idx.msk [tilespmem:v2+s31+$0x0], $0xffff;
	_ =	sdelay $0x4  }
0x184: {  	v1 =	vand.u32 v0, v1;
	v2 =	vshll.u32 v2, $0x10  }
0x185: {  	v1 =	vadd.f32 v2, v1;
	_ =	sdelay $0x1  }
0x186: {  	[tilespmem:s20+$0x110] =	vst v1  }
0x187: {  	v1 =	vld [tilespmem:s30+$0x18A20]  }
0x188: {  	v2 =	vld [tilespmem:s30+$0x19220];
	_ =	sdelay $0x6  }
0x189: {  	v1 =	vld.idx.msk [tilespmem:v1+s31+$0x0], $0xffff  }
0x18a: {  	v2 =	vld.idx.msk [tilespmem:v2+s31+$0x0], $0xffff;
	_ =	sdelay $0x4  }
0x18b: {  	v1 =	vand.u32 v0, v1;
	v2 =	vshll.u32 v2, $0x10  }
0x18c: {  	v1 =	vadd.f32 v2, v1;
	_ =	sdelay $0x1  }
0x18d: {  	[tilespmem:s20+$0x120] =	vst v1  }
0x18e: {  	v1 =	vld [tilespmem:s30+$0x18A30]  }
0x18f: {  	v2 =	vld [tilespmem:s30+$0x19230];
	_ =	sdelay $0x6  }
0x190: {  	v1 =	vld.idx.msk [tilespmem:v1+s31+$0x0], $0xffff  }
0x191: {  	v2 =	vld.idx.msk [tilespmem:v2+s31+$0x0], $0xffff;
	_ =	sdelay $0x4  }
0x192: {  	v1 =	vand.u32 v0, v1;
	v2 =	vshll.u32 v2, $0x10  }
0x193: {  	v1 =	vadd.f32 v2, v1;
	_ =	sdelay $0x1  }
0x194: {  	[tilespmem:s20+$0x130] =	vst v1  }
0x195: {  	v1 =	vld [tilespmem:s30+$0x18A40]  }
0x196: {  	v2 =	vld [tilespmem:s30+$0x19240];
	_ =	sdelay $0x6  }
0x197: {  	v1 =	vld.idx.msk [tilespmem:v1+s31+$0x0], $0xffff  }
0x198: {  	v2 =	vld.idx.msk [tilespmem:v2+s31+$0x0], $0xffff;
	_ =	sdelay $0x4  }
0x199: {  	v1 =	vand.u32 v0, v1;
	v2 =	vshll.u32 v2, $0x10  }
0x19a: {  	v1 =	vadd.f32 v2, v1;
	_ =	sdelay $0x1  }
0x19b: {  	[tilespmem:s20+$0x140] =	vst v1  }
0x19c: {  	v1 =	vld [tilespmem:s30+$0x18A50]  }
0x19d: {  	v2 =	vld [tilespmem:s30+$0x19250];
	_ =	sdelay $0x6  }
0x19e: {  	v1 =	vld.idx.msk [tilespmem:v1+s31+$0x0], $0xffff  }
0x19f: {  	v2 =	vld.idx.msk [tilespmem:v2+s31+$0x0], $0xffff;
	_ =	sdelay $0x4  }
0x1a0: {  	v1 =	vand.u32 v0, v1;
	v2 =	vshll.u32 v2, $0x10  }
0x1a1: {  	v1 =	vadd.f32 v2, v1;
	_ =	sdelay $0x1  }
0x1a2: {  	[tilespmem:s20+$0x150] =	vst v1  }
0x1a3: {  	v1 =	vld [tilespmem:s30+$0x18A60]  }
0x1a4: {  	v2 =	vld [tilespmem:s30+$0x19260];
	_ =	sdelay $0x6  }
0x1a5: {  	v1 =	vld.idx.msk [tilespmem:v1+s31+$0x0], $0xffff  }
0x1a6: {  	v2 =	vld.idx.msk [tilespmem:v2+s31+$0x0], $0xffff;
	_ =	sdelay $0x4  }
0x1a7: {  	v1 =	vand.u32 v0, v1;
	v2 =	vshll.u32 v2, $0x10  }
0x1a8: {  	v1 =	vadd.f32 v2, v1;
	_ =	sdelay $0x1  }
0x1a9: {  	[tilespmem:s20+$0x160] =	vst v1  }
0x1aa: {  	v1 =	vld [tilespmem:s30+$0x18A70]  }
0x1ab: {  	v2 =	vld [tilespmem:s30+$0x19270];
	_ =	sdelay $0x6  }
0x1ac: {  	v1 =	vld.idx.msk [tilespmem:v1+s31+$0x0], $0xffff  }
0x1ad: {  	v2 =	vld.idx.msk [tilespmem:v2+s31+$0x0], $0xffff;
	_ =	sdelay $0x4  }
0x1ae: {  	v1 =	vand.u32 v0, v1;
	v2 =	vshll.u32 v2, $0x10  }
0x1af: {  	v1 =	vadd.f32 v2, v1;
	_ =	sdelay $0x1  }
0x1b0: {  	[tilespmem:s20+$0x170] =	vst v1  }
0x1b1: {  	v1 =	vld [tilespmem:s30+$0x18A80]  }
0x1b2: {  	v2 =	vld [tilespmem:s30+$0x19280];
	_ =	sdelay $0x6  }
0x1b3: {  	v1 =	vld.idx.msk [tilespmem:v1+s31+$0x0], $0xffff  }
0x1b4: {  	v2 =	vld.idx.msk [tilespmem:v2+s31+$0x0], $0xffff;
	_ =	sdelay $0x4  }
0x1b5: {  	v1 =	vand.u32 v0, v1;
	v2 =	vshll.u32 v2, $0x10  }
0x1b6: {  	v1 =	vadd.f32 v2, v1;
	_ =	sdelay $0x1  }
0x1b7: {  	[tilespmem:s20+$0x180] =	vst v1  }
0x1b8: {  	v1 =	vld [tilespmem:s30+$0x18A90]  }
0x1b9: {  	v2 =	vld [tilespmem:s30+$0x19290];
	_ =	sdelay $0x6  }
0x1ba: {  	v1 =	vld.idx.msk [tilespmem:v1+s31+$0x0], $0xffff  }
0x1bb: {  	v2 =	vld.idx.msk [tilespmem:v2+s31+$0x0], $0xffff;
	_ =	sdelay $0x4  }
0x1bc: {  	v1 =	vand.u32 v0, v1;
	v2 =	vshll.u32 v2, $0x10  }
0x1bd: {  	v1 =	vadd.f32 v2, v1;
	_ =	sdelay $0x1  }
0x1be: {  	[tilespmem:s20+$0x190] =	vst v1  }
0x1bf: {  	v1 =	vld [tilespmem:s30+$0x18AA0]  }
0x1c0: {  	v2 =	vld [tilespmem:s30+$0x192A0];
	_ =	sdelay $0x6  }
0x1c1: {  	v1 =	vld.idx.msk [tilespmem:v1+s31+$0x0], $0xffff  }
0x1c2: {  	v2 =	vld.idx.msk [tilespmem:v2+s31+$0x0], $0xffff;
	_ =	sdelay $0x4  }
0x1c3: {  	v1 =	vand.u32 v0, v1;
	v2 =	vshll.u32 v2, $0x10  }
0x1c4: {  	v1 =	vadd.f32 v2, v1;
	_ =	sdelay $0x1  }
0x1c5: {  	[tilespmem:s20+$0x1A0] =	vst v1  }
0x1c6: {  	v1 =	vld [tilespmem:s30+$0x18AB0]  }
0x1c7: {  	v2 =	vld [tilespmem:s30+$0x192B0];
	_ =	sdelay $0x6  }
0x1c8: {  	v1 =	vld.idx.msk [tilespmem:v1+s31+$0x0], $0xffff  }
0x1c9: {  	v2 =	vld.idx.msk [tilespmem:v2+s31+$0x0], $0xffff;
	_ =	sdelay $0x4  }
0x1ca: {  	v1 =	vand.u32 v0, v1;
	v2 =	vshll.u32 v2, $0x10  }
0x1cb: {  	v1 =	vadd.f32 v2, v1;
	_ =	sdelay $0x1  }
0x1cc: {  	[tilespmem:s20+$0x1B0] =	vst v1  }
0x1cd: {  	v1 =	vld [tilespmem:s30+$0x18AC0]  }
0x1ce: {  	v2 =	vld [tilespmem:s30+$0x192C0];
	_ =	sdelay $0x6  }
0x1cf: {  	v1 =	vld.idx.msk [tilespmem:v1+s31+$0x0], $0xffff  }
0x1d0: {  	v2 =	vld.idx.msk [tilespmem:v2+s31+$0x0], $0xffff;
	_ =	sdelay $0x4  }
0x1d1: {  	v1 =	vand.u32 v0, v1;
	v2 =	vshll.u32 v2, $0x10  }
0x1d2: {  	v1 =	vadd.f32 v2, v1;
	_ =	sdelay $0x1  }
0x1d3: {  	[tilespmem:s20+$0x1C0] =	vst v1  }
0x1d4: {  	v1 =	vld [tilespmem:s30+$0x18AD0]  }
0x1d5: {  	v2 =	vld [tilespmem:s30+$0x192D0];
	_ =	sdelay $0x6  }
0x1d6: {  	v1 =	vld.idx.msk [tilespmem:v1+s31+$0x0], $0xffff  }
0x1d7: {  	v2 =	vld.idx.msk [tilespmem:v2+s31+$0x0], $0xffff;
	_ =	sdelay $0x4  }
0x1d8: {  	v1 =	vand.u32 v0, v1;
	v2 =	vshll.u32 v2, $0x10  }
0x1d9: {  	v1 =	vadd.f32 v2, v1;
	_ =	sdelay $0x1  }
0x1da: {  	[tilespmem:s20+$0x1D0] =	vst v1  }
0x1db: {  	v1 =	vld [tilespmem:s30+$0x18AE0]  }
0x1dc: {  	v2 =	vld [tilespmem:s30+$0x192E0];
	_ =	sdelay $0x6  }
0x1dd: {  	v1 =	vld.idx.msk [tilespmem:v1+s31+$0x0], $0xffff  }
0x1de: {  	v2 =	vld.idx.msk [tilespmem:v2+s31+$0x0], $0xffff;
	_ =	sdelay $0x4  }
0x1df: {  	v1 =	vand.u32 v0, v1;
	v2 =	vshll.u32 v2, $0x10  }
0x1e0: {  	v1 =	vadd.f32 v2, v1;
	_ =	sdelay $0x1  }
0x1e1: {  	[tilespmem:s20+$0x1E0] =	vst v1  }
0x1e2: {  	v1 =	vld [tilespmem:s30+$0x18AF0]  }
0x1e3: {  	v2 =	vld [tilespmem:s30+$0x192F0];
	_ =	sdelay $0x6  }
0x1e4: {  	v1 =	vld.idx.msk [tilespmem:v1+s31+$0x0], $0xffff  }
0x1e5: {  	v2 =	vld.idx.msk [tilespmem:v2+s31+$0x0], $0xffff;
	_ =	sdelay $0x1  }
0x1e6: {  	s23 =	sadd.s32 $0x400, s23  }
0x1e7: {  	p0 =	sne.s32 s23, $0x6400  }
.Ltmp0:
0x1e8: {  	_ = 	snop;
	(pc) =	sbr.rel @p0 .LBB2_2-.Ltmp0, $3  }
0x1e9: {  	v1 =	vand.u32 v0, v1;
	v2 =	vshll.u32 v2, $0x10  }
0x1ea: {  	v1 =	vadd.f32 v2, v1;
	_ =	sdelay $0x1  }
0x1eb: {  	s21 =	sadd.s32 $0x80, s21;
	s22 =	sadd.s32 $0x80, s22;
	[tilespmem:s20+$0x1F0] =	vst v1;
	s20 =	sadd.s32 $0x400, s20  }
0x1ec: {  	s20 =	simm.s32 $0x0  }
0x1ed: {  	v0 =	vld [tilespmem:s20+$0x19700]  }
0x1ee: {  	v1 =	vld [tilespmem:s20+$0x19710]  }
0x1ef: {  	v8 =	vld [tilespmem:s20+$0x19720]  }
0x1f0: {  	v4 =	vimm.f32 $0.0e+00;
	v9 =	vld [tilespmem:s20+$0x19730]  }
0x1f1: {  	v6 =	vimm.f32 $0.0e+00;
	v7 =	vimm.f32 $0.0e+00;
	v5 =	vimm.f32 $0.0e+00;
	v10 =	vld [tilespmem:s20+$0x19740]  }
0x1f2: {  	v3 =	vimm.f32 $0.0e+00;
	v2 =	vimm.f32 $0.0e+00;
	v11 =	vld [tilespmem:s20+$0x19750];
	v13 =	vmul.f32 $1.442695020e+00, v0  }
0x1f3: {  	s21 =	simm.s32 $0x200;
	v12 =	vld [tilespmem:s20+$0x19760];
	v14 =	vmul.f32 $1.442695020e+00, v1;
	v1 =	vimm.f32 $0.0e+00;
	v0 =	vimm.f32 $0.0e+00  }
.LBB2_4:
0x1f4: {  	p0 =	sne.s32 s21, $0x18E00;
	v8 =	vmul.f32 $1.442695020e+00, v8;
	v15 =	vld [tilespmem:s20+$0x19770];
	(erf) = vpow2.f32 v13  }
0x1f5: {  	v9 =	vmul.f32 $1.442695020e+00, v9;
	(erf) = vpow2.f32 v14  }
0x1f6: {  	v10 =	vmul.f32 $1.442695020e+00, v10;
	(erf) = vpow2.f32 v8  }
0x1f7: {  	v8 =	vmul.f32 $1.442695020e+00, v11;
	(erf) = vpow2.f32 v9  }
0x1f8: {  	v9 =	vmul.f32 $1.442695020e+00, v12;
	(erf) = vpow2.f32 v10  }
0x1f9: {  	v10 =	vmul.f32 $1.442695020e+00, v15;
	(erf) = vpow2.f32 v8  }
0x1fa: {  	(erf) = vpow2.f32 v9  }
0x1fb: {  	(erf) = vpow2.f32 v10;
	_ =	sdelay $0x1  }
0x1fc: {  	v8 =	vpop (erf)  }
0x1fd: {  	s22 =	sshra.s32 s21, $0x2;
	[tilespmem:s20+$0x19700] =	vst v8;
	v4 =	vadd.f32 v8, v4;
	v8 =	vpop (erf)  }
0x1fe: {  	v11 =	vld [tilespmem:s22+$0x19700];
	[tilespmem:s20+$0x19710] =	vst v8;
	v6 =	vadd.f32 v8, v6;
	v8 =	vpop (erf)  }
0x1ff: {  	v12 =	vld [tilespmem:s22+$0x19710];
	[tilespmem:s20+$0x19720] =	vst v8;
	v7 =	vadd.f32 v8, v7;
	v9 =	vpop (erf)  }
.Ltmp1:
0x200: {  	v8 =	vld [tilespmem:s22+$0x19720];
	[tilespmem:s20+$0x19730] =	vst v9;
	v5 =	vadd.f32 v9, v5;
	v10 =	vpop (erf);
	(pc) =	sbr.rel @p0 .LBB2_4-.Ltmp1, $4  }
0x201: {  	v9 =	vld [tilespmem:s22+$0x19730];
	[tilespmem:s20+$0x19740] =	vst v10;
	v3 =	vadd.f32 v10, v3;
	v13 =	vpop (erf)  }
0x202: {  	v10 =	vld [tilespmem:s22+$0x19740];
	[tilespmem:s20+$0x19750] =	vst v13;
	v2 =	vadd.f32 v13, v2;
	v14 =	vpop (erf)  }
0x203: {  	v13 =	vmul.f32 $1.442695020e+00, v11;
	v11 =	vld [tilespmem:s22+$0x19750];
	[tilespmem:s20+$0x19760] =	vst v14;
	v1 =	vadd.f32 v14, v1;
	v15 =	vpop (erf)  }
0x204: {  	s21 =	sadd.s32 $0x200, s21;
	v14 =	vmul.f32 $1.442695020e+00, v12;
	v12 =	vld [tilespmem:s22+$0x19760];
	[tilespmem:s20+$0x19770] =	vst v15;
	v0 =	vadd.f32 v15, v0;
	s20 =	smov.u32 s22  }
0x205: {  	v8 =	vmul.f32 $1.442695020e+00, v8;
	(erf) = vpow2.f32 v13  }
0x206: {  	v15 =	vld [tilespmem:s20+$0x19770];
	v9 =	vmul.f32 $1.442695020e+00, v9;
	(erf) = vpow2.f32 v14  }
0x207: {  	(erf) = vpow2.f32 v8  }
0x208: {  	v10 =	vmul.f32 $1.442695020e+00, v10;
	(erf) = vpow2.f32 v9  }
0x209: {  	v8 =	vmul.f32 $1.442695020e+00, v11  }
0x20a: {  	v9 =	vmul.f32 $1.442695020e+00, v12;
	(erf) = vpow2.f32 v10  }
0x20b: {  	v10 =	vmul.f32 $1.442695020e+00, v15;
	(erf) = vpow2.f32 v8  }
0x20c: {  	(erf) = vpow2.f32 v9  }
0x20d: {  	(erf) = vpow2.f32 v10  }
0x20e: {  	v8 =	vpop (erf)  }
0x20f: {  	v9 =	vpop (erf)  }
0x210: {  	v4 =	vadd.f32 v8, v4;
	v6 =	vadd.f32 v9, v6;
	v10 =	vpop (erf)  }
0x211: {  	v7 =	vadd.f32 v10, v7;
	v11 =	vpop (erf)  }
0x212: {  	(erf) = vrcp.f32 v4;
	v4 =	vadd.f32 v11, v5  }
0x213: {  	v5 =	vpop (erf);
	(erf) = vrcp.f32 v6  }
0x214: {  	[tilespmem:s20+$0x19700] =	vst v8;
	v3 =	vadd.f32 v5, v3;
	(erf) = vrcp.f32 v7;
	v6 =	vpop (erf)  }
0x215: {  	[tilespmem:s20+$0x19710] =	vst v9;
	(erf) = vrcp.f32 v4;
	v2 =	vadd.f32 v6, v2;
	v7 =	vpop (erf)  }
0x216: {  	[tilespmem:s20+$0x19720] =	vst v10;
	(erf) = vrcp.f32 v3;
	v1 =	vadd.f32 v7, v1;
	v4 =	vpop (erf)  }
0x217: {  	[tilespmem:s20+$0x19730] =	vst v11;
	v0 =	vadd.f32 v4, v0;
	(erf) = vrcp.f32 v2  }
0x218: {  	[tilespmem:s20+$0x19740] =	vst v5;
	(erf) = vrcp.f32 v1  }
0x219: {  	[tilespmem:s20+$0x19750] =	vst v6;
	(erf) = vrcp.f32 v0  }
0x21a: {  	[tilespmem:s20+$0x19760] =	vst v7  }
0x21b: {  	[tilespmem:s20+$0x19770] =	vst v4;
	s20 =	simm.s32 $0x0;
	v0 =	vpop (erf)  }
0x21c: {  	v12 =	vld [tilespmem:s20+$0x19700];
	v7 =	vpop (erf)  }
0x21d: {  	v13 =	vld [tilespmem:s20+$0x19710];
	v6 =	vpop (erf)  }
0x21e: {  	v11 =	vld [tilespmem:s20+$0x19720];
	v1 =	vpop (erf)  }
0x21f: {  	v8 =	vld [tilespmem:s20+$0x19730];
	v2 =	vpop (erf)  }
0x220: {  	v9 =	vld [tilespmem:s20+$0x19740];
	v3 =	vpop (erf)  }
0x221: {  	v10 =	vld [tilespmem:s20+$0x19750];
	v14 =	vmul.f32 v12, v0;
	v4 =	vpop (erf)  }
0x222: {  	s21 =	simm.s32 $0x200;
	v13 =	vmul.f32 v13, v7;
	v12 =	vld [tilespmem:s20+$0x19760];
	v5 =	vpop (erf)  }
.LBB2_6:
0x223: {  	s22 =	sshra.s32 s21, $0x2;
	p0 =	sne.s32 s21, $0x18E00;
	[tilespmem:s20+$0x19700] =	vst v14;
	v11 =	vmul.f32 v11, v6;
	v14 =	vld [tilespmem:s20+$0x19770]  }
0x224: {  	v15 =	vld [tilespmem:s22+$0x19700];
	[tilespmem:s20+$0x19710] =	vst v13;
	v8 =	vmul.f32 v8, v1  }
0x225: {  	v13 =	vld [tilespmem:s22+$0x19710];
	[tilespmem:s20+$0x19720] =	vst v11;
	v9 =	vmul.f32 v9, v2  }
.Ltmp2:
0x226: {  	v11 =	vld [tilespmem:s22+$0x19720];
	[tilespmem:s20+$0x19730] =	vst v8;
	v10 =	vmul.f32 v10, v3;
	(pc) =	sbr.rel @p0 .LBB2_6-.Ltmp2, $4  }
0x227: {  	v8 =	vld [tilespmem:s22+$0x19730];
	[tilespmem:s20+$0x19740] =	vst v9;
	v12 =	vmul.f32 v12, v4  }
0x228: {  	v9 =	vld [tilespmem:s22+$0x19740];
	[tilespmem:s20+$0x19750] =	vst v10;
	v16 =	vmul.f32 v14, v5  }
0x229: {  	v14 =	vmul.f32 v15, v0;
	v10 =	vld [tilespmem:s22+$0x19750];
	[tilespmem:s20+$0x19760] =	vst v12  }
0x22a: {  	s21 =	sadd.s32 $0x200, s21;
	v13 =	vmul.f32 v13, v7;
	v12 =	vld [tilespmem:s22+$0x19760];
	[tilespmem:s20+$0x19770] =	vst v16;
	s20 =	smov.u32 s22  }
0x22b: {  	[tilespmem:s20+$0x19700] =	vst v14;
	v0 =	vmul.f32 v11, v6;
	v59 =	vld [tilespmem:s20+$0x19770]  }
0x22c: {  	[tilespmem:s20+$0x19710] =	vst v13;
	v1 =	vmul.f32 v8, v1  }
0x22d: {  	[tilespmem:s20+$0x19720] =	vst v0;
	v60 =	vmul.f32 v9, v2  }
0x22e: {  	[tilespmem:s20+$0x19730] =	vst v1;
	v61 =	vmul.f32 v10, v3  }
0x22f: {  	[tilespmem:s20+$0x19740] =	vst v60;
	v62 =	vmul.f32 v12, v4  }
0x230: {  	s19 =	sadd.s32 $0x1, s19;
	[tilespmem:s20+$0x19750] =	vst v61;
	v63 =	vmul.f32 v59, v5  }
0x231: {  	p0 =	sne.s32 s19, s8;
	[tilespmem:s20+$0x19760] =	vst v62  }
.Ltmp3:
0x232: {  	[tilespmem:s20+$0x19770] =	vst v63;
	(pc) =	sbr.rel @p0 .LBB2_1-.Ltmp3, $4  }
0x233: {  	[hbm4b:s7+s2] =	stream.linear.scatter [tilespmem:s18], [sflag:$0x4], $0x6400, $0x38;
	[tilespmem:$0x1FB80] =	vst v63  }
0x234: {  	_ =	swait.ge [sflag:s12], $0x6400  }
0x235: {  	[sflag:s12] =	ssyncset.done $0x0  }
0x236: {  	[sflag:s12] =	ssyncadd.s32 $0xFFFF9C00  }
0x237: {  	_ =	sfence.sel $0x180000  }
0x238: {  	[bflag:$0x0] =	sbarrier.arrive $0xFFFF  }
0x239: {  	p0 =	sne.s32 s0, $0x0;
	_ =	strace $0x90000047  }
0x23a: {  	s0 =	sadd.s32 @!p0 $0x100000, s1;
	[bflag:$0x2] =	sbarrier.arrive $0xFFFF  }
0x23b: {  	[sflag:s0] =	ssyncadd.tile.s32 @!p0 $0x1;
	_ =	shalt  }
.Lfunc_end2:
_tile_overlayer_lowered:
.L_overlay_start_2:
0x23c: {  	(tag) =	ssettag $0x2  }
0x23d: {  	s0 =	rddreg [dreg:$0x0];
	s2 =	stileid.u32  }
0x23e: {  	s1 =	rddreg [dreg:$0x1];
	p0 =	sne.s32 s2, $0x0  }
0x23f: {  	s3 =	rddreg [dreg:$0x2];
	[bflag:$0x3] =	sbarrier.arrive $0xFFFF;
	s2 =	simm.s32 @!p0 $0x1C04  }
0x240: {  	[timem:s3], [sflag:s2] =	dma.local @!p0 [hbm:s0], s1  }
0x241: {  	s0 =	simm.s32 @!p0 $0x4  }
0x242: {  	_ =	swait.ge @!p0 [sflag:s0], s1  }
0x243: {  	s1 =	ssub.s32 @!p0 $0x0, s1;
	[sflag:s0] =	ssyncset.done @!p0 $0x0  }
0x244: {  	[sflag:s0] =	ssyncadd.s32 @!p0 s1  }
0x245: {  	[bflag:$0x3] =	sbarrier.arrive $0xFFFF  }
0x246: {  	_ =	shalt  }

</sc_bundles>
